<compile_context>
chip_gen: v7x
topology: tpu7x:2x2x1
jax: 0.10.2.dev20260603
libtpu: 0.0.44.dev20260713+nightly
codegen_flags: <defaults>
</compile_context>

<pallas_src>
import jax
import jax.numpy as jnp
from jax import lax
from jax.experimental import pallas as pl
from jax.experimental.pallas import tpu as pltpu
from jax.experimental.pallas import tpu_sc as plsc

D_MODEL = 1024
SEQ_LEN = 2048
BATCH = 4
SCALE = 32.0

NC, NS, L = 2, 16, 16
NW = NC * NS
NROWS = SEQ_LEN * BATCH
ROWS_PER_W = NROWS // NW
CHUNK = 8
SEQ_PER_CHUNK = CHUNK // BATCH
NCHUNK = ROWS_PER_W // CHUNK
SEQ_PER_W = ROWS_PER_W // BATCH
PE_QUARTER = SEQ_PER_W // 4
NGBUF = 4
NOBUF = 2
KITER = NCHUNK // NGBUF


def _body(idx_hbm, pe_hbm, table_hbm, out_hbm, idx_v, pe_v,
          g0, g1, g2, g3, o0, o1, gs0, gs1, gs2, gs3, os0, os1, psem):
    wid = lax.axis_index("s") * NC + lax.axis_index("c")
    base = wid * ROWS_PER_W
    seq_base = wid * SEQ_PER_W
    pltpu.sync_copy(idx_hbm.at[pl.ds(base, ROWS_PER_W)], idx_v)
    pltpu.async_copy(
        pe_hbm.at[pl.ds(seq_base, PE_QUARTER)], pe_v.at[pl.ds(0, PE_QUARTER)],
        psem)

    gbufs = (g0, g1, g2, g3)
    obufs = (o0, o1)
    gsems = (gs0, gs1, gs2, gs3)
    osems = (os0, os1)

    def start_gather(c, i):
        pltpu.async_copy(
            table_hbm.at[idx_v.at[pl.ds(c * CHUNK, CHUNK)]], gbufs[i], gsems[i])

    def start_out(c, j):
        pltpu.async_copy(
            obufs[j],
            out_hbm.at[pl.ds(seq_base + c * SEQ_PER_CHUNK, SEQ_PER_CHUNK)],
            osems[j])

    def drain_gather(i):
        pltpu.make_async_copy(
            table_hbm.at[pl.ds(0, CHUNK)], gbufs[i], gsems[i]).wait()

    def drain_out(j):
        pltpu.make_async_copy(
            out_hbm.at[pl.ds(0, SEQ_PER_CHUNK)], obufs[j], osems[j]).wait()

    def compute(c, i, j):
        gbuf = gbufs[i]
        obuf = obufs[j]

        @plsc.parallel_loop(0, D_MODEL, step=L, unroll=16)
        def _(col0):
            col = pl.ds(pl.multiple_of(col0, L), L)
            for g in range(SEQ_PER_CHUNK):
                pv = pe_v[c * SEQ_PER_CHUNK + g, 0, col]
                for r in range(BATCH):
                    obuf[g, r, col] = gbuf[g * BATCH + r, col] * SCALE + pv

    def drain_pe():
        pltpu.make_async_copy(
            pe_hbm.at[pl.ds(0, PE_QUARTER)],
            pe_v.at[pl.ds(0, PE_QUARTER)], psem).wait()

    for i in range(NGBUF):
        start_gather(i, i)
    for q in range(1, 4):
        pltpu.async_copy(
            pe_hbm.at[pl.ds(seq_base + q * PE_QUARTER, PE_QUARTER)],
            pe_v.at[pl.ds(q * PE_QUARTER, PE_QUARTER)], psem)
    drain_pe()

    def kbody(k, carry):
        @pl.when(jnp.logical_and(k > 0, lax.rem(k, 2) == 0))
        def _():
            drain_pe()

        for i in range(NGBUF):
            c = NGBUF * k + i
            j = i % NOBUF
            drain_gather(i)

            if i < NOBUF:
                @pl.when(k > 0)
                def _():
                    drain_out(j)
            else:
                drain_out(j)

            compute(c, i, j)
            start_out(c, j)

            @pl.when(k < KITER - 1)
            def _():
                start_gather(c + NGBUF, i)
        return carry

    lax.fori_loop(0, KITER, kbody, 0)
    for j in range(NOBUF):
        drain_out(j)


_mesh = plsc.VectorSubcoreMesh(core_axis_name="c", subcore_axis_name="s")

_emb = pl.kernel(
    _body,
    mesh=_mesh,
    out_type=jax.ShapeDtypeStruct((SEQ_LEN, BATCH, D_MODEL), jnp.float32),
    scratch_types=[
        pltpu.VMEM((ROWS_PER_W,), jnp.int32),
        pltpu.VMEM((SEQ_PER_W, 1, D_MODEL), jnp.float32),
        pltpu.VMEM((CHUNK, D_MODEL), jnp.float32),
        pltpu.VMEM((CHUNK, D_MODEL), jnp.float32),
        pltpu.VMEM((CHUNK, D_MODEL), jnp.float32),
        pltpu.VMEM((CHUNK, D_MODEL), jnp.float32),
        pltpu.VMEM((SEQ_PER_CHUNK, BATCH, D_MODEL), jnp.float32),
        pltpu.VMEM((SEQ_PER_CHUNK, BATCH, D_MODEL), jnp.float32),
        pltpu.SemaphoreType.DMA,
        pltpu.SemaphoreType.DMA,
        pltpu.SemaphoreType.DMA,
        pltpu.SemaphoreType.DMA,
        pltpu.SemaphoreType.DMA,
        pltpu.SemaphoreType.DMA,
        pltpu.SemaphoreType.DMA,
    ],
)


def kernel(x, table, pe):
    idx = x.reshape(-1).astype(jnp.int32)
    return _emb(idx, pe, table)

# --- scband reference (transcript-rebuilt; emitter-appended) ---
"""Pipeline reference for scband-embeddings-with-positional-encoding-6975026889400 (READ-ONLY COPY).

The authoritative reference and input builder live on the scoring server;
editing this copy changes nothing except your own understanding.
"""

import math
import jax, jax.numpy as jnp
import numpy as np

D_MODEL = 1024
N_VOCAB = 100000
MAX_LEN = 4096
SEQ_LEN = 2048
BATCH = 4


def get_positional_encoding(d_model, max_len):
    pe = np.zeros((max_len, 1, d_model), dtype=np.float32)
    position = np.arange(0, max_len, dtype=np.float32)[:, None]
    div_term = np.exp(np.arange(0, d_model, 2, dtype=np.float32) * -(math.log(10000.0) / d_model))
    pe[:, 0, 0::2] = np.sin(position * div_term)
    pe[:, 0, 1::2] = np.cos(position * div_term)
    return jnp.asarray(pe)


def setup_inputs(seed: int = 0) -> dict:
    key = jax.random.key(seed)
    k1, k2 = jax.random.split(key)
    x = jax.random.randint(k1, (SEQ_LEN, BATCH), 0, N_VOCAB, dtype=jnp.int64 if jax.config.read('jax_enable_x64') else jnp.int32)
    # nn.Embedding default init: N(0, 1)
    table = jax.random.normal(k2, (N_VOCAB, D_MODEL), dtype=jnp.float32)
    pe = get_positional_encoding(D_MODEL, MAX_LEN)
    return {"x": x, "table": table, "pe": pe}


def reference(x, table, pe):
    # embedding lookup (gather) -> maps to SparseCore
    emb = jnp.take(table, x, axis=0)  # [seq_len, batch, d_model]
    pe_slice = pe[: x.shape[0]]       # [seq_len, 1, d_model], broadcast over batch
    return emb * math.sqrt(D_MODEL) + pe_slice

if __name__ == "__main__":
    import jax
    _d = setup_inputs()
    print(jax.jit(kernel)(*tuple(_d.values())))

</pallas_src>

<mosaic_0001>
#map = affine_map<(d0, d1) -> (0)>
#map1 = affine_map<(d0, d1) -> (0, 0, 0)>
#map2 = affine_map<(d0, d1) -> (0, 0)>
module attributes {stable_mosaic.version = 14 : i64} {
  func.func @_body(%arg0: i32, %arg1: i32, %arg2: memref<8192xi32, #tpu.memory_space<hbm>>, %arg3: memref<4096x1x1024xf32, #tpu.memory_space<hbm>>, %arg4: memref<100000x1024xf32, #tpu.memory_space<hbm>>, %arg5: memref<2048x4x1024xf32, #tpu.memory_space<hbm>>, %arg6: memref<256xi32, #tpu.memory_space<vmem>>, %arg7: memref<64x1x1024xf32, #tpu.memory_space<vmem>>, %arg8: memref<8x1024xf32, #tpu.memory_space<vmem>>, %arg9: memref<8x1024xf32, #tpu.memory_space<vmem>>, %arg10: memref<8x1024xf32, #tpu.memory_space<vmem>>, %arg11: memref<8x1024xf32, #tpu.memory_space<vmem>>, %arg12: memref<2x4x1024xf32, #tpu.memory_space<vmem>>, %arg13: memref<2x4x1024xf32, #tpu.memory_space<vmem>>, %arg14: memref<!tpu.dma_semaphore, #tpu.memory_space<semaphore_mem>>, %arg15: memref<!tpu.dma_semaphore, #tpu.memory_space<semaphore_mem>>, %arg16: memref<!tpu.dma_semaphore, #tpu.memory_space<semaphore_mem>>, %arg17: memref<!tpu.dma_semaphore, #tpu.memory_space<semaphore_mem>>, %arg18: memref<!tpu.dma_semaphore, #tpu.memory_space<semaphore_mem>>, %arg19: memref<!tpu.dma_semaphore, #tpu.memory_space<semaphore_mem>>, %arg20: memref<!tpu.dma_semaphore, #tpu.memory_space<semaphore_mem>>) attributes {dimension_semantics = [#tpu.dimension_semantics<core_parallel>, #tpu.dimension_semantics<subcore_parallel>], iteration_bounds = array<i64: 2, 16>, scalar_prefetch = 0 : i64, scratch_operands = 15 : i64, tpu.core_type = #tpu.core_type<sc_vector_subcore>, window_params = [{transform_indices = #map}, {transform_indices = #map1}, {transform_indices = #map2}, {transform_indices = #map1}]} {
    %mul3A = arith.constant 2 : i32
    %mul3A_0 = arith.muli %arg1, %mul3A : i32
    %add3A = arith.addi %mul3A_0, %arg0 : i32
    %mul3A_1 = arith.constant 256 : i32
    %mul3A_2 = arith.muli %add3A, %mul3A_1 : i32
    %mul3A_3 = arith.constant 64 : i32
    %mul3A_4 = arith.muli %add3A, %mul3A_3 : i32
    "tpu.region"() ({
      %run_scoped3A = tpu.sem_alloc : memref<!tpu.dma_semaphore, #tpu.memory_space<semaphore_mem>>
      %dma_start3A_122 = tpu.memref_slice %arg2[%mul3A_2] : memref<8192xi32, #tpu.memory_space<hbm>> -> memref<256xi32, #tpu.memory_space<hbm>>
      %dma_start3A_123 = tpu.memref_slice %arg2[%mul3A_2] : memref<8192xi32, #tpu.memory_space<hbm>> -> memref<256xi32, #tpu.memory_space<hbm>>
      tpu.enqueue_dma source(%dma_start3A_123 : memref<256xi32, #tpu.memory_space<hbm>>) target(%arg6 : memref<256xi32, #tpu.memory_space<vmem>>) target_semaphore(%run_scoped3A : memref<!tpu.dma_semaphore, #tpu.memory_space<semaphore_mem>>)
      %dma_wait3A_124 = tpu.memref_slice %arg2[%mul3A_2] : memref<8192xi32, #tpu.memory_space<hbm>> -> memref<256xi32, #tpu.memory_space<hbm>>
      %dma_wait3A_125 = tpu.memref_slice %arg2[%mul3A_2] : memref<8192xi32, #tpu.memory_space<hbm>> -> memref<256xi32, #tpu.memory_space<hbm>>
      tpu.wait_dma2 semaphore(%run_scoped3A : memref<!tpu.dma_semaphore, #tpu.memory_space<semaphore_mem>>) src(%dma_wait3A_125 : memref<256xi32, #tpu.memory_space<hbm>>) dst(%arg6 : memref<256xi32, #tpu.memory_space<vmem>>)
      tpu.yield
    }) : () -> ()
    %dma_start3A = arith.constant 0 : i32
    %dma_start3A_5 = arith.constant 0 : i32
    %dma_start3A_6 = arith.constant 0 : i32
    %dma_start3A_7 = tpu.memref_slice %arg7[%dma_start3A, %dma_start3A_5, %dma_start3A_6] : memref<64x1x1024xf32, #tpu.memory_space<vmem>> -> memref<16x1x1024xf32, #tpu.memory_space<vmem>>
    %dma_start3A_8 = arith.constant 0 : i32
    %dma_start3A_9 = arith.constant 0 : i32
    %dma_start3A_10 = tpu.memref_slice %arg3[%mul3A_4, %dma_start3A_8, %dma_start3A_9] : memref<4096x1x1024xf32, #tpu.memory_space<hbm>> -> memref<16x1x1024xf32, #tpu.memory_space<hbm>>
    %dma_start3A_11 = arith.constant 0 : i32
    %dma_start3A_12 = arith.constant 0 : i32
    %dma_start3A_13 = arith.constant 0 : i32
    %dma_start3A_14 = tpu.memref_slice %arg7[%dma_start3A_11, %dma_start3A_12, %dma_start3A_13] : memref<64x1x1024xf32, #tpu.memory_space<vmem>> -> memref<16x1x1024xf32, #tpu.memory_space<vmem>>
    %dma_start3A_15 = arith.constant 0 : i32
    %dma_start3A_16 = arith.constant 0 : i32
    %dma_start3A_17 = tpu.memref_slice %arg3[%mul3A_4, %dma_start3A_15, %dma_start3A_16] : memref<4096x1x1024xf32, #tpu.memory_space<hbm>> -> memref<16x1x1024xf32, #tpu.memory_space<hbm>>
    tpu.enqueue_dma source(%dma_start3A_17 : memref<16x1x1024xf32, #tpu.memory_space<hbm>>) target(%dma_start3A_14 : memref<16x1x1024xf32, #tpu.memory_space<vmem>>) target_semaphore(%arg20 : memref<!tpu.dma_semaphore, #tpu.memory_space<semaphore_mem>>)
    %dma_start3A_18 = arith.constant 0 : i32
    %dma_start3A_19 = tpu.memref_slice %arg6[%dma_start3A_18] : memref<256xi32, #tpu.memory_space<vmem>> -> memref<8xi32, #tpu.memory_space<vmem>>
    %dma_start3A_20 = arith.constant 0 : i32
    %dma_start3A_21 = arith.constant 0 : i32
    %dma_start3A_22 = tpu.memref_slice %arg4[%dma_start3A_20, %dma_start3A_21] : memref<100000x1024xf32, #tpu.memory_space<hbm>> -> memref<100000x1024xf32, #tpu.memory_space<hbm>>
    tpu.enqueue_indirect_dma source(%dma_start3A_22 : memref<100000x1024xf32, #tpu.memory_space<hbm>>) target(%arg8 : memref<8x1024xf32, #tpu.memory_space<vmem>>) offsets(%dma_start3A_19 : memref<8xi32, #tpu.memory_space<vmem>>) semaphore(%arg14 : memref<!tpu.dma_semaphore, #tpu.memory_space<semaphore_mem>>)
    %dma_start3A_23 = arith.constant 8 : i32
    %dma_start3A_24 = tpu.memref_slice %arg6[%dma_start3A_23] : memref<256xi32, #tpu.memory_space<vmem>> -> memref<8xi32, #tpu.memory_space<vmem>>
    %dma_start3A_25 = arith.constant 0 : i32
    %dma_start3A_26 = arith.constant 0 : i32
    %dma_start3A_27 = tpu.memref_slice %arg4[%dma_start3A_25, %dma_start3A_26] : memref<100000x1024xf32, #tpu.memory_space<hbm>> -> memref<100000x1024xf32, #tpu.memory_space<hbm>>
    tpu.enqueue_indirect_dma source(%dma_start3A_27 : memref<100000x1024xf32, #tpu.memory_space<hbm>>) target(%arg9 : memref<8x1024xf32, #tpu.memory_space<vmem>>) offsets(%dma_start3A_24 : memref<8xi32, #tpu.memory_space<vmem>>) semaphore(%arg15 : memref<!tpu.dma_semaphore, #tpu.memory_space<semaphore_mem>>)
    %dma_start3A_28 = arith.constant 16 : i32
    %dma_start3A_29 = tpu.memref_slice %arg6[%dma_start3A_28] : memref<256xi32, #tpu.memory_space<vmem>> -> memref<8xi32, #tpu.memory_space<vmem>>
    %dma_start3A_30 = arith.constant 0 : i32
    %dma_start3A_31 = arith.constant 0 : i32
    %dma_start3A_32 = tpu.memref_slice %arg4[%dma_start3A_30, %dma_start3A_31] : memref<100000x1024xf32, #tpu.memory_space<hbm>> -> memref<100000x1024xf32, #tpu.memory_space<hbm>>
    tpu.enqueue_indirect_dma source(%dma_start3A_32 : memref<100000x1024xf32, #tpu.memory_space<hbm>>) target(%arg10 : memref<8x1024xf32, #tpu.memory_space<vmem>>) offsets(%dma_start3A_29 : memref<8xi32, #tpu.memory_space<vmem>>) semaphore(%arg16 : memref<!tpu.dma_semaphore, #tpu.memory_space<semaphore_mem>>)
    %dma_start3A_33 = arith.constant 24 : i32
    %dma_start3A_34 = tpu.memref_slice %arg6[%dma_start3A_33] : memref<256xi32, #tpu.memory_space<vmem>> -> memref<8xi32, #tpu.memory_space<vmem>>
    %dma_start3A_35 = arith.constant 0 : i32
    %dma_start3A_36 = arith.constant 0 : i32
    %dma_start3A_37 = tpu.memref_slice %arg4[%dma_start3A_35, %dma_start3A_36] : memref<100000x1024xf32, #tpu.memory_space<hbm>> -> memref<100000x1024xf32, #tpu.memory_space<hbm>>
    tpu.enqueue_indirect_dma source(%dma_start3A_37 : memref<100000x1024xf32, #tpu.memory_space<hbm>>) target(%arg11 : memref<8x1024xf32, #tpu.memory_space<vmem>>) offsets(%dma_start3A_34 : memref<8xi32, #tpu.memory_space<vmem>>) semaphore(%arg17 : memref<!tpu.dma_semaphore, #tpu.memory_space<semaphore_mem>>)
    %add3A_38 = arith.constant 16 : i32
    %add3A_39 = arith.addi %mul3A_4, %add3A_38 : i32
    %dma_start3A_40 = arith.constant 16 : i32
    %dma_start3A_41 = arith.constant 0 : i32
    %dma_start3A_42 = arith.constant 0 : i32
    %dma_start3A_43 = tpu.memref_slice %arg7[%dma_start3A_40, %dma_start3A_41, %dma_start3A_42] : memref<64x1x1024xf32, #tpu.memory_space<vmem>> -> memref<16x1x1024xf32, #tpu.memory_space<vmem>>
    %dma_start3A_44 = arith.constant 0 : i32
    %dma_start3A_45 = arith.constant 0 : i32
    %dma_start3A_46 = tpu.memref_slice %arg3[%add3A_39, %dma_start3A_44, %dma_start3A_45] : memref<4096x1x1024xf32, #tpu.memory_space<hbm>> -> memref<16x1x1024xf32, #tpu.memory_space<hbm>>
    %dma_start3A_47 = arith.constant 16 : i32
    %dma_start3A_48 = arith.constant 0 : i32
    %dma_start3A_49 = arith.constant 0 : i32
    %dma_start3A_50 = tpu.memref_slice %arg7[%dma_start3A_47, %dma_start3A_48, %dma_start3A_49] : memref<64x1x1024xf32, #tpu.memory_space<vmem>> -> memref<16x1x1024xf32, #tpu.memory_space<vmem>>
    %dma_start3A_51 = arith.constant 0 : i32
    %dma_start3A_52 = arith.constant 0 : i32
    %dma_start3A_53 = tpu.memref_slice %arg3[%add3A_39, %dma_start3A_51, %dma_start3A_52] : memref<4096x1x1024xf32, #tpu.memory_space<hbm>> -> memref<16x1x1024xf32, #tpu.memory_space<hbm>>
    tpu.enqueue_dma source(%dma_start3A_53 : memref<16x1x1024xf32, #tpu.memory_space<hbm>>) target(%dma_start3A_50 : memref<16x1x1024xf32, #tpu.memory_space<vmem>>) target_semaphore(%arg20 : memref<!tpu.dma_semaphore, #tpu.memory_space<semaphore_mem>>)
    %add3A_54 = arith.constant 32 : i32
    %add3A_55 = arith.addi %mul3A_4, %add3A_54 : i32
    %dma_start3A_56 = arith.constant 32 : i32
    %dma_start3A_57 = arith.constant 0 : i32
    %dma_start3A_58 = arith.constant 0 : i32
    %dma_start3A_59 = tpu.memref_slice %arg7[%dma_start3A_56, %dma_start3A_57, %dma_start3A_58] : memref<64x1x1024xf32, #tpu.memory_space<vmem>> -> memref<16x1x1024xf32, #tpu.memory_space<vmem>>
    %dma_start3A_60 = arith.constant 0 : i32
    %dma_start3A_61 = arith.constant 0 : i32
    %dma_start3A_62 = tpu.memref_slice %arg3[%add3A_55, %dma_start3A_60, %dma_start3A_61] : memref<4096x1x1024xf32, #tpu.memory_space<hbm>> -> memref<16x1x1024xf32, #tpu.memory_space<hbm>>
    %dma_start3A_63 = arith.constant 32 : i32
    %dma_start3A_64 = arith.constant 0 : i32
    %dma_start3A_65 = arith.constant 0 : i32
    %dma_start3A_66 = tpu.memref_slice %arg7[%dma_start3A_63, %dma_start3A_64, %dma_start3A_65] : memref<64x1x1024xf32, #tpu.memory_space<vmem>> -> memref<16x1x1024xf32, #tpu.memory_space<vmem>>
    %dma_start3A_67 = arith.constant 0 : i32
    %dma_start3A_68 = arith.constant 0 : i32
    %dma_start3A_69 = tpu.memref_slice %arg3[%add3A_55, %dma_start3A_67, %dma_start3A_68] : memref<4096x1x1024xf32, #tpu.memory_space<hbm>> -> memref<16x1x1024xf32, #tpu.memory_space<hbm>>
    tpu.enqueue_dma source(%dma_start3A_69 : memref<16x1x1024xf32, #tpu.memory_space<hbm>>) target(%dma_start3A_66 : memref<16x1x1024xf32, #tpu.memory_space<vmem>>) target_semaphore(%arg20 : memref<!tpu.dma_semaphore, #tpu.memory_space<semaphore_mem>>)
    %add3A_70 = arith.constant 48 : i32
    %add3A_71 = arith.addi %mul3A_4, %add3A_70 : i32
    %dma_start3A_72 = arith.constant 48 : i32
    %dma_start3A_73 = arith.constant 0 : i32
    %dma_start3A_74 = arith.constant 0 : i32
    %dma_start3A_75 = tpu.memref_slice %arg7[%dma_start3A_72, %dma_start3A_73, %dma_start3A_74] : memref<64x1x1024xf32, #tpu.memory_space<vmem>> -> memref<16x1x1024xf32, #tpu.memory_space<vmem>>
    %dma_start3A_76 = arith.constant 0 : i32
    %dma_start3A_77 = arith.constant 0 : i32
    %dma_start3A_78 = tpu.memref_slice %arg3[%add3A_71, %dma_start3A_76, %dma_start3A_77] : memref<4096x1x1024xf32, #tpu.memory_space<hbm>> -> memref<16x1x1024xf32, #tpu.memory_space<hbm>>
    %dma_start3A_79 = arith.constant 48 : i32
    %dma_start3A_80 = arith.constant 0 : i32
    %dma_start3A_81 = arith.constant 0 : i32
    %dma_start3A_82 = tpu.memref_slice %arg7[%dma_start3A_79, %dma_start3A_80, %dma_start3A_81] : memref<64x1x1024xf32, #tpu.memory_space<vmem>> -> memref<16x1x1024xf32, #tpu.memory_space<vmem>>
    %dma_start3A_83 = arith.constant 0 : i32
    %dma_start3A_84 = arith.constant 0 : i32
    %dma_start3A_85 = tpu.memref_slice %arg3[%add3A_71, %dma_start3A_83, %dma_start3A_84] : memref<4096x1x1024xf32, #tpu.memory_space<hbm>> -> memref<16x1x1024xf32, #tpu.memory_space<hbm>>
    tpu.enqueue_dma source(%dma_start3A_85 : memref<16x1x1024xf32, #tpu.memory_space<hbm>>) target(%dma_start3A_82 : memref<16x1x1024xf32, #tpu.memory_space<vmem>>) target_semaphore(%arg20 : memref<!tpu.dma_semaphore, #tpu.memory_space<semaphore_mem>>)
    %dma_wait3A = arith.constant 0 : i32
    %dma_wait3A_86 = arith.constant 0 : i32
    %dma_wait3A_87 = arith.constant 0 : i32
    %dma_wait3A_88 = tpu.memref_slice %arg7[%dma_wait3A, %dma_wait3A_86, %dma_wait3A_87] : memref<64x1x1024xf32, #tpu.memory_space<vmem>> -> memref<16x1x1024xf32, #tpu.memory_space<vmem>>
    %dma_wait3A_89 = arith.constant 0 : i32
    %dma_wait3A_90 = arith.constant 0 : i32
    %dma_wait3A_91 = arith.constant 0 : i32
    %dma_wait3A_92 = tpu.memref_slice %arg3[%dma_wait3A_89, %dma_wait3A_90, %dma_wait3A_91] : memref<4096x1x1024xf32, #tpu.memory_space<hbm>> -> memref<16x1x1024xf32, #tpu.memory_space<hbm>>
    %dma_wait3A_93 = arith.constant 0 : i32
    %dma_wait3A_94 = arith.constant 0 : i32
    %dma_wait3A_95 = arith.constant 0 : i32
    %dma_wait3A_96 = tpu.memref_slice %arg7[%dma_wait3A_93, %dma_wait3A_94, %dma_wait3A_95] : memref<64x1x1024xf32, #tpu.memory_space<vmem>> -> memref<16x1x1024xf32, #tpu.memory_space<vmem>>
    %dma_wait3A_97 = arith.constant 0 : i32
    %dma_wait3A_98 = arith.constant 0 : i32
    %dma_wait3A_99 = arith.constant 0 : i32
    %dma_wait3A_100 = tpu.memref_slice %arg3[%dma_wait3A_97, %dma_wait3A_98, %dma_wait3A_99] : memref<4096x1x1024xf32, #tpu.memory_space<hbm>> -> memref<16x1x1024xf32, #tpu.memory_space<hbm>>
    tpu.wait_dma2 semaphore(%arg20 : memref<!tpu.dma_semaphore, #tpu.memory_space<semaphore_mem>>) src(%dma_wait3A_100 : memref<16x1x1024xf32, #tpu.memory_space<hbm>>) dst(%dma_wait3A_96 : memref<16x1x1024xf32, #tpu.memory_space<vmem>>)
    %scan3A = arith.constant 0 : i32
    %scan3A_101 = arith.constant 0 : i32
    %scan3A_102 = arith.constant 8 : i32
    %scan3A_103 = arith.addi %scan3A_101, %scan3A_102 : i32
    %scan3A_104 = arith.constant 1 : i32
    scf.for %scan3A_122 = %scan3A_101 to %scan3A_103 step %scan3A_104  : i32 {
      %gt3A = arith.constant 0 : i32
      %gt3A_123 = arith.cmpi sgt, %scan3A_122, %gt3A : i32
      %rem3A = arith.constant 2 : i32
      %rem3A_124 = arith.remsi %scan3A_122, %rem3A : i32
      %eq3A = arith.constant 0 : i32
      %eq3A_125 = arith.cmpi eq, %rem3A_124, %eq3A : i32
      %and3A = arith.andi %gt3A_123, %eq3A_125 : i1
      %convert_element_type3A = arith.extui %and3A : i1 to i32
      %cond3A = arith.constant 0 : i32
      %cond3A_126 = arith.cmpi ne, %convert_element_type3A, %cond3A : i32
      scf.if %cond3A_126 {
        %dma_wait3A_259 = arith.constant 0 : i32
        %dma_wait3A_260 = arith.constant 0 : i32
        %dma_wait3A_261 = arith.constant 0 : i32
        %dma_wait3A_262 = tpu.memref_slice %arg7[%dma_wait3A_259, %dma_wait3A_260, %dma_wait3A_261] : memref<64x1x1024xf32, #tpu.memory_space<vmem>> -> memref<16x1x1024xf32, #tpu.memory_space<vmem>>
        %dma_wait3A_263 = arith.constant 0 : i32
        %dma_wait3A_264 = arith.constant 0 : i32
        %dma_wait3A_265 = arith.constant 0 : i32
        %dma_wait3A_266 = tpu.memref_slice %arg3[%dma_wait3A_263, %dma_wait3A_264, %dma_wait3A_265] : memref<4096x1x1024xf32, #tpu.memory_space<hbm>> -> memref<16x1x1024xf32, #tpu.memory_space<hbm>>
        %dma_wait3A_267 = arith.constant 0 : i32
        %dma_wait3A_268 = arith.constant 0 : i32
        %dma_wait3A_269 = arith.constant 0 : i32
        %dma_wait3A_270 = tpu.memref_slice %arg7[%dma_wait3A_267, %dma_wait3A_268, %dma_wait3A_269] : memref<64x1x1024xf32, #tpu.memory_space<vmem>> -> memref<16x1x1024xf32, #tpu.memory_space<vmem>>
        %dma_wait3A_271 = arith.constant 0 : i32
        %dma_wait3A_272 = arith.constant 0 : i32
        %dma_wait3A_273 = arith.constant 0 : i32
        %dma_wait3A_274 = tpu.memref_slice %arg3[%dma_wait3A_271, %dma_wait3A_272, %dma_wait3A_273] : memref<4096x1x1024xf32, #tpu.memory_space<hbm>> -> memref<16x1x1024xf32, #tpu.memory_space<hbm>>
        tpu.wait_dma2 semaphore(%arg20 : memref<!tpu.dma_semaphore, #tpu.memory_space<semaphore_mem>>) src(%dma_wait3A_274 : memref<16x1x1024xf32, #tpu.memory_space<hbm>>) dst(%dma_wait3A_270 : memref<16x1x1024xf32, #tpu.memory_space<vmem>>)
      } else {
      }
      %mul3A_127 = arith.constant 4 : i32
      %mul3A_128 = arith.muli %mul3A_127, %scan3A_122 : i32
      %add3A_129 = arith.constant 0 : i32
      %add3A_130 = arith.addi %mul3A_128, %add3A_129 : i32
      %dma_wait3A_131 = arith.constant 0 : i32
      %dma_wait3A_132 = arith.constant 0 : i32
      %dma_wait3A_133 = tpu.memref_slice %arg4[%dma_wait3A_131, %dma_wait3A_132] : memref<100000x1024xf32, #tpu.memory_space<hbm>> -> memref<8x1024xf32, #tpu.memory_space<hbm>>
      %dma_wait3A_134 = arith.constant 0 : i32
      %dma_wait3A_135 = arith.constant 0 : i32
      %dma_wait3A_136 = tpu.memref_slice %arg4[%dma_wait3A_134, %dma_wait3A_135] : memref<100000x1024xf32, #tpu.memory_space<hbm>> -> memref<8x1024xf32, #tpu.memory_space<hbm>>
      tpu.wait_dma2 semaphore(%arg14 : memref<!tpu.dma_semaphore, #tpu.memory_space<semaphore_mem>>) src(%dma_wait3A_136 : memref<8x1024xf32, #tpu.memory_space<hbm>>) dst(%arg8 : memref<8x1024xf32, #tpu.memory_space<vmem>>)
      %gt3A_137 = arith.constant 0 : i32
      %gt3A_138 = arith.cmpi sgt, %scan3A_122, %gt3A_137 : i32
      %convert_element_type3A_139 = arith.extui %gt3A_138 : i1 to i32
      %cond3A_140 = arith.constant 0 : i32
      %cond3A_141 = arith.cmpi ne, %convert_element_type3A_139, %cond3A_140 : i32
      scf.if %cond3A_141 {
        %dma_wait3A_259 = arith.constant 0 : i32
        %dma_wait3A_260 = arith.constant 0 : i32
        %dma_wait3A_261 = arith.constant 0 : i32
        %dma_wait3A_262 = tpu.memref_slice %arg5[%dma_wait3A_259, %dma_wait3A_260, %dma_wait3A_261] : memref<2048x4x1024xf32, #tpu.memory_space<hbm>> -> memref<2x4x1024xf32, #tpu.memory_space<hbm>>
        %dma_wait3A_263 = arith.constant 0 : i32
        %dma_wait3A_264 = arith.constant 0 : i32
        %dma_wait3A_265 = arith.constant 0 : i32
        %dma_wait3A_266 = tpu.memref_slice %arg5[%dma_wait3A_263, %dma_wait3A_264, %dma_wait3A_265] : memref<2048x4x1024xf32, #tpu.memory_space<hbm>> -> memref<2x4x1024xf32, #tpu.memory_space<hbm>>
        tpu.wait_dma2 semaphore(%arg18 : memref<!tpu.dma_semaphore, #tpu.memory_space<semaphore_mem>>) src(%dma_wait3A_266 : memref<2x4x1024xf32, #tpu.memory_space<hbm>>) dst(%arg12 : memref<2x4x1024xf32, #tpu.memory_space<vmem>>)
      } else {
      }
      %parallel_loop3A = arith.constant 0 : i32
      %parallel_loop3A_142 = arith.constant 1024 : i32
      %parallel_loop3A_143 = arith.constant 16 : i32
      scf.for %parallel_loop3A_259 = %parallel_loop3A to %parallel_loop3A_142 step %parallel_loop3A_143  : i32 {
        %parallel_loop3A_260 = tpu.assume_multiple %parallel_loop3A_259, 16 : i32
        %parallel_loop3A_261 = arith.constant 2 : i32
        %parallel_loop3A_262 = arith.muli %add3A_130, %parallel_loop3A_261 : i32
        %parallel_loop3A_263 = arith.constant 0 : i32
        %parallel_loop3A_264 = arith.addi %parallel_loop3A_262, %parallel_loop3A_263 : i32
        %parallel_loop3A_265 = arith.constant 0 : i32
        %parallel_loop3A_266 = arith.index_cast %parallel_loop3A_264 : i32 to index
        %parallel_loop3A_267 = arith.index_cast %parallel_loop3A_265 : i32 to index
        %parallel_loop3A_268 = arith.index_cast %parallel_loop3A_260 : i32 to index
        %parallel_loop3A_269 = tpu.vector_load %arg7[%parallel_loop3A_266, %parallel_loop3A_267, %parallel_loop3A_268] {strides = array<i32>} : memref<64x1x1024xf32, #tpu.memory_space<vmem>>, vector<1x1x16xf32>,
        %parallel_loop3A_270 = vector.shape_cast %parallel_loop3A_269 : vector<1x1x16xf32> to vector<16xf32>
        %parallel_loop3A_271 = arith.constant 0 : i32
        %parallel_loop3A_272 = arith.index_cast %parallel_loop3A_271 : i32 to index
        %parallel_loop3A_273 = arith.index_cast %parallel_loop3A_260 : i32 to index
        %parallel_loop3A_274 = tpu.vector_load %arg8[%parallel_loop3A_272, %parallel_loop3A_273] {strides = array<i32>} : memref<8x1024xf32, #tpu.memory_space<vmem>>, vector<1x16xf32>,
        %parallel_loop3A_275 = vector.shape_cast %parallel_loop3A_274 : vector<1x16xf32> to vector<16xf32>
        %parallel_loop3A_276 = arith.constant 3.200000e+01 : f32
        %parallel_loop3A_277 = vector.broadcast %parallel_loop3A_276 : f32 to vector<16xf32>
        %parallel_loop3A_278 = arith.mulf %parallel_loop3A_275, %parallel_loop3A_277 : vector<16xf32>
        %parallel_loop3A_279 = arith.addf %parallel_loop3A_278, %parallel_loop3A_270 : vector<16xf32>
        %parallel_loop3A_280 = arith.constant 0 : i32
        %parallel_loop3A_281 = arith.constant 0 : i32
        %parallel_loop3A_282 = arith.index_cast %parallel_loop3A_280 : i32 to index
        %parallel_loop3A_283 = arith.index_cast %parallel_loop3A_281 : i32 to index
        %parallel_loop3A_284 = arith.index_cast %parallel_loop3A_260 : i32 to index
        %parallel_loop3A_285 = tpu.vector_load %arg12[%parallel_loop3A_282, %parallel_loop3A_283, %parallel_loop3A_284] {strides = array<i32>} : memref<2x4x1024xf32, #tpu.memory_space<vmem>>, vector<1x1x16xf32>,
        %parallel_loop3A_286 = vector.shape_cast %parallel_loop3A_285 : vector<1x1x16xf32> to vector<16xf32>
        %parallel_loop3A_287 = vector.shape_cast %parallel_loop3A_279 : vector<16xf32> to vector<1x1x16xf32>
        tpu.vector_store %arg12[%parallel_loop3A_282, %parallel_loop3A_283, %parallel_loop3A_284], %parallel_loop3A_287 {strides = array<i32>} : memref<2x4x1024xf32, #tpu.memory_space<vmem>>, vector<1x1x16xf32>,
        %parallel_loop3A_288 = arith.constant 1 : i32
        %parallel_loop3A_289 = arith.index_cast %parallel_loop3A_288 : i32 to index
        %parallel_loop3A_290 = arith.index_cast %parallel_loop3A_260 : i32 to index
        %parallel_loop3A_291 = tpu.vector_load %arg8[%parallel_loop3A_289, %parallel_loop3A_290] {strides = array<i32>} : memref<8x1024xf32, #tpu.memory_space<vmem>>, vector<1x16xf32>,
        %parallel_loop3A_292 = vector.shape_cast %parallel_loop3A_291 : vector<1x16xf32> to vector<16xf32>
        %parallel_loop3A_293 = arith.constant 3.200000e+01 : f32
        %parallel_loop3A_294 = vector.broadcast %parallel_loop3A_293 : f32 to vector<16xf32>
        %parallel_loop3A_295 = arith.mulf %parallel_loop3A_292, %parallel_loop3A_294 : vector<16xf32>
        %parallel_loop3A_296 = arith.addf %parallel_loop3A_295, %parallel_loop3A_270 : vector<16xf32>
        %parallel_loop3A_297 = arith.constant 0 : i32
        %parallel_loop3A_298 = arith.constant 1 : i32
        %parallel_loop3A_299 = arith.index_cast %parallel_loop3A_297 : i32 to index
        %parallel_loop3A_300 = arith.index_cast %parallel_loop3A_298 : i32 to index
        %parallel_loop3A_301 = arith.index_cast %parallel_loop3A_260 : i32 to index
        %parallel_loop3A_302 = tpu.vector_load %arg12[%parallel_loop3A_299, %parallel_loop3A_300, %parallel_loop3A_301] {strides = array<i32>} : memref<2x4x1024xf32, #tpu.memory_space<vmem>>, vector<1x1x16xf32>,
        %parallel_loop3A_303 = vector.shape_cast %parallel_loop3A_302 : vector<1x1x16xf32> to vector<16xf32>
        %parallel_loop3A_304 = vector.shape_cast %parallel_loop3A_296 : vector<16xf32> to vector<1x1x16xf32>
        tpu.vector_store %arg12[%parallel_loop3A_299, %parallel_loop3A_300, %parallel_loop3A_301], %parallel_loop3A_304 {strides = array<i32>} : memref<2x4x1024xf32, #tpu.memory_space<vmem>>, vector<1x1x16xf32>,
        %parallel_loop3A_305 = arith.constant 2 : i32
        %parallel_loop3A_306 = arith.index_cast %parallel_loop3A_305 : i32 to index
        %parallel_loop3A_307 = arith.index_cast %parallel_loop3A_260 : i32 to index
        %parallel_loop3A_308 = tpu.vector_load %arg8[%parallel_loop3A_306, %parallel_loop3A_307] {strides = array<i32>} : memref<8x1024xf32, #tpu.memory_space<vmem>>, vector<1x16xf32>,
        %parallel_loop3A_309 = vector.shape_cast %parallel_loop3A_308 : vector<1x16xf32> to vector<16xf32>
        %parallel_loop3A_310 = arith.constant 3.200000e+01 : f32
        %parallel_loop3A_311 = vector.broadcast %parallel_loop3A_310 : f32 to vector<16xf32>
        %parallel_loop3A_312 = arith.mulf %parallel_loop3A_309, %parallel_loop3A_311 : vector<16xf32>
        %parallel_loop3A_313 = arith.addf %parallel_loop3A_312, %parallel_loop3A_270 : vector<16xf32>
        %parallel_loop3A_314 = arith.constant 0 : i32
        %parallel_loop3A_315 = arith.constant 2 : i32
        %parallel_loop3A_316 = arith.index_cast %parallel_loop3A_314 : i32 to index
        %parallel_loop3A_317 = arith.index_cast %parallel_loop3A_315 : i32 to index
        %parallel_loop3A_318 = arith.index_cast %parallel_loop3A_260 : i32 to index
        %parallel_loop3A_319 = tpu.vector_load %arg12[%parallel_loop3A_316, %parallel_loop3A_317, %parallel_loop3A_318] {strides = array<i32>} : memref<2x4x1024xf32, #tpu.memory_space<vmem>>, vector<1x1x16xf32>,
        %parallel_loop3A_320 = vector.shape_cast %parallel_loop3A_319 : vector<1x1x16xf32> to vector<16xf32>
        %parallel_loop3A_321 = vector.shape_cast %parallel_loop3A_313 : vector<16xf32> to vector<1x1x16xf32>
        tpu.vector_store %arg12[%parallel_loop3A_316, %parallel_loop3A_317, %parallel_loop3A_318], %parallel_loop3A_321 {strides = array<i32>} : memref<2x4x1024xf32, #tpu.memory_space<vmem>>, vector<1x1x16xf32>,
        %parallel_loop3A_322 = arith.constant 3 : i32
        %parallel_loop3A_323 = arith.index_cast %parallel_loop3A_322 : i32 to index
        %parallel_loop3A_324 = arith.index_cast %parallel_loop3A_260 : i32 to index
        %parallel_loop3A_325 = tpu.vector_load %arg8[%parallel_loop3A_323, %parallel_loop3A_324] {strides = array<i32>} : memref<8x1024xf32, #tpu.memory_space<vmem>>, vector<1x16xf32>,
        %parallel_loop3A_326 = vector.shape_cast %parallel_loop3A_325 : vector<1x16xf32> to vector<16xf32>
        %parallel_loop3A_327 = arith.constant 3.200000e+01 : f32
        %parallel_loop3A_328 = vector.broadcast %parallel_loop3A_327 : f32 to vector<16xf32>
        %parallel_loop3A_329 = arith.mulf %parallel_loop3A_326, %parallel_loop3A_328 : vector<16xf32>
        %parallel_loop3A_330 = arith.addf %parallel_loop3A_329, %parallel_loop3A_270 : vector<16xf32>
        %parallel_loop3A_331 = arith.constant 0 : i32
        %parallel_loop3A_332 = arith.constant 3 : i32
        %parallel_loop3A_333 = arith.index_cast %parallel_loop3A_331 : i32 to index
        %parallel_loop3A_334 = arith.index_cast %parallel_loop3A_332 : i32 to index
        %parallel_loop3A_335 = arith.index_cast %parallel_loop3A_260 : i32 to index
        %parallel_loop3A_336 = tpu.vector_load %arg12[%parallel_loop3A_333, %parallel_loop3A_334, %parallel_loop3A_335] {strides = array<i32>} : memref<2x4x1024xf32, #tpu.memory_space<vmem>>, vector<1x1x16xf32>,
        %parallel_loop3A_337 = vector.shape_cast %parallel_loop3A_336 : vector<1x1x16xf32> to vector<16xf32>
        %parallel_loop3A_338 = vector.shape_cast %parallel_loop3A_330 : vector<16xf32> to vector<1x1x16xf32>
        tpu.vector_store %arg12[%parallel_loop3A_333, %parallel_loop3A_334, %parallel_loop3A_335], %parallel_loop3A_338 {strides = array<i32>} : memref<2x4x1024xf32, #tpu.memory_space<vmem>>, vector<1x1x16xf32>,
        %parallel_loop3A_339 = arith.constant 2 : i32
        %parallel_loop3A_340 = arith.muli %add3A_130, %parallel_loop3A_339 : i32
        %parallel_loop3A_341 = arith.constant 1 : i32
        %parallel_loop3A_342 = arith.addi %parallel_loop3A_340, %parallel_loop3A_341 : i32
        %parallel_loop3A_343 = arith.constant 0 : i32
        %parallel_loop3A_344 = arith.index_cast %parallel_loop3A_342 : i32 to index
        %parallel_loop3A_345 = arith.index_cast %parallel_loop3A_343 : i32 to index
        %parallel_loop3A_346 = arith.index_cast %parallel_loop3A_260 : i32 to index
        %parallel_loop3A_347 = tpu.vector_load %arg7[%parallel_loop3A_344, %parallel_loop3A_345, %parallel_loop3A_346] {strides = array<i32>} : memref<64x1x1024xf32, #tpu.memory_space<vmem>>, vector<1x1x16xf32>,
        %parallel_loop3A_348 = vector.shape_cast %parallel_loop3A_347 : vector<1x1x16xf32> to vector<16xf32>
        %parallel_loop3A_349 = arith.constant 4 : i32
        %parallel_loop3A_350 = arith.index_cast %parallel_loop3A_349 : i32 to index
        %parallel_loop3A_351 = arith.index_cast %parallel_loop3A_260 : i32 to index
        %parallel_loop3A_352 = tpu.vector_load %arg8[%parallel_loop3A_350, %parallel_loop3A_351] {strides = array<i32>} : memref<8x1024xf32, #tpu.memory_space<vmem>>, vector<1x16xf32>,
        %parallel_loop3A_353 = vector.shape_cast %parallel_loop3A_352 : vector<1x16xf32> to vector<16xf32>
        %parallel_loop3A_354 = arith.constant 3.200000e+01 : f32
        %parallel_loop3A_355 = vector.broadcast %parallel_loop3A_354 : f32 to vector<16xf32>
        %parallel_loop3A_356 = arith.mulf %parallel_loop3A_353, %parallel_loop3A_355 : vector<16xf32>
        %parallel_loop3A_357 = arith.addf %parallel_loop3A_356, %parallel_loop3A_348 : vector<16xf32>
        %parallel_loop3A_358 = arith.constant 1 : i32
        %parallel_loop3A_359 = arith.constant 0 : i32
        %parallel_loop3A_360 = arith.index_cast %parallel_loop3A_358 : i32 to index
        %parallel_loop3A_361 = arith.index_cast %parallel_loop3A_359 : i32 to index
        %parallel_loop3A_362 = arith.index_cast %parallel_loop3A_260 : i32 to index
        %parallel_loop3A_363 = tpu.vector_load %arg12[%parallel_loop3A_360, %parallel_loop3A_361, %parallel_loop3A_362] {strides = array<i32>} : memref<2x4x1024xf32, #tpu.memory_space<vmem>>, vector<1x1x16xf32>,
        %parallel_loop3A_364 = vector.shape_cast %parallel_loop3A_363 : vector<1x1x16xf32> to vector<16xf32>
        %parallel_loop3A_365 = vector.shape_cast %parallel_loop3A_357 : vector<16xf32> to vector<1x1x16xf32>
        tpu.vector_store %arg12[%parallel_loop3A_360, %parallel_loop3A_361, %parallel_loop3A_362], %parallel_loop3A_365 {strides = array<i32>} : memref<2x4x1024xf32, #tpu.memory_space<vmem>>, vector<1x1x16xf32>,
        %parallel_loop3A_366 = arith.constant 5 : i32
        %parallel_loop3A_367 = arith.index_cast %parallel_loop3A_366 : i32 to index
        %parallel_loop3A_368 = arith.index_cast %parallel_loop3A_260 : i32 to index
        %parallel_loop3A_369 = tpu.vector_load %arg8[%parallel_loop3A_367, %parallel_loop3A_368] {strides = array<i32>} : memref<8x1024xf32, #tpu.memory_space<vmem>>, vector<1x16xf32>,
        %parallel_loop3A_370 = vector.shape_cast %parallel_loop3A_369 : vector<1x16xf32> to vector<16xf32>
        %parallel_loop3A_371 = arith.constant 3.200000e+01 : f32
        %parallel_loop3A_372 = vector.broadcast %parallel_loop3A_371 : f32 to vector<16xf32>
        %parallel_loop3A_373 = arith.mulf %parallel_loop3A_370, %parallel_loop3A_372 : vector<16xf32>
        %parallel_loop3A_374 = arith.addf %parallel_loop3A_373, %parallel_loop3A_348 : vector<16xf32>
        %parallel_loop3A_375 = arith.constant 1 : i32
        %parallel_loop3A_376 = arith.constant 1 : i32
        %parallel_loop3A_377 = arith.index_cast %parallel_loop3A_375 : i32 to index
        %parallel_loop3A_378 = arith.index_cast %parallel_loop3A_376 : i32 to index
        %parallel_loop3A_379 = arith.index_cast %parallel_loop3A_260 : i32 to index
        %parallel_loop3A_380 = tpu.vector_load %arg12[%parallel_loop3A_377, %parallel_loop3A_378, %parallel_loop3A_379] {strides = array<i32>} : memref<2x4x1024xf32, #tpu.memory_space<vmem>>, vector<1x1x16xf32>,
        %parallel_loop3A_381 = vector.shape_cast %parallel_loop3A_380 : vector<1x1x16xf32> to vector<16xf32>
        %parallel_loop3A_382 = vector.shape_cast %parallel_loop3A_374 : vector<16xf32> to vector<1x1x16xf32>
        tpu.vector_store %arg12[%parallel_loop3A_377, %parallel_loop3A_378, %parallel_loop3A_379], %parallel_loop3A_382 {strides = array<i32>} : memref<2x4x1024xf32, #tpu.memory_space<vmem>>, vector<1x1x16xf32>,
        %parallel_loop3A_383 = arith.constant 6 : i32
        %parallel_loop3A_384 = arith.index_cast %parallel_loop3A_383 : i32 to index
        %parallel_loop3A_385 = arith.index_cast %parallel_loop3A_260 : i32 to index
        %parallel_loop3A_386 = tpu.vector_load %arg8[%parallel_loop3A_384, %parallel_loop3A_385] {strides = array<i32>} : memref<8x1024xf32, #tpu.memory_space<vmem>>, vector<1x16xf32>,
        %parallel_loop3A_387 = vector.shape_cast %parallel_loop3A_386 : vector<1x16xf32> to vector<16xf32>
        %parallel_loop3A_388 = arith.constant 3.200000e+01 : f32
        %parallel_loop3A_389 = vector.broadcast %parallel_loop3A_388 : f32 to vector<16xf32>
        %parallel_loop3A_390 = arith.mulf %parallel_loop3A_387, %parallel_loop3A_389 : vector<16xf32>
        %parallel_loop3A_391 = arith.addf %parallel_loop3A_390, %parallel_loop3A_348 : vector<16xf32>
        %parallel_loop3A_392 = arith.constant 1 : i32
        %parallel_loop3A_393 = arith.constant 2 : i32
        %parallel_loop3A_394 = arith.index_cast %parallel_loop3A_392 : i32 to index
        %parallel_loop3A_395 = arith.index_cast %parallel_loop3A_393 : i32 to index
        %parallel_loop3A_396 = arith.index_cast %parallel_loop3A_260 : i32 to index
        %parallel_loop3A_397 = tpu.vector_load %arg12[%parallel_loop3A_394, %parallel_loop3A_395, %parallel_loop3A_396] {strides = array<i32>} : memref<2x4x1024xf32, #tpu.memory_space<vmem>>, vector<1x1x16xf32>,
        %parallel_loop3A_398 = vector.shape_cast %parallel_loop3A_397 : vector<1x1x16xf32> to vector<16xf32>
        %parallel_loop3A_399 = vector.shape_cast %parallel_loop3A_391 : vector<16xf32> to vector<1x1x16xf32>
        tpu.vector_store %arg12[%parallel_loop3A_394, %parallel_loop3A_395, %parallel_loop3A_396], %parallel_loop3A_399 {strides = array<i32>} : memref<2x4x1024xf32, #tpu.memory_space<vmem>>, vector<1x1x16xf32>,
        %parallel_loop3A_400 = arith.constant 7 : i32
        %parallel_loop3A_401 = arith.index_cast %parallel_loop3A_400 : i32 to index
        %parallel_loop3A_402 = arith.index_cast %parallel_loop3A_260 : i32 to index
        %parallel_loop3A_403 = tpu.vector_load %arg8[%parallel_loop3A_401, %parallel_loop3A_402] {strides = array<i32>} : memref<8x1024xf32, #tpu.memory_space<vmem>>, vector<1x16xf32>,
        %parallel_loop3A_404 = vector.shape_cast %parallel_loop3A_403 : vector<1x16xf32> to vector<16xf32>
        %parallel_loop3A_405 = arith.constant 3.200000e+01 : f32
        %parallel_loop3A_406 = vector.broadcast %parallel_loop3A_405 : f32 to vector<16xf32>
        %parallel_loop3A_407 = arith.mulf %parallel_loop3A_404, %parallel_loop3A_406 : vector<16xf32>
        %parallel_loop3A_408 = arith.addf %parallel_loop3A_407, %parallel_loop3A_348 : vector<16xf32>
        %parallel_loop3A_409 = arith.constant 1 : i32
        %parallel_loop3A_410 = arith.constant 3 : i32
        %parallel_loop3A_411 = arith.index_cast %parallel_loop3A_409 : i32 to index
        %parallel_loop3A_412 = arith.index_cast %parallel_loop3A_410 : i32 to index
        %parallel_loop3A_413 = arith.index_cast %parallel_loop3A_260 : i32 to index
        %parallel_loop3A_414 = tpu.vector_load %arg12[%parallel_loop3A_411, %parallel_loop3A_412, %parallel_loop3A_413] {strides = array<i32>} : memref<2x4x1024xf32, #tpu.memory_space<vmem>>, vector<1x1x16xf32>,
        %parallel_loop3A_415 = vector.shape_cast %parallel_loop3A_414 : vector<1x1x16xf32> to vector<16xf32>
        %parallel_loop3A_416 = vector.shape_cast %parallel_loop3A_408 : vector<16xf32> to vector<1x1x16xf32>
        tpu.vector_store %arg12[%parallel_loop3A_411, %parallel_loop3A_412, %parallel_loop3A_413], %parallel_loop3A_416 {strides = array<i32>} : memref<2x4x1024xf32, #tpu.memory_space<vmem>>, vector<1x1x16xf32>,
      } {sc.loop_unroll_factor = 16 : i64, sc.parallel_access}
      %mul3A_144 = arith.constant 2 : i32
      %mul3A_145 = arith.muli %add3A_130, %mul3A_144 : i32
      %add3A_146 = arith.addi %mul3A_4, %mul3A_145 : i32
      %dma_start3A_147 = arith.constant 0 : i32
      %dma_start3A_148 = arith.constant 0 : i32
      %dma_start3A_149 = tpu.memref_slice %arg5[%add3A_146, %dma_start3A_147, %dma_start3A_148] : memref<2048x4x1024xf32, #tpu.memory_space<hbm>> -> memref<2x4x1024xf32, #tpu.memory_space<hbm>>
      %dma_start3A_150 = arith.constant 0 : i32
      %dma_start3A_151 = arith.constant 0 : i32
      %dma_start3A_152 = tpu.memref_slice %arg5[%add3A_146, %dma_start3A_150, %dma_start3A_151] : memref<2048x4x1024xf32, #tpu.memory_space<hbm>> -> memref<2x4x1024xf32, #tpu.memory_space<hbm>>
      tpu.enqueue_dma source(%arg12 : memref<2x4x1024xf32, #tpu.memory_space<vmem>>) target(%dma_start3A_152 : memref<2x4x1024xf32, #tpu.memory_space<hbm>>) target_semaphore(%arg18 : memref<!tpu.dma_semaphore, #tpu.memory_space<semaphore_mem>>)
      %lt3A = arith.constant 7 : i32
      %lt3A_153 = arith.cmpi slt, %scan3A_122, %lt3A : i32
      %convert_element_type3A_154 = arith.extui %lt3A_153 : i1 to i32
      %cond3A_155 = arith.constant 0 : i32
      %cond3A_156 = arith.cmpi ne, %convert_element_type3A_154, %cond3A_155 : i32
      scf.if %cond3A_156 {
        %add3A_259 = arith.constant 4 : i32
        %add3A_260 = arith.addi %add3A_130, %add3A_259 : i32
        %mul3A_261 = arith.constant 8 : i32
        %mul3A_262 = arith.muli %add3A_260, %mul3A_261 : i32
        %dma_start3A_263 = tpu.memref_slice %arg6[%mul3A_262] : memref<256xi32, #tpu.memory_space<vmem>> -> memref<8xi32, #tpu.memory_space<vmem>>
        %dma_start3A_264 = arith.constant 0 : i32
        %dma_start3A_265 = arith.constant 0 : i32
        %dma_start3A_266 = tpu.memref_slice %arg4[%dma_start3A_264, %dma_start3A_265] : memref<100000x1024xf32, #tpu.memory_space<hbm>> -> memref<100000x1024xf32, #tpu.memory_space<hbm>>
        tpu.enqueue_indirect_dma source(%dma_start3A_266 : memref<100000x1024xf32, #tpu.memory_space<hbm>>) target(%arg8 : memref<8x1024xf32, #tpu.memory_space<vmem>>) offsets(%dma_start3A_263 : memref<8xi32, #tpu.memory_space<vmem>>) semaphore(%arg14 : memref<!tpu.dma_semaphore, #tpu.memory_space<semaphore_mem>>)
      } else {
      }
      %mul3A_157 = arith.constant 4 : i32
      %mul3A_158 = arith.muli %mul3A_157, %scan3A_122 : i32
      %add3A_159 = arith.constant 1 : i32
      %add3A_160 = arith.addi %mul3A_158, %add3A_159 : i32
      %dma_wait3A_161 = arith.constant 0 : i32
      %dma_wait3A_162 = arith.constant 0 : i32
      %dma_wait3A_163 = tpu.memref_slice %arg4[%dma_wait3A_161, %dma_wait3A_162] : memref<100000x1024xf32, #tpu.memory_space<hbm>> -> memref<8x1024xf32, #tpu.memory_space<hbm>>
      %dma_wait3A_164 = arith.constant 0 : i32
      %dma_wait3A_165 = arith.constant 0 : i32
      %dma_wait3A_166 = tpu.memref_slice %arg4[%dma_wait3A_164, %dma_wait3A_165] : memref<100000x1024xf32, #tpu.memory_space<hbm>> -> memref<8x1024xf32, #tpu.memory_space<hbm>>
      tpu.wait_dma2 semaphore(%arg15 : memref<!tpu.dma_semaphore, #tpu.memory_space<semaphore_mem>>) src(%dma_wait3A_166 : memref<8x1024xf32, #tpu.memory_space<hbm>>) dst(%arg9 : memref<8x1024xf32, #tpu.memory_space<vmem>>)
      %gt3A_167 = arith.constant 0 : i32
      %gt3A_168 = arith.cmpi sgt, %scan3A_122, %gt3A_167 : i32
      %convert_element_type3A_169 = arith.extui %gt3A_168 : i1 to i32
      %cond3A_170 = arith.constant 0 : i32
      %cond3A_171 = arith.cmpi ne, %convert_element_type3A_169, %cond3A_170 : i32
      scf.if %cond3A_171 {
        %dma_wait3A_259 = arith.constant 0 : i32
        %dma_wait3A_260 = arith.constant 0 : i32
        %dma_wait3A_261 = arith.constant 0 : i32
        %dma_wait3A_262 = tpu.memref_slice %arg5[%dma_wait3A_259, %dma_wait3A_260, %dma_wait3A_261] : memref<2048x4x1024xf32, #tpu.memory_space<hbm>> -> memref<2x4x1024xf32, #tpu.memory_space<hbm>>
        %dma_wait3A_263 = arith.constant 0 : i32
        %dma_wait3A_264 = arith.constant 0 : i32
        %dma_wait3A_265 = arith.constant 0 : i32
        %dma_wait3A_266 = tpu.memref_slice %arg5[%dma_wait3A_263, %dma_wait3A_264, %dma_wait3A_265] : memref<2048x4x1024xf32, #tpu.memory_space<hbm>> -> memref<2x4x1024xf32, #tpu.memory_space<hbm>>
        tpu.wait_dma2 semaphore(%arg19 : memref<!tpu.dma_semaphore, #tpu.memory_space<semaphore_mem>>) src(%dma_wait3A_266 : memref<2x4x1024xf32, #tpu.memory_space<hbm>>) dst(%arg13 : memref<2x4x1024xf32, #tpu.memory_space<vmem>>)
      } else {
      }
      %parallel_loop3A_172 = arith.constant 0 : i32
      %parallel_loop3A_173 = arith.constant 1024 : i32
      %parallel_loop3A_174 = arith.constant 16 : i32
      scf.for %parallel_loop3A_259 = %parallel_loop3A_172 to %parallel_loop3A_173 step %parallel_loop3A_174  : i32 {
        %parallel_loop3A_260 = tpu.assume_multiple %parallel_loop3A_259, 16 : i32
        %parallel_loop3A_261 = arith.constant 2 : i32
        %parallel_loop3A_262 = arith.muli %add3A_160, %parallel_loop3A_261 : i32
        %parallel_loop3A_263 = arith.constant 0 : i32
        %parallel_loop3A_264 = arith.addi %parallel_loop3A_262, %parallel_loop3A_263 : i32
        %parallel_loop3A_265 = arith.constant 0 : i32
        %parallel_loop3A_266 = arith.index_cast %parallel_loop3A_264 : i32 to index
        %parallel_loop3A_267 = arith.index_cast %parallel_loop3A_265 : i32 to index
        %parallel_loop3A_268 = arith.index_cast %parallel_loop3A_260 : i32 to index
        %parallel_loop3A_269 = tpu.vector_load %arg7[%parallel_loop3A_266, %parallel_loop3A_267, %parallel_loop3A_268] {strides = array<i32>} : memref<64x1x1024xf32, #tpu.memory_space<vmem>>, vector<1x1x16xf32>,
        %parallel_loop3A_270 = vector.shape_cast %parallel_loop3A_269 : vector<1x1x16xf32> to vector<16xf32>
        %parallel_loop3A_271 = arith.constant 0 : i32
        %parallel_loop3A_272 = arith.index_cast %parallel_loop3A_271 : i32 to index
        %parallel_loop3A_273 = arith.index_cast %parallel_loop3A_260 : i32 to index
        %parallel_loop3A_274 = tpu.vector_load %arg9[%parallel_loop3A_272, %parallel_loop3A_273] {strides = array<i32>} : memref<8x1024xf32, #tpu.memory_space<vmem>>, vector<1x16xf32>,
        %parallel_loop3A_275 = vector.shape_cast %parallel_loop3A_274 : vector<1x16xf32> to vector<16xf32>
        %parallel_loop3A_276 = arith.constant 3.200000e+01 : f32
        %parallel_loop3A_277 = vector.broadcast %parallel_loop3A_276 : f32 to vector<16xf32>
        %parallel_loop3A_278 = arith.mulf %parallel_loop3A_275, %parallel_loop3A_277 : vector<16xf32>
        %parallel_loop3A_279 = arith.addf %parallel_loop3A_278, %parallel_loop3A_270 : vector<16xf32>
        %parallel_loop3A_280 = arith.constant 0 : i32
        %parallel_loop3A_281 = arith.constant 0 : i32
        %parallel_loop3A_282 = arith.index_cast %parallel_loop3A_280 : i32 to index
        %parallel_loop3A_283 = arith.index_cast %parallel_loop3A_281 : i32 to index
        %parallel_loop3A_284 = arith.index_cast %parallel_loop3A_260 : i32 to index
        %parallel_loop3A_285 = tpu.vector_load %arg13[%parallel_loop3A_282, %parallel_loop3A_283, %parallel_loop3A_284] {strides = array<i32>} : memref<2x4x1024xf32, #tpu.memory_space<vmem>>, vector<1x1x16xf32>,
        %parallel_loop3A_286 = vector.shape_cast %parallel_loop3A_285 : vector<1x1x16xf32> to vector<16xf32>
        %parallel_loop3A_287 = vector.shape_cast %parallel_loop3A_279 : vector<16xf32> to vector<1x1x16xf32>
        tpu.vector_store %arg13[%parallel_loop3A_282, %parallel_loop3A_283, %parallel_loop3A_284], %parallel_loop3A_287 {strides = array<i32>} : memref<2x4x1024xf32, #tpu.memory_space<vmem>>, vector<1x1x16xf32>,
        %parallel_loop3A_288 = arith.constant 1 : i32
        %parallel_loop3A_289 = arith.index_cast %parallel_loop3A_288 : i32 to index
        %parallel_loop3A_290 = arith.index_cast %parallel_loop3A_260 : i32 to index
        %parallel_loop3A_291 = tpu.vector_load %arg9[%parallel_loop3A_289, %parallel_loop3A_290] {strides = array<i32>} : memref<8x1024xf32, #tpu.memory_space<vmem>>, vector<1x16xf32>,
        %parallel_loop3A_292 = vector.shape_cast %parallel_loop3A_291 : vector<1x16xf32> to vector<16xf32>
        %parallel_loop3A_293 = arith.constant 3.200000e+01 : f32
        %parallel_loop3A_294 = vector.broadcast %parallel_loop3A_293 : f32 to vector<16xf32>
        %parallel_loop3A_295 = arith.mulf %parallel_loop3A_292, %parallel_loop3A_294 : vector<16xf32>
        %parallel_loop3A_296 = arith.addf %parallel_loop3A_295, %parallel_loop3A_270 : vector<16xf32>
        %parallel_loop3A_297 = arith.constant 0 : i32
        %parallel_loop3A_298 = arith.constant 1 : i32
        %parallel_loop3A_299 = arith.index_cast %parallel_loop3A_297 : i32 to index
        %parallel_loop3A_300 = arith.index_cast %parallel_loop3A_298 : i32 to index
        %parallel_loop3A_301 = arith.index_cast %parallel_loop3A_260 : i32 to index
        %parallel_loop3A_302 = tpu.vector_load %arg13[%parallel_loop3A_299, %parallel_loop3A_300, %parallel_loop3A_301] {strides = array<i32>} : memref<2x4x1024xf32, #tpu.memory_space<vmem>>, vector<1x1x16xf32>,
        %parallel_loop3A_303 = vector.shape_cast %parallel_loop3A_302 : vector<1x1x16xf32> to vector<16xf32>
        %parallel_loop3A_304 = vector.shape_cast %parallel_loop3A_296 : vector<16xf32> to vector<1x1x16xf32>
        tpu.vector_store %arg13[%parallel_loop3A_299, %parallel_loop3A_300, %parallel_loop3A_301], %parallel_loop3A_304 {strides = array<i32>} : memref<2x4x1024xf32, #tpu.memory_space<vmem>>, vector<1x1x16xf32>,
        %parallel_loop3A_305 = arith.constant 2 : i32
        %parallel_loop3A_306 = arith.index_cast %parallel_loop3A_305 : i32 to index
        %parallel_loop3A_307 = arith.index_cast %parallel_loop3A_260 : i32 to index
        %parallel_loop3A_308 = tpu.vector_load %arg9[%parallel_loop3A_306, %parallel_loop3A_307] {strides = array<i32>} : memref<8x1024xf32, #tpu.memory_space<vmem>>, vector<1x16xf32>,
        %parallel_loop3A_309 = vector.shape_cast %parallel_loop3A_308 : vector<1x16xf32> to vector<16xf32>
        %parallel_loop3A_310 = arith.constant 3.200000e+01 : f32
        %parallel_loop3A_311 = vector.broadcast %parallel_loop3A_310 : f32 to vector<16xf32>
        %parallel_loop3A_312 = arith.mulf %parallel_loop3A_309, %parallel_loop3A_311 : vector<16xf32>
        %parallel_loop3A_313 = arith.addf %parallel_loop3A_312, %parallel_loop3A_270 : vector<16xf32>
        %parallel_loop3A_314 = arith.constant 0 : i32
        %parallel_loop3A_315 = arith.constant 2 : i32
        %parallel_loop3A_316 = arith.index_cast %parallel_loop3A_314 : i32 to index
        %parallel_loop3A_317 = arith.index_cast %parallel_loop3A_315 : i32 to index
        %parallel_loop3A_318 = arith.index_cast %parallel_loop3A_260 : i32 to index
        %parallel_loop3A_319 = tpu.vector_load %arg13[%parallel_loop3A_316, %parallel_loop3A_317, %parallel_loop3A_318] {strides = array<i32>} : memref<2x4x1024xf32, #tpu.memory_space<vmem>>, vector<1x1x16xf32>,
        %parallel_loop3A_320 = vector.shape_cast %parallel_loop3A_319 : vector<1x1x16xf32> to vector<16xf32>
        %parallel_loop3A_321 = vector.shape_cast %parallel_loop3A_313 : vector<16xf32> to vector<1x1x16xf32>
        tpu.vector_store %arg13[%parallel_loop3A_316, %parallel_loop3A_317, %parallel_loop3A_318], %parallel_loop3A_321 {strides = array<i32>} : memref<2x4x1024xf32, #tpu.memory_space<vmem>>, vector<1x1x16xf32>,
        %parallel_loop3A_322 = arith.constant 3 : i32
        %parallel_loop3A_323 = arith.index_cast %parallel_loop3A_322 : i32 to index
        %parallel_loop3A_324 = arith.index_cast %parallel_loop3A_260 : i32 to index
        %parallel_loop3A_325 = tpu.vector_load %arg9[%parallel_loop3A_323, %parallel_loop3A_324] {strides = array<i32>} : memref<8x1024xf32, #tpu.memory_space<vmem>>, vector<1x16xf32>,
        %parallel_loop3A_326 = vector.shape_cast %parallel_loop3A_325 : vector<1x16xf32> to vector<16xf32>
        %parallel_loop3A_327 = arith.constant 3.200000e+01 : f32
        %parallel_loop3A_328 = vector.broadcast %parallel_loop3A_327 : f32 to vector<16xf32>
        %parallel_loop3A_329 = arith.mulf %parallel_loop3A_326, %parallel_loop3A_328 : vector<16xf32>
        %parallel_loop3A_330 = arith.addf %parallel_loop3A_329, %parallel_loop3A_270 : vector<16xf32>
        %parallel_loop3A_331 = arith.constant 0 : i32
        %parallel_loop3A_332 = arith.constant 3 : i32
        %parallel_loop3A_333 = arith.index_cast %parallel_loop3A_331 : i32 to index
        %parallel_loop3A_334 = arith.index_cast %parallel_loop3A_332 : i32 to index
        %parallel_loop3A_335 = arith.index_cast %parallel_loop3A_260 : i32 to index
        %parallel_loop3A_336 = tpu.vector_load %arg13[%parallel_loop3A_333, %parallel_loop3A_334, %parallel_loop3A_335] {strides = array<i32>} : memref<2x4x1024xf32, #tpu.memory_space<vmem>>, vector<1x1x16xf32>,
        %parallel_loop3A_337 = vector.shape_cast %parallel_loop3A_336 : vector<1x1x16xf32> to vector<16xf32>
        %parallel_loop3A_338 = vector.shape_cast %parallel_loop3A_330 : vector<16xf32> to vector<1x1x16xf32>
        tpu.vector_store %arg13[%parallel_loop3A_333, %parallel_loop3A_334, %parallel_loop3A_335], %parallel_loop3A_338 {strides = array<i32>} : memref<2x4x1024xf32, #tpu.memory_space<vmem>>, vector<1x1x16xf32>,
        %parallel_loop3A_339 = arith.constant 2 : i32
        %parallel_loop3A_340 = arith.muli %add3A_160, %parallel_loop3A_339 : i32
        %parallel_loop3A_341 = arith.constant 1 : i32
        %parallel_loop3A_342 = arith.addi %parallel_loop3A_340, %parallel_loop3A_341 : i32
        %parallel_loop3A_343 = arith.constant 0 : i32
        %parallel_loop3A_344 = arith.index_cast %parallel_loop3A_342 : i32 to index
        %parallel_loop3A_345 = arith.index_cast %parallel_loop3A_343 : i32 to index
        %parallel_loop3A_346 = arith.index_cast %parallel_loop3A_260 : i32 to index
        %parallel_loop3A_347 = tpu.vector_load %arg7[%parallel_loop3A_344, %parallel_loop3A_345, %parallel_loop3A_346] {strides = array<i32>} : memref<64x1x1024xf32, #tpu.memory_space<vmem>>, vector<1x1x16xf32>,
        %parallel_loop3A_348 = vector.shape_cast %parallel_loop3A_347 : vector<1x1x16xf32> to vector<16xf32>
        %parallel_loop3A_349 = arith.constant 4 : i32
        %parallel_loop3A_350 = arith.index_cast %parallel_loop3A_349 : i32 to index
        %parallel_loop3A_351 = arith.index_cast %parallel_loop3A_260 : i32 to index
        %parallel_loop3A_352 = tpu.vector_load %arg9[%parallel_loop3A_350, %parallel_loop3A_351] {strides = array<i32>} : memref<8x1024xf32, #tpu.memory_space<vmem>>, vector<1x16xf32>,
        %parallel_loop3A_353 = vector.shape_cast %parallel_loop3A_352 : vector<1x16xf32> to vector<16xf32>
        %parallel_loop3A_354 = arith.constant 3.200000e+01 : f32
        %parallel_loop3A_355 = vector.broadcast %parallel_loop3A_354 : f32 to vector<16xf32>
        %parallel_loop3A_356 = arith.mulf %parallel_loop3A_353, %parallel_loop3A_355 : vector<16xf32>
        %parallel_loop3A_357 = arith.addf %parallel_loop3A_356, %parallel_loop3A_348 : vector<16xf32>
        %parallel_loop3A_358 = arith.constant 1 : i32
        %parallel_loop3A_359 = arith.constant 0 : i32
        %parallel_loop3A_360 = arith.index_cast %parallel_loop3A_358 : i32 to index
        %parallel_loop3A_361 = arith.index_cast %parallel_loop3A_359 : i32 to index
        %parallel_loop3A_362 = arith.index_cast %parallel_loop3A_260 : i32 to index
        %parallel_loop3A_363 = tpu.vector_load %arg13[%parallel_loop3A_360, %parallel_loop3A_361, %parallel_loop3A_362] {strides = array<i32>} : memref<2x4x1024xf32, #tpu.memory_space<vmem>>, vector<1x1x16xf32>,
        %parallel_loop3A_364 = vector.shape_cast %parallel_loop3A_363 : vector<1x1x16xf32> to vector<16xf32>
        %parallel_loop3A_365 = vector.shape_cast %parallel_loop3A_357 : vector<16xf32> to vector<1x1x16xf32>
        tpu.vector_store %arg13[%parallel_loop3A_360, %parallel_loop3A_361, %parallel_loop3A_362], %parallel_loop3A_365 {strides = array<i32>} : memref<2x4x1024xf32, #tpu.memory_space<vmem>>, vector<1x1x16xf32>,
        %parallel_loop3A_366 = arith.constant 5 : i32
        %parallel_loop3A_367 = arith.index_cast %parallel_loop3A_366 : i32 to index
        %parallel_loop3A_368 = arith.index_cast %parallel_loop3A_260 : i32 to index
        %parallel_loop3A_369 = tpu.vector_load %arg9[%parallel_loop3A_367, %parallel_loop3A_368] {strides = array<i32>} : memref<8x1024xf32, #tpu.memory_space<vmem>>, vector<1x16xf32>,
        %parallel_loop3A_370 = vector.shape_cast %parallel_loop3A_369 : vector<1x16xf32> to vector<16xf32>
        %parallel_loop3A_371 = arith.constant 3.200000e+01 : f32
        %parallel_loop3A_372 = vector.broadcast %parallel_loop3A_371 : f32 to vector<16xf32>
        %parallel_loop3A_373 = arith.mulf %parallel_loop3A_370, %parallel_loop3A_372 : vector<16xf32>
        %parallel_loop3A_374 = arith.addf %parallel_loop3A_373, %parallel_loop3A_348 : vector<16xf32>
        %parallel_loop3A_375 = arith.constant 1 : i32
        %parallel_loop3A_376 = arith.constant 1 : i32
        %parallel_loop3A_377 = arith.index_cast %parallel_loop3A_375 : i32 to index
        %parallel_loop3A_378 = arith.index_cast %parallel_loop3A_376 : i32 to index
        %parallel_loop3A_379 = arith.index_cast %parallel_loop3A_260 : i32 to index
        %parallel_loop3A_380 = tpu.vector_load %arg13[%parallel_loop3A_377, %parallel_loop3A_378, %parallel_loop3A_379] {strides = array<i32>} : memref<2x4x1024xf32, #tpu.memory_space<vmem>>, vector<1x1x16xf32>,
        %parallel_loop3A_381 = vector.shape_cast %parallel_loop3A_380 : vector<1x1x16xf32> to vector<16xf32>
        %parallel_loop3A_382 = vector.shape_cast %parallel_loop3A_374 : vector<16xf32> to vector<1x1x16xf32>
        tpu.vector_store %arg13[%parallel_loop3A_377, %parallel_loop3A_378, %parallel_loop3A_379], %parallel_loop3A_382 {strides = array<i32>} : memref<2x4x1024xf32, #tpu.memory_space<vmem>>, vector<1x1x16xf32>,
        %parallel_loop3A_383 = arith.constant 6 : i32
        %parallel_loop3A_384 = arith.index_cast %parallel_loop3A_383 : i32 to index
        %parallel_loop3A_385 = arith.index_cast %parallel_loop3A_260 : i32 to index
        %parallel_loop3A_386 = tpu.vector_load %arg9[%parallel_loop3A_384, %parallel_loop3A_385] {strides = array<i32>} : memref<8x1024xf32, #tpu.memory_space<vmem>>, vector<1x16xf32>,
        %parallel_loop3A_387 = vector.shape_cast %parallel_loop3A_386 : vector<1x16xf32> to vector<16xf32>
        %parallel_loop3A_388 = arith.constant 3.200000e+01 : f32
        %parallel_loop3A_389 = vector.broadcast %parallel_loop3A_388 : f32 to vector<16xf32>
        %parallel_loop3A_390 = arith.mulf %parallel_loop3A_387, %parallel_loop3A_389 : vector<16xf32>
        %parallel_loop3A_391 = arith.addf %parallel_loop3A_390, %parallel_loop3A_348 : vector<16xf32>
        %parallel_loop3A_392 = arith.constant 1 : i32
        %parallel_loop3A_393 = arith.constant 2 : i32
        %parallel_loop3A_394 = arith.index_cast %parallel_loop3A_392 : i32 to index
        %parallel_loop3A_395 = arith.index_cast %parallel_loop3A_393 : i32 to index
        %parallel_loop3A_396 = arith.index_cast %parallel_loop3A_260 : i32 to index
        %parallel_loop3A_397 = tpu.vector_load %arg13[%parallel_loop3A_394, %parallel_loop3A_395, %parallel_loop3A_396] {strides = array<i32>} : memref<2x4x1024xf32, #tpu.memory_space<vmem>>, vector<1x1x16xf32>,
        %parallel_loop3A_398 = vector.shape_cast %parallel_loop3A_397 : vector<1x1x16xf32> to vector<16xf32>
        %parallel_loop3A_399 = vector.shape_cast %parallel_loop3A_391 : vector<16xf32> to vector<1x1x16xf32>
        tpu.vector_store %arg13[%parallel_loop3A_394, %parallel_loop3A_395, %parallel_loop3A_396], %parallel_loop3A_399 {strides = array<i32>} : memref<2x4x1024xf32, #tpu.memory_space<vmem>>, vector<1x1x16xf32>,
        %parallel_loop3A_400 = arith.constant 7 : i32
        %parallel_loop3A_401 = arith.index_cast %parallel_loop3A_400 : i32 to index
        %parallel_loop3A_402 = arith.index_cast %parallel_loop3A_260 : i32 to index
        %parallel_loop3A_403 = tpu.vector_load %arg9[%parallel_loop3A_401, %parallel_loop3A_402] {strides = array<i32>} : memref<8x1024xf32, #tpu.memory_space<vmem>>, vector<1x16xf32>,
        %parallel_loop3A_404 = vector.shape_cast %parallel_loop3A_403 : vector<1x16xf32> to vector<16xf32>
        %parallel_loop3A_405 = arith.constant 3.200000e+01 : f32
        %parallel_loop3A_406 = vector.broadcast %parallel_loop3A_405 : f32 to vector<16xf32>
        %parallel_loop3A_407 = arith.mulf %parallel_loop3A_404, %parallel_loop3A_406 : vector<16xf32>
        %parallel_loop3A_408 = arith.addf %parallel_loop3A_407, %parallel_loop3A_348 : vector<16xf32>
        %parallel_loop3A_409 = arith.constant 1 : i32
        %parallel_loop3A_410 = arith.constant 3 : i32
        %parallel_loop3A_411 = arith.index_cast %parallel_loop3A_409 : i32 to index
        %parallel_loop3A_412 = arith.index_cast %parallel_loop3A_410 : i32 to index
        %parallel_loop3A_413 = arith.index_cast %parallel_loop3A_260 : i32 to index
        %parallel_loop3A_414 = tpu.vector_load %arg13[%parallel_loop3A_411, %parallel_loop3A_412, %parallel_loop3A_413] {strides = array<i32>} : memref<2x4x1024xf32, #tpu.memory_space<vmem>>, vector<1x1x16xf32>,
        %parallel_loop3A_415 = vector.shape_cast %parallel_loop3A_414 : vector<1x1x16xf32> to vector<16xf32>
        %parallel_loop3A_416 = vector.shape_cast %parallel_loop3A_408 : vector<16xf32> to vector<1x1x16xf32>
        tpu.vector_store %arg13[%parallel_loop3A_411, %parallel_loop3A_412, %parallel_loop3A_413], %parallel_loop3A_416 {strides = array<i32>} : memref<2x4x1024xf32, #tpu.memory_space<vmem>>, vector<1x1x16xf32>,
      } {sc.loop_unroll_factor = 16 : i64, sc.parallel_access}
      %mul3A_175 = arith.constant 2 : i32
      %mul3A_176 = arith.muli %add3A_160, %mul3A_175 : i32
      %add3A_177 = arith.addi %mul3A_4, %mul3A_176 : i32
      %dma_start3A_178 = arith.constant 0 : i32
      %dma_start3A_179 = arith.constant 0 : i32
      %dma_start3A_180 = tpu.memref_slice %arg5[%add3A_177, %dma_start3A_178, %dma_start3A_179] : memref<2048x4x1024xf32, #tpu.memory_space<hbm>> -> memref<2x4x1024xf32, #tpu.memory_space<hbm>>
      %dma_start3A_181 = arith.constant 0 : i32
      %dma_start3A_182 = arith.constant 0 : i32
      %dma_start3A_183 = tpu.memref_slice %arg5[%add3A_177, %dma_start3A_181, %dma_start3A_182] : memref<2048x4x1024xf32, #tpu.memory_space<hbm>> -> memref<2x4x1024xf32, #tpu.memory_space<hbm>>
      tpu.enqueue_dma source(%arg13 : memref<2x4x1024xf32, #tpu.memory_space<vmem>>) target(%dma_start3A_183 : memref<2x4x1024xf32, #tpu.memory_space<hbm>>) target_semaphore(%arg19 : memref<!tpu.dma_semaphore, #tpu.memory_space<semaphore_mem>>)
      %lt3A_184 = arith.constant 7 : i32
      %lt3A_185 = arith.cmpi slt, %scan3A_122, %lt3A_184 : i32
      %convert_element_type3A_186 = arith.extui %lt3A_185 : i1 to i32
      %cond3A_187 = arith.constant 0 : i32
      %cond3A_188 = arith.cmpi ne, %convert_element_type3A_186, %cond3A_187 : i32
      scf.if %cond3A_188 {
        %add3A_259 = arith.constant 4 : i32
        %add3A_260 = arith.addi %add3A_160, %add3A_259 : i32
        %mul3A_261 = arith.constant 8 : i32
        %mul3A_262 = arith.muli %add3A_260, %mul3A_261 : i32
        %dma_start3A_263 = tpu.memref_slice %arg6[%mul3A_262] : memref<256xi32, #tpu.memory_space<vmem>> -> memref<8xi32, #tpu.memory_space<vmem>>
        %dma_start3A_264 = arith.constant 0 : i32
        %dma_start3A_265 = arith.constant 0 : i32
        %dma_start3A_266 = tpu.memref_slice %arg4[%dma_start3A_264, %dma_start3A_265] : memref<100000x1024xf32, #tpu.memory_space<hbm>> -> memref<100000x1024xf32, #tpu.memory_space<hbm>>
        tpu.enqueue_indirect_dma source(%dma_start3A_266 : memref<100000x1024xf32, #tpu.memory_space<hbm>>) target(%arg9 : memref<8x1024xf32, #tpu.memory_space<vmem>>) offsets(%dma_start3A_263 : memref<8xi32, #tpu.memory_space<vmem>>) semaphore(%arg15 : memref<!tpu.dma_semaphore, #tpu.memory_space<semaphore_mem>>)
      } else {
      }
      %mul3A_189 = arith.constant 4 : i32
      %mul3A_190 = arith.muli %mul3A_189, %scan3A_122 : i32
      %add3A_191 = arith.constant 2 : i32
      %add3A_192 = arith.addi %mul3A_190, %add3A_191 : i32
      %dma_wait3A_193 = arith.constant 0 : i32
      %dma_wait3A_194 = arith.constant 0 : i32
      %dma_wait3A_195 = tpu.memref_slice %arg4[%dma_wait3A_193, %dma_wait3A_194] : memref<100000x1024xf32, #tpu.memory_space<hbm>> -> memref<8x1024xf32, #tpu.memory_space<hbm>>
      %dma_wait3A_196 = arith.constant 0 : i32
      %dma_wait3A_197 = arith.constant 0 : i32
      %dma_wait3A_198 = tpu.memref_slice %arg4[%dma_wait3A_196, %dma_wait3A_197] : memref<100000x1024xf32, #tpu.memory_space<hbm>> -> memref<8x1024xf32, #tpu.memory_space<hbm>>
      tpu.wait_dma2 semaphore(%arg16 : memref<!tpu.dma_semaphore, #tpu.memory_space<semaphore_mem>>) src(%dma_wait3A_198 : memref<8x1024xf32, #tpu.memory_space<hbm>>) dst(%arg10 : memref<8x1024xf32, #tpu.memory_space<vmem>>)
      %dma_wait3A_199 = arith.constant 0 : i32
      %dma_wait3A_200 = arith.constant 0 : i32
      %dma_wait3A_201 = arith.constant 0 : i32
      %dma_wait3A_202 = tpu.memref_slice %arg5[%dma_wait3A_199, %dma_wait3A_200, %dma_wait3A_201] : memref<2048x4x1024xf32, #tpu.memory_space<hbm>> -> memref<2x4x1024xf32, #tpu.memory_space<hbm>>
      %dma_wait3A_203 = arith.constant 0 : i32
      %dma_wait3A_204 = arith.constant 0 : i32
      %dma_wait3A_205 = arith.constant 0 : i32
      %dma_wait3A_206 = tpu.memref_slice %arg5[%dma_wait3A_203, %dma_wait3A_204, %dma_wait3A_205] : memref<2048x4x1024xf32, #tpu.memory_space<hbm>> -> memref<2x4x1024xf32, #tpu.memory_space<hbm>>
      tpu.wait_dma2 semaphore(%arg18 : memref<!tpu.dma_semaphore, #tpu.memory_space<semaphore_mem>>) src(%dma_wait3A_206 : memref<2x4x1024xf32, #tpu.memory_space<hbm>>) dst(%arg12 : memref<2x4x1024xf32, #tpu.memory_space<vmem>>)
      %parallel_loop3A_207 = arith.constant 0 : i32
      %parallel_loop3A_208 = arith.constant 1024 : i32
      %parallel_loop3A_209 = arith.constant 16 : i32
      scf.for %parallel_loop3A_259 = %parallel_loop3A_207 to %parallel_loop3A_208 step %parallel_loop3A_209  : i32 {
        %parallel_loop3A_260 = tpu.assume_multiple %parallel_loop3A_259, 16 : i32
        %parallel_loop3A_261 = arith.constant 2 : i32
        %parallel_loop3A_262 = arith.muli %add3A_192, %parallel_loop3A_261 : i32
        %parallel_loop3A_263 = arith.constant 0 : i32
        %parallel_loop3A_264 = arith.addi %parallel_loop3A_262, %parallel_loop3A_263 : i32
        %parallel_loop3A_265 = arith.constant 0 : i32
        %parallel_loop3A_266 = arith.index_cast %parallel_loop3A_264 : i32 to index
        %parallel_loop3A_267 = arith.index_cast %parallel_loop3A_265 : i32 to index
        %parallel_loop3A_268 = arith.index_cast %parallel_loop3A_260 : i32 to index
        %parallel_loop3A_269 = tpu.vector_load %arg7[%parallel_loop3A_266, %parallel_loop3A_267, %parallel_loop3A_268] {strides = array<i32>} : memref<64x1x1024xf32, #tpu.memory_space<vmem>>, vector<1x1x16xf32>,
        %parallel_loop3A_270 = vector.shape_cast %parallel_loop3A_269 : vector<1x1x16xf32> to vector<16xf32>
        %parallel_loop3A_271 = arith.constant 0 : i32
        %parallel_loop3A_272 = arith.index_cast %parallel_loop3A_271 : i32 to index
        %parallel_loop3A_273 = arith.index_cast %parallel_loop3A_260 : i32 to index
        %parallel_loop3A_274 = tpu.vector_load %arg10[%parallel_loop3A_272, %parallel_loop3A_273] {strides = array<i32>} : memref<8x1024xf32, #tpu.memory_space<vmem>>, vector<1x16xf32>,
        %parallel_loop3A_275 = vector.shape_cast %parallel_loop3A_274 : vector<1x16xf32> to vector<16xf32>
        %parallel_loop3A_276 = arith.constant 3.200000e+01 : f32
        %parallel_loop3A_277 = vector.broadcast %parallel_loop3A_276 : f32 to vector<16xf32>
        %parallel_loop3A_278 = arith.mulf %parallel_loop3A_275, %parallel_loop3A_277 : vector<16xf32>
        %parallel_loop3A_279 = arith.addf %parallel_loop3A_278, %parallel_loop3A_270 : vector<16xf32>
        %parallel_loop3A_280 = arith.constant 0 : i32
        %parallel_loop3A_281 = arith.constant 0 : i32
        %parallel_loop3A_282 = arith.index_cast %parallel_loop3A_280 : i32 to index
        %parallel_loop3A_283 = arith.index_cast %parallel_loop3A_281 : i32 to index
        %parallel_loop3A_284 = arith.index_cast %parallel_loop3A_260 : i32 to index
        %parallel_loop3A_285 = tpu.vector_load %arg12[%parallel_loop3A_282, %parallel_loop3A_283, %parallel_loop3A_284] {strides = array<i32>} : memref<2x4x1024xf32, #tpu.memory_space<vmem>>, vector<1x1x16xf32>,
        %parallel_loop3A_286 = vector.shape_cast %parallel_loop3A_285 : vector<1x1x16xf32> to vector<16xf32>
        %parallel_loop3A_287 = vector.shape_cast %parallel_loop3A_279 : vector<16xf32> to vector<1x1x16xf32>
        tpu.vector_store %arg12[%parallel_loop3A_282, %parallel_loop3A_283, %parallel_loop3A_284], %parallel_loop3A_287 {strides = array<i32>} : memref<2x4x1024xf32, #tpu.memory_space<vmem>>, vector<1x1x16xf32>,
        %parallel_loop3A_288 = arith.constant 1 : i32
        %parallel_loop3A_289 = arith.index_cast %parallel_loop3A_288 : i32 to index
        %parallel_loop3A_290 = arith.index_cast %parallel_loop3A_260 : i32 to index
        %parallel_loop3A_291 = tpu.vector_load %arg10[%parallel_loop3A_289, %parallel_loop3A_290] {strides = array<i32>} : memref<8x1024xf32, #tpu.memory_space<vmem>>, vector<1x16xf32>,
        %parallel_loop3A_292 = vector.shape_cast %parallel_loop3A_291 : vector<1x16xf32> to vector<16xf32>
        %parallel_loop3A_293 = arith.constant 3.200000e+01 : f32
        %parallel_loop3A_294 = vector.broadcast %parallel_loop3A_293 : f32 to vector<16xf32>
        %parallel_loop3A_295 = arith.mulf %parallel_loop3A_292, %parallel_loop3A_294 : vector<16xf32>
        %parallel_loop3A_296 = arith.addf %parallel_loop3A_295, %parallel_loop3A_270 : vector<16xf32>
        %parallel_loop3A_297 = arith.constant 0 : i32
        %parallel_loop3A_298 = arith.constant 1 : i32
        %parallel_loop3A_299 = arith.index_cast %parallel_loop3A_297 : i32 to index
        %parallel_loop3A_300 = arith.index_cast %parallel_loop3A_298 : i32 to index
        %parallel_loop3A_301 = arith.index_cast %parallel_loop3A_260 : i32 to index
        %parallel_loop3A_302 = tpu.vector_load %arg12[%parallel_loop3A_299, %parallel_loop3A_300, %parallel_loop3A_301] {strides = array<i32>} : memref<2x4x1024xf32, #tpu.memory_space<vmem>>, vector<1x1x16xf32>,
        %parallel_loop3A_303 = vector.shape_cast %parallel_loop3A_302 : vector<1x1x16xf32> to vector<16xf32>
        %parallel_loop3A_304 = vector.shape_cast %parallel_loop3A_296 : vector<16xf32> to vector<1x1x16xf32>
        tpu.vector_store %arg12[%parallel_loop3A_299, %parallel_loop3A_300, %parallel_loop3A_301], %parallel_loop3A_304 {strides = array<i32>} : memref<2x4x1024xf32, #tpu.memory_space<vmem>>, vector<1x1x16xf32>,
        %parallel_loop3A_305 = arith.constant 2 : i32
        %parallel_loop3A_306 = arith.index_cast %parallel_loop3A_305 : i32 to index
        %parallel_loop3A_307 = arith.index_cast %parallel_loop3A_260 : i32 to index
        %parallel_loop3A_308 = tpu.vector_load %arg10[%parallel_loop3A_306, %parallel_loop3A_307] {strides = array<i32>} : memref<8x1024xf32, #tpu.memory_space<vmem>>, vector<1x16xf32>,
        %parallel_loop3A_309 = vector.shape_cast %parallel_loop3A_308 : vector<1x16xf32> to vector<16xf32>
        %parallel_loop3A_310 = arith.constant 3.200000e+01 : f32
        %parallel_loop3A_311 = vector.broadcast %parallel_loop3A_310 : f32 to vector<16xf32>
        %parallel_loop3A_312 = arith.mulf %parallel_loop3A_309, %parallel_loop3A_311 : vector<16xf32>
        %parallel_loop3A_313 = arith.addf %parallel_loop3A_312, %parallel_loop3A_270 : vector<16xf32>
        %parallel_loop3A_314 = arith.constant 0 : i32
        %parallel_loop3A_315 = arith.constant 2 : i32
        %parallel_loop3A_316 = arith.index_cast %parallel_loop3A_314 : i32 to index
        %parallel_loop3A_317 = arith.index_cast %parallel_loop3A_315 : i32 to index
        %parallel_loop3A_318 = arith.index_cast %parallel_loop3A_260 : i32 to index
        %parallel_loop3A_319 = tpu.vector_load %arg12[%parallel_loop3A_316, %parallel_loop3A_317, %parallel_loop3A_318] {strides = array<i32>} : memref<2x4x1024xf32, #tpu.memory_space<vmem>>, vector<1x1x16xf32>,
        %parallel_loop3A_320 = vector.shape_cast %parallel_loop3A_319 : vector<1x1x16xf32> to vector<16xf32>
        %parallel_loop3A_321 = vector.shape_cast %parallel_loop3A_313 : vector<16xf32> to vector<1x1x16xf32>
        tpu.vector_store %arg12[%parallel_loop3A_316, %parallel_loop3A_317, %parallel_loop3A_318], %parallel_loop3A_321 {strides = array<i32>} : memref<2x4x1024xf32, #tpu.memory_space<vmem>>, vector<1x1x16xf32>,
        %parallel_loop3A_322 = arith.constant 3 : i32
        %parallel_loop3A_323 = arith.index_cast %parallel_loop3A_322 : i32 to index
        %parallel_loop3A_324 = arith.index_cast %parallel_loop3A_260 : i32 to index
        %parallel_loop3A_325 = tpu.vector_load %arg10[%parallel_loop3A_323, %parallel_loop3A_324] {strides = array<i32>} : memref<8x1024xf32, #tpu.memory_space<vmem>>, vector<1x16xf32>,
        %parallel_loop3A_326 = vector.shape_cast %parallel_loop3A_325 : vector<1x16xf32> to vector<16xf32>
        %parallel_loop3A_327 = arith.constant 3.200000e+01 : f32
        %parallel_loop3A_328 = vector.broadcast %parallel_loop3A_327 : f32 to vector<16xf32>
        %parallel_loop3A_329 = arith.mulf %parallel_loop3A_326, %parallel_loop3A_328 : vector<16xf32>
        %parallel_loop3A_330 = arith.addf %parallel_loop3A_329, %parallel_loop3A_270 : vector<16xf32>
        %parallel_loop3A_331 = arith.constant 0 : i32
        %parallel_loop3A_332 = arith.constant 3 : i32
        %parallel_loop3A_333 = arith.index_cast %parallel_loop3A_331 : i32 to index
        %parallel_loop3A_334 = arith.index_cast %parallel_loop3A_332 : i32 to index
        %parallel_loop3A_335 = arith.index_cast %parallel_loop3A_260 : i32 to index
        %parallel_loop3A_336 = tpu.vector_load %arg12[%parallel_loop3A_333, %parallel_loop3A_334, %parallel_loop3A_335] {strides = array<i32>} : memref<2x4x1024xf32, #tpu.memory_space<vmem>>, vector<1x1x16xf32>,
        %parallel_loop3A_337 = vector.shape_cast %parallel_loop3A_336 : vector<1x1x16xf32> to vector<16xf32>
        %parallel_loop3A_338 = vector.shape_cast %parallel_loop3A_330 : vector<16xf32> to vector<1x1x16xf32>
        tpu.vector_store %arg12[%parallel_loop3A_333, %parallel_loop3A_334, %parallel_loop3A_335], %parallel_loop3A_338 {strides = array<i32>} : memref<2x4x1024xf32, #tpu.memory_space<vmem>>, vector<1x1x16xf32>,
        %parallel_loop3A_339 = arith.constant 2 : i32
        %parallel_loop3A_340 = arith.muli %add3A_192, %parallel_loop3A_339 : i32
        %parallel_loop3A_341 = arith.constant 1 : i32
        %parallel_loop3A_342 = arith.addi %parallel_loop3A_340, %parallel_loop3A_341 : i32
        %parallel_loop3A_343 = arith.constant 0 : i32
        %parallel_loop3A_344 = arith.index_cast %parallel_loop3A_342 : i32 to index
        %parallel_loop3A_345 = arith.index_cast %parallel_loop3A_343 : i32 to index
        %parallel_loop3A_346 = arith.index_cast %parallel_loop3A_260 : i32 to index
        %parallel_loop3A_347 = tpu.vector_load %arg7[%parallel_loop3A_344, %parallel_loop3A_345, %parallel_loop3A_346] {strides = array<i32>} : memref<64x1x1024xf32, #tpu.memory_space<vmem>>, vector<1x1x16xf32>,
        %parallel_loop3A_348 = vector.shape_cast %parallel_loop3A_347 : vector<1x1x16xf32> to vector<16xf32>
        %parallel_loop3A_349 = arith.constant 4 : i32
        %parallel_loop3A_350 = arith.index_cast %parallel_loop3A_349 : i32 to index
        %parallel_loop3A_351 = arith.index_cast %parallel_loop3A_260 : i32 to index
        %parallel_loop3A_352 = tpu.vector_load %arg10[%parallel_loop3A_350, %parallel_loop3A_351] {strides = array<i32>} : memref<8x1024xf32, #tpu.memory_space<vmem>>, vector<1x16xf32>,
        %parallel_loop3A_353 = vector.shape_cast %parallel_loop3A_352 : vector<1x16xf32> to vector<16xf32>
        %parallel_loop3A_354 = arith.constant 3.200000e+01 : f32
        %parallel_loop3A_355 = vector.broadcast %parallel_loop3A_354 : f32 to vector<16xf32>
        %parallel_loop3A_356 = arith.mulf %parallel_loop3A_353, %parallel_loop3A_355 : vector<16xf32>
        %parallel_loop3A_357 = arith.addf %parallel_loop3A_356, %parallel_loop3A_348 : vector<16xf32>
        %parallel_loop3A_358 = arith.constant 1 : i32
        %parallel_loop3A_359 = arith.constant 0 : i32
        %parallel_loop3A_360 = arith.index_cast %parallel_loop3A_358 : i32 to index
        %parallel_loop3A_361 = arith.index_cast %parallel_loop3A_359 : i32 to index
        %parallel_loop3A_362 = arith.index_cast %parallel_loop3A_260 : i32 to index
        %parallel_loop3A_363 = tpu.vector_load %arg12[%parallel_loop3A_360, %parallel_loop3A_361, %parallel_loop3A_362] {strides = array<i32>} : memref<2x4x1024xf32, #tpu.memory_space<vmem>>, vector<1x1x16xf32>,
        %parallel_loop3A_364 = vector.shape_cast %parallel_loop3A_363 : vector<1x1x16xf32> to vector<16xf32>
        %parallel_loop3A_365 = vector.shape_cast %parallel_loop3A_357 : vector<16xf32> to vector<1x1x16xf32>
        tpu.vector_store %arg12[%parallel_loop3A_360, %parallel_loop3A_361, %parallel_loop3A_362], %parallel_loop3A_365 {strides = array<i32>} : memref<2x4x1024xf32, #tpu.memory_space<vmem>>, vector<1x1x16xf32>,
        %parallel_loop3A_366 = arith.constant 5 : i32
        %parallel_loop3A_367 = arith.index_cast %parallel_loop3A_366 : i32 to index
        %parallel_loop3A_368 = arith.index_cast %parallel_loop3A_260 : i32 to index
        %parallel_loop3A_369 = tpu.vector_load %arg10[%parallel_loop3A_367, %parallel_loop3A_368] {strides = array<i32>} : memref<8x1024xf32, #tpu.memory_space<vmem>>, vector<1x16xf32>,
        %parallel_loop3A_370 = vector.shape_cast %parallel_loop3A_369 : vector<1x16xf32> to vector<16xf32>
        %parallel_loop3A_371 = arith.constant 3.200000e+01 : f32
        %parallel_loop3A_372 = vector.broadcast %parallel_loop3A_371 : f32 to vector<16xf32>
        %parallel_loop3A_373 = arith.mulf %parallel_loop3A_370, %parallel_loop3A_372 : vector<16xf32>
        %parallel_loop3A_374 = arith.addf %parallel_loop3A_373, %parallel_loop3A_348 : vector<16xf32>
        %parallel_loop3A_375 = arith.constant 1 : i32
        %parallel_loop3A_376 = arith.constant 1 : i32
        %parallel_loop3A_377 = arith.index_cast %parallel_loop3A_375 : i32 to index
        %parallel_loop3A_378 = arith.index_cast %parallel_loop3A_376 : i32 to index
        %parallel_loop3A_379 = arith.index_cast %parallel_loop3A_260 : i32 to index
        %parallel_loop3A_380 = tpu.vector_load %arg12[%parallel_loop3A_377, %parallel_loop3A_378, %parallel_loop3A_379] {strides = array<i32>} : memref<2x4x1024xf32, #tpu.memory_space<vmem>>, vector<1x1x16xf32>,
        %parallel_loop3A_381 = vector.shape_cast %parallel_loop3A_380 : vector<1x1x16xf32> to vector<16xf32>
        %parallel_loop3A_382 = vector.shape_cast %parallel_loop3A_374 : vector<16xf32> to vector<1x1x16xf32>
        tpu.vector_store %arg12[%parallel_loop3A_377, %parallel_loop3A_378, %parallel_loop3A_379], %parallel_loop3A_382 {strides = array<i32>} : memref<2x4x1024xf32, #tpu.memory_space<vmem>>, vector<1x1x16xf32>,
        %parallel_loop3A_383 = arith.constant 6 : i32
        %parallel_loop3A_384 = arith.index_cast %parallel_loop3A_383 : i32 to index
        %parallel_loop3A_385 = arith.index_cast %parallel_loop3A_260 : i32 to index
        %parallel_loop3A_386 = tpu.vector_load %arg10[%parallel_loop3A_384, %parallel_loop3A_385] {strides = array<i32>} : memref<8x1024xf32, #tpu.memory_space<vmem>>, vector<1x16xf32>,
        %parallel_loop3A_387 = vector.shape_cast %parallel_loop3A_386 : vector<1x16xf32> to vector<16xf32>
        %parallel_loop3A_388 = arith.constant 3.200000e+01 : f32
        %parallel_loop3A_389 = vector.broadcast %parallel_loop3A_388 : f32 to vector<16xf32>
        %parallel_loop3A_390 = arith.mulf %parallel_loop3A_387, %parallel_loop3A_389 : vector<16xf32>
        %parallel_loop3A_391 = arith.addf %parallel_loop3A_390, %parallel_loop3A_348 : vector<16xf32>
        %parallel_loop3A_392 = arith.constant 1 : i32
        %parallel_loop3A_393 = arith.constant 2 : i32
        %parallel_loop3A_394 = arith.index_cast %parallel_loop3A_392 : i32 to index
        %parallel_loop3A_395 = arith.index_cast %parallel_loop3A_393 : i32 to index
        %parallel_loop3A_396 = arith.index_cast %parallel_loop3A_260 : i32 to index
        %parallel_loop3A_397 = tpu.vector_load %arg12[%parallel_loop3A_394, %parallel_loop3A_395, %parallel_loop3A_396] {strides = array<i32>} : memref<2x4x1024xf32, #tpu.memory_space<vmem>>, vector<1x1x16xf32>,
        %parallel_loop3A_398 = vector.shape_cast %parallel_loop3A_397 : vector<1x1x16xf32> to vector<16xf32>
        %parallel_loop3A_399 = vector.shape_cast %parallel_loop3A_391 : vector<16xf32> to vector<1x1x16xf32>
        tpu.vector_store %arg12[%parallel_loop3A_394, %parallel_loop3A_395, %parallel_loop3A_396], %parallel_loop3A_399 {strides = array<i32>} : memref<2x4x1024xf32, #tpu.memory_space<vmem>>, vector<1x1x16xf32>,
        %parallel_loop3A_400 = arith.constant 7 : i32
        %parallel_loop3A_401 = arith.index_cast %parallel_loop3A_400 : i32 to index
        %parallel_loop3A_402 = arith.index_cast %parallel_loop3A_260 : i32 to index
        %parallel_loop3A_403 = tpu.vector_load %arg10[%parallel_loop3A_401, %parallel_loop3A_402] {strides = array<i32>} : memref<8x1024xf32, #tpu.memory_space<vmem>>, vector<1x16xf32>,
        %parallel_loop3A_404 = vector.shape_cast %parallel_loop3A_403 : vector<1x16xf32> to vector<16xf32>
        %parallel_loop3A_405 = arith.constant 3.200000e+01 : f32
        %parallel_loop3A_406 = vector.broadcast %parallel_loop3A_405 : f32 to vector<16xf32>
        %parallel_loop3A_407 = arith.mulf %parallel_loop3A_404, %parallel_loop3A_406 : vector<16xf32>
        %parallel_loop3A_408 = arith.addf %parallel_loop3A_407, %parallel_loop3A_348 : vector<16xf32>
        %parallel_loop3A_409 = arith.constant 1 : i32
        %parallel_loop3A_410 = arith.constant 3 : i32
        %parallel_loop3A_411 = arith.index_cast %parallel_loop3A_409 : i32 to index
        %parallel_loop3A_412 = arith.index_cast %parallel_loop3A_410 : i32 to index
        %parallel_loop3A_413 = arith.index_cast %parallel_loop3A_260 : i32 to index
        %parallel_loop3A_414 = tpu.vector_load %arg12[%parallel_loop3A_411, %parallel_loop3A_412, %parallel_loop3A_413] {strides = array<i32>} : memref<2x4x1024xf32, #tpu.memory_space<vmem>>, vector<1x1x16xf32>,
        %parallel_loop3A_415 = vector.shape_cast %parallel_loop3A_414 : vector<1x1x16xf32> to vector<16xf32>
        %parallel_loop3A_416 = vector.shape_cast %parallel_loop3A_408 : vector<16xf32> to vector<1x1x16xf32>
        tpu.vector_store %arg12[%parallel_loop3A_411, %parallel_loop3A_412, %parallel_loop3A_413], %parallel_loop3A_416 {strides = array<i32>} : memref<2x4x1024xf32, #tpu.memory_space<vmem>>, vector<1x1x16xf32>,
      } {sc.loop_unroll_factor = 16 : i64, sc.parallel_access}
      %mul3A_210 = arith.constant 2 : i32
      %mul3A_211 = arith.muli %add3A_192, %mul3A_210 : i32
      %add3A_212 = arith.addi %mul3A_4, %mul3A_211 : i32
      %dma_start3A_213 = arith.constant 0 : i32
      %dma_start3A_214 = arith.constant 0 : i32
      %dma_start3A_215 = tpu.memref_slice %arg5[%add3A_212, %dma_start3A_213, %dma_start3A_214] : memref<2048x4x1024xf32, #tpu.memory_space<hbm>> -> memref<2x4x1024xf32, #tpu.memory_space<hbm>>
      %dma_start3A_216 = arith.constant 0 : i32
      %dma_start3A_217 = arith.constant 0 : i32
      %dma_start3A_218 = tpu.memref_slice %arg5[%add3A_212, %dma_start3A_216, %dma_start3A_217] : memref<2048x4x1024xf32, #tpu.memory_space<hbm>> -> memref<2x4x1024xf32, #tpu.memory_space<hbm>>
      tpu.enqueue_dma source(%arg12 : memref<2x4x1024xf32, #tpu.memory_space<vmem>>) target(%dma_start3A_218 : memref<2x4x1024xf32, #tpu.memory_space<hbm>>) target_semaphore(%arg18 : memref<!tpu.dma_semaphore, #tpu.memory_space<semaphore_mem>>)
      %lt3A_219 = arith.constant 7 : i32
      %lt3A_220 = arith.cmpi slt, %scan3A_122, %lt3A_219 : i32
      %convert_element_type3A_221 = arith.extui %lt3A_220 : i1 to i32
      %cond3A_222 = arith.constant 0 : i32
      %cond3A_223 = arith.cmpi ne, %convert_element_type3A_221, %cond3A_222 : i32
      scf.if %cond3A_223 {
        %add3A_259 = arith.constant 4 : i32
        %add3A_260 = arith.addi %add3A_192, %add3A_259 : i32
        %mul3A_261 = arith.constant 8 : i32
        %mul3A_262 = arith.muli %add3A_260, %mul3A_261 : i32
        %dma_start3A_263 = tpu.memref_slice %arg6[%mul3A_262] : memref<256xi32, #tpu.memory_space<vmem>> -> memref<8xi32, #tpu.memory_space<vmem>>
        %dma_start3A_264 = arith.constant 0 : i32
        %dma_start3A_265 = arith.constant 0 : i32
        %dma_start3A_266 = tpu.memref_slice %arg4[%dma_start3A_264, %dma_start3A_265] : memref<100000x1024xf32, #tpu.memory_space<hbm>> -> memref<100000x1024xf32, #tpu.memory_space<hbm>>
        tpu.enqueue_indirect_dma source(%dma_start3A_266 : memref<100000x1024xf32, #tpu.memory_space<hbm>>) target(%arg10 : memref<8x1024xf32, #tpu.memory_space<vmem>>) offsets(%dma_start3A_263 : memref<8xi32, #tpu.memory_space<vmem>>) semaphore(%arg16 : memref<!tpu.dma_semaphore, #tpu.memory_space<semaphore_mem>>)
      } else {
      }
      %mul3A_224 = arith.constant 4 : i32
      %mul3A_225 = arith.muli %mul3A_224, %scan3A_122 : i32
      %add3A_226 = arith.constant 3 : i32
      %add3A_227 = arith.addi %mul3A_225, %add3A_226 : i32
      %dma_wait3A_228 = arith.constant 0 : i32
      %dma_wait3A_229 = arith.constant 0 : i32
      %dma_wait3A_230 = tpu.memref_slice %arg4[%dma_wait3A_228, %dma_wait3A_229] : memref<100000x1024xf32, #tpu.memory_space<hbm>> -> memref<8x1024xf32, #tpu.memory_space<hbm>>
      %dma_wait3A_231 = arith.constant 0 : i32
      %dma_wait3A_232 = arith.constant 0 : i32
      %dma_wait3A_233 = tpu.memref_slice %arg4[%dma_wait3A_231, %dma_wait3A_232] : memref<100000x1024xf32, #tpu.memory_space<hbm>> -> memref<8x1024xf32, #tpu.memory_space<hbm>>
      tpu.wait_dma2 semaphore(%arg17 : memref<!tpu.dma_semaphore, #tpu.memory_space<semaphore_mem>>) src(%dma_wait3A_233 : memref<8x1024xf32, #tpu.memory_space<hbm>>) dst(%arg11 : memref<8x1024xf32, #tpu.memory_space<vmem>>)
      %dma_wait3A_234 = arith.constant 0 : i32
      %dma_wait3A_235 = arith.constant 0 : i32
      %dma_wait3A_236 = arith.constant 0 : i32
      %dma_wait3A_237 = tpu.memref_slice %arg5[%dma_wait3A_234, %dma_wait3A_235, %dma_wait3A_236] : memref<2048x4x1024xf32, #tpu.memory_space<hbm>> -> memref<2x4x1024xf32, #tpu.memory_space<hbm>>
      %dma_wait3A_238 = arith.constant 0 : i32
      %dma_wait3A_239 = arith.constant 0 : i32
      %dma_wait3A_240 = arith.constant 0 : i32
      %dma_wait3A_241 = tpu.memref_slice %arg5[%dma_wait3A_238, %dma_wait3A_239, %dma_wait3A_240] : memref<2048x4x1024xf32, #tpu.memory_space<hbm>> -> memref<2x4x1024xf32, #tpu.memory_space<hbm>>
      tpu.wait_dma2 semaphore(%arg19 : memref<!tpu.dma_semaphore, #tpu.memory_space<semaphore_mem>>) src(%dma_wait3A_241 : memref<2x4x1024xf32, #tpu.memory_space<hbm>>) dst(%arg13 : memref<2x4x1024xf32, #tpu.memory_space<vmem>>)
      %parallel_loop3A_242 = arith.constant 0 : i32
      %parallel_loop3A_243 = arith.constant 1024 : i32
      %parallel_loop3A_244 = arith.constant 16 : i32
      scf.for %parallel_loop3A_259 = %parallel_loop3A_242 to %parallel_loop3A_243 step %parallel_loop3A_244  : i32 {
        %parallel_loop3A_260 = tpu.assume_multiple %parallel_loop3A_259, 16 : i32
        %parallel_loop3A_261 = arith.constant 2 : i32
        %parallel_loop3A_262 = arith.muli %add3A_227, %parallel_loop3A_261 : i32
        %parallel_loop3A_263 = arith.constant 0 : i32
        %parallel_loop3A_264 = arith.addi %parallel_loop3A_262, %parallel_loop3A_263 : i32
        %parallel_loop3A_265 = arith.constant 0 : i32
        %parallel_loop3A_266 = arith.index_cast %parallel_loop3A_264 : i32 to index
        %parallel_loop3A_267 = arith.index_cast %parallel_loop3A_265 : i32 to index
        %parallel_loop3A_268 = arith.index_cast %parallel_loop3A_260 : i32 to index
        %parallel_loop3A_269 = tpu.vector_load %arg7[%parallel_loop3A_266, %parallel_loop3A_267, %parallel_loop3A_268] {strides = array<i32>} : memref<64x1x1024xf32, #tpu.memory_space<vmem>>, vector<1x1x16xf32>,
        %parallel_loop3A_270 = vector.shape_cast %parallel_loop3A_269 : vector<1x1x16xf32> to vector<16xf32>
        %parallel_loop3A_271 = arith.constant 0 : i32
        %parallel_loop3A_272 = arith.index_cast %parallel_loop3A_271 : i32 to index
        %parallel_loop3A_273 = arith.index_cast %parallel_loop3A_260 : i32 to index
        %parallel_loop3A_274 = tpu.vector_load %arg11[%parallel_loop3A_272, %parallel_loop3A_273] {strides = array<i32>} : memref<8x1024xf32, #tpu.memory_space<vmem>>, vector<1x16xf32>,
        %parallel_loop3A_275 = vector.shape_cast %parallel_loop3A_274 : vector<1x16xf32> to vector<16xf32>
        %parallel_loop3A_276 = arith.constant 3.200000e+01 : f32
        %parallel_loop3A_277 = vector.broadcast %parallel_loop3A_276 : f32 to vector<16xf32>
        %parallel_loop3A_278 = arith.mulf %parallel_loop3A_275, %parallel_loop3A_277 : vector<16xf32>
        %parallel_loop3A_279 = arith.addf %parallel_loop3A_278, %parallel_loop3A_270 : vector<16xf32>
        %parallel_loop3A_280 = arith.constant 0 : i32
        %parallel_loop3A_281 = arith.constant 0 : i32
        %parallel_loop3A_282 = arith.index_cast %parallel_loop3A_280 : i32 to index
        %parallel_loop3A_283 = arith.index_cast %parallel_loop3A_281 : i32 to index
        %parallel_loop3A_284 = arith.index_cast %parallel_loop3A_260 : i32 to index
        %parallel_loop3A_285 = tpu.vector_load %arg13[%parallel_loop3A_282, %parallel_loop3A_283, %parallel_loop3A_284] {strides = array<i32>} : memref<2x4x1024xf32, #tpu.memory_space<vmem>>, vector<1x1x16xf32>,
        %parallel_loop3A_286 = vector.shape_cast %parallel_loop3A_285 : vector<1x1x16xf32> to vector<16xf32>
        %parallel_loop3A_287 = vector.shape_cast %parallel_loop3A_279 : vector<16xf32> to vector<1x1x16xf32>
        tpu.vector_store %arg13[%parallel_loop3A_282, %parallel_loop3A_283, %parallel_loop3A_284], %parallel_loop3A_287 {strides = array<i32>} : memref<2x4x1024xf32, #tpu.memory_space<vmem>>, vector<1x1x16xf32>,
        %parallel_loop3A_288 = arith.constant 1 : i32
        %parallel_loop3A_289 = arith.index_cast %parallel_loop3A_288 : i32 to index
        %parallel_loop3A_290 = arith.index_cast %parallel_loop3A_260 : i32 to index
        %parallel_loop3A_291 = tpu.vector_load %arg11[%parallel_loop3A_289, %parallel_loop3A_290] {strides = array<i32>} : memref<8x1024xf32, #tpu.memory_space<vmem>>, vector<1x16xf32>,
        %parallel_loop3A_292 = vector.shape_cast %parallel_loop3A_291 : vector<1x16xf32> to vector<16xf32>
        %parallel_loop3A_293 = arith.constant 3.200000e+01 : f32
        %parallel_loop3A_294 = vector.broadcast %parallel_loop3A_293 : f32 to vector<16xf32>
        %parallel_loop3A_295 = arith.mulf %parallel_loop3A_292, %parallel_loop3A_294 : vector<16xf32>
        %parallel_loop3A_296 = arith.addf %parallel_loop3A_295, %parallel_loop3A_270 : vector<16xf32>
        %parallel_loop3A_297 = arith.constant 0 : i32
        %parallel_loop3A_298 = arith.constant 1 : i32
        %parallel_loop3A_299 = arith.index_cast %parallel_loop3A_297 : i32 to index
        %parallel_loop3A_300 = arith.index_cast %parallel_loop3A_298 : i32 to index
        %parallel_loop3A_301 = arith.index_cast %parallel_loop3A_260 : i32 to index
        %parallel_loop3A_302 = tpu.vector_load %arg13[%parallel_loop3A_299, %parallel_loop3A_300, %parallel_loop3A_301] {strides = array<i32>} : memref<2x4x1024xf32, #tpu.memory_space<vmem>>, vector<1x1x16xf32>,
        %parallel_loop3A_303 = vector.shape_cast %parallel_loop3A_302 : vector<1x1x16xf32> to vector<16xf32>
        %parallel_loop3A_304 = vector.shape_cast %parallel_loop3A_296 : vector<16xf32> to vector<1x1x16xf32>
        tpu.vector_store %arg13[%parallel_loop3A_299, %parallel_loop3A_300, %parallel_loop3A_301], %parallel_loop3A_304 {strides = array<i32>} : memref<2x4x1024xf32, #tpu.memory_space<vmem>>, vector<1x1x16xf32>,
        %parallel_loop3A_305 = arith.constant 2 : i32
        %parallel_loop3A_306 = arith.index_cast %parallel_loop3A_305 : i32 to index
        %parallel_loop3A_307 = arith.index_cast %parallel_loop3A_260 : i32 to index
        %parallel_loop3A_308 = tpu.vector_load %arg11[%parallel_loop3A_306, %parallel_loop3A_307] {strides = array<i32>} : memref<8x1024xf32, #tpu.memory_space<vmem>>, vector<1x16xf32>,
        %parallel_loop3A_309 = vector.shape_cast %parallel_loop3A_308 : vector<1x16xf32> to vector<16xf32>
        %parallel_loop3A_310 = arith.constant 3.200000e+01 : f32
        %parallel_loop3A_311 = vector.broadcast %parallel_loop3A_310 : f32 to vector<16xf32>
        %parallel_loop3A_312 = arith.mulf %parallel_loop3A_309, %parallel_loop3A_311 : vector<16xf32>
        %parallel_loop3A_313 = arith.addf %parallel_loop3A_312, %parallel_loop3A_270 : vector<16xf32>
        %parallel_loop3A_314 = arith.constant 0 : i32
        %parallel_loop3A_315 = arith.constant 2 : i32
        %parallel_loop3A_316 = arith.index_cast %parallel_loop3A_314 : i32 to index
        %parallel_loop3A_317 = arith.index_cast %parallel_loop3A_315 : i32 to index
        %parallel_loop3A_318 = arith.index_cast %parallel_loop3A_260 : i32 to index
        %parallel_loop3A_319 = tpu.vector_load %arg13[%parallel_loop3A_316, %parallel_loop3A_317, %parallel_loop3A_318] {strides = array<i32>} : memref<2x4x1024xf32, #tpu.memory_space<vmem>>, vector<1x1x16xf32>,
        %parallel_loop3A_320 = vector.shape_cast %parallel_loop3A_319 : vector<1x1x16xf32> to vector<16xf32>
        %parallel_loop3A_321 = vector.shape_cast %parallel_loop3A_313 : vector<16xf32> to vector<1x1x16xf32>
        tpu.vector_store %arg13[%parallel_loop3A_316, %parallel_loop3A_317, %parallel_loop3A_318], %parallel_loop3A_321 {strides = array<i32>} : memref<2x4x1024xf32, #tpu.memory_space<vmem>>, vector<1x1x16xf32>,
        %parallel_loop3A_322 = arith.constant 3 : i32
        %parallel_loop3A_323 = arith.index_cast %parallel_loop3A_322 : i32 to index
        %parallel_loop3A_324 = arith.index_cast %parallel_loop3A_260 : i32 to index
        %parallel_loop3A_325 = tpu.vector_load %arg11[%parallel_loop3A_323, %parallel_loop3A_324] {strides = array<i32>} : memref<8x1024xf32, #tpu.memory_space<vmem>>, vector<1x16xf32>,
        %parallel_loop3A_326 = vector.shape_cast %parallel_loop3A_325 : vector<1x16xf32> to vector<16xf32>
        %parallel_loop3A_327 = arith.constant 3.200000e+01 : f32
        %parallel_loop3A_328 = vector.broadcast %parallel_loop3A_327 : f32 to vector<16xf32>
        %parallel_loop3A_329 = arith.mulf %parallel_loop3A_326, %parallel_loop3A_328 : vector<16xf32>
        %parallel_loop3A_330 = arith.addf %parallel_loop3A_329, %parallel_loop3A_270 : vector<16xf32>
        %parallel_loop3A_331 = arith.constant 0 : i32
        %parallel_loop3A_332 = arith.constant 3 : i32
        %parallel_loop3A_333 = arith.index_cast %parallel_loop3A_331 : i32 to index
        %parallel_loop3A_334 = arith.index_cast %parallel_loop3A_332 : i32 to index
        %parallel_loop3A_335 = arith.index_cast %parallel_loop3A_260 : i32 to index
        %parallel_loop3A_336 = tpu.vector_load %arg13[%parallel_loop3A_333, %parallel_loop3A_334, %parallel_loop3A_335] {strides = array<i32>} : memref<2x4x1024xf32, #tpu.memory_space<vmem>>, vector<1x1x16xf32>,
        %parallel_loop3A_337 = vector.shape_cast %parallel_loop3A_336 : vector<1x1x16xf32> to vector<16xf32>
        %parallel_loop3A_338 = vector.shape_cast %parallel_loop3A_330 : vector<16xf32> to vector<1x1x16xf32>
        tpu.vector_store %arg13[%parallel_loop3A_333, %parallel_loop3A_334, %parallel_loop3A_335], %parallel_loop3A_338 {strides = array<i32>} : memref<2x4x1024xf32, #tpu.memory_space<vmem>>, vector<1x1x16xf32>,
        %parallel_loop3A_339 = arith.constant 2 : i32
        %parallel_loop3A_340 = arith.muli %add3A_227, %parallel_loop3A_339 : i32
        %parallel_loop3A_341 = arith.constant 1 : i32
        %parallel_loop3A_342 = arith.addi %parallel_loop3A_340, %parallel_loop3A_341 : i32
        %parallel_loop3A_343 = arith.constant 0 : i32
        %parallel_loop3A_344 = arith.index_cast %parallel_loop3A_342 : i32 to index
        %parallel_loop3A_345 = arith.index_cast %parallel_loop3A_343 : i32 to index
        %parallel_loop3A_346 = arith.index_cast %parallel_loop3A_260 : i32 to index
        %parallel_loop3A_347 = tpu.vector_load %arg7[%parallel_loop3A_344, %parallel_loop3A_345, %parallel_loop3A_346] {strides = array<i32>} : memref<64x1x1024xf32, #tpu.memory_space<vmem>>, vector<1x1x16xf32>,
        %parallel_loop3A_348 = vector.shape_cast %parallel_loop3A_347 : vector<1x1x16xf32> to vector<16xf32>
        %parallel_loop3A_349 = arith.constant 4 : i32
        %parallel_loop3A_350 = arith.index_cast %parallel_loop3A_349 : i32 to index
        %parallel_loop3A_351 = arith.index_cast %parallel_loop3A_260 : i32 to index
        %parallel_loop3A_352 = tpu.vector_load %arg11[%parallel_loop3A_350, %parallel_loop3A_351] {strides = array<i32>} : memref<8x1024xf32, #tpu.memory_space<vmem>>, vector<1x16xf32>,
        %parallel_loop3A_353 = vector.shape_cast %parallel_loop3A_352 : vector<1x16xf32> to vector<16xf32>
        %parallel_loop3A_354 = arith.constant 3.200000e+01 : f32
        %parallel_loop3A_355 = vector.broadcast %parallel_loop3A_354 : f32 to vector<16xf32>
        %parallel_loop3A_356 = arith.mulf %parallel_loop3A_353, %parallel_loop3A_355 : vector<16xf32>
        %parallel_loop3A_357 = arith.addf %parallel_loop3A_356, %parallel_loop3A_348 : vector<16xf32>
        %parallel_loop3A_358 = arith.constant 1 : i32
        %parallel_loop3A_359 = arith.constant 0 : i32
        %parallel_loop3A_360 = arith.index_cast %parallel_loop3A_358 : i32 to index
        %parallel_loop3A_361 = arith.index_cast %parallel_loop3A_359 : i32 to index
        %parallel_loop3A_362 = arith.index_cast %parallel_loop3A_260 : i32 to index
        %parallel_loop3A_363 = tpu.vector_load %arg13[%parallel_loop3A_360, %parallel_loop3A_361, %parallel_loop3A_362] {strides = array<i32>} : memref<2x4x1024xf32, #tpu.memory_space<vmem>>, vector<1x1x16xf32>,
        %parallel_loop3A_364 = vector.shape_cast %parallel_loop3A_363 : vector<1x1x16xf32> to vector<16xf32>
        %parallel_loop3A_365 = vector.shape_cast %parallel_loop3A_357 : vector<16xf32> to vector<1x1x16xf32>
        tpu.vector_store %arg13[%parallel_loop3A_360, %parallel_loop3A_361, %parallel_loop3A_362], %parallel_loop3A_365 {strides = array<i32>} : memref<2x4x1024xf32, #tpu.memory_space<vmem>>, vector<1x1x16xf32>,
        %parallel_loop3A_366 = arith.constant 5 : i32
        %parallel_loop3A_367 = arith.index_cast %parallel_loop3A_366 : i32 to index
        %parallel_loop3A_368 = arith.index_cast %parallel_loop3A_260 : i32 to index
        %parallel_loop3A_369 = tpu.vector_load %arg11[%parallel_loop3A_367, %parallel_loop3A_368] {strides = array<i32>} : memref<8x1024xf32, #tpu.memory_space<vmem>>, vector<1x16xf32>,
        %parallel_loop3A_370 = vector.shape_cast %parallel_loop3A_369 : vector<1x16xf32> to vector<16xf32>
        %parallel_loop3A_371 = arith.constant 3.200000e+01 : f32
        %parallel_loop3A_372 = vector.broadcast %parallel_loop3A_371 : f32 to vector<16xf32>
        %parallel_loop3A_373 = arith.mulf %parallel_loop3A_370, %parallel_loop3A_372 : vector<16xf32>
        %parallel_loop3A_374 = arith.addf %parallel_loop3A_373, %parallel_loop3A_348 : vector<16xf32>
        %parallel_loop3A_375 = arith.constant 1 : i32
        %parallel_loop3A_376 = arith.constant 1 : i32
        %parallel_loop3A_377 = arith.index_cast %parallel_loop3A_375 : i32 to index
        %parallel_loop3A_378 = arith.index_cast %parallel_loop3A_376 : i32 to index
        %parallel_loop3A_379 = arith.index_cast %parallel_loop3A_260 : i32 to index
        %parallel_loop3A_380 = tpu.vector_load %arg13[%parallel_loop3A_377, %parallel_loop3A_378, %parallel_loop3A_379] {strides = array<i32>} : memref<2x4x1024xf32, #tpu.memory_space<vmem>>, vector<1x1x16xf32>,
        %parallel_loop3A_381 = vector.shape_cast %parallel_loop3A_380 : vector<1x1x16xf32> to vector<16xf32>
        %parallel_loop3A_382 = vector.shape_cast %parallel_loop3A_374 : vector<16xf32> to vector<1x1x16xf32>
        tpu.vector_store %arg13[%parallel_loop3A_377, %parallel_loop3A_378, %parallel_loop3A_379], %parallel_loop3A_382 {strides = array<i32>} : memref<2x4x1024xf32, #tpu.memory_space<vmem>>, vector<1x1x16xf32>,
        %parallel_loop3A_383 = arith.constant 6 : i32
        %parallel_loop3A_384 = arith.index_cast %parallel_loop3A_383 : i32 to index
        %parallel_loop3A_385 = arith.index_cast %parallel_loop3A_260 : i32 to index
        %parallel_loop3A_386 = tpu.vector_load %arg11[%parallel_loop3A_384, %parallel_loop3A_385] {strides = array<i32>} : memref<8x1024xf32, #tpu.memory_space<vmem>>, vector<1x16xf32>,
        %parallel_loop3A_387 = vector.shape_cast %parallel_loop3A_386 : vector<1x16xf32> to vector<16xf32>
        %parallel_loop3A_388 = arith.constant 3.200000e+01 : f32
        %parallel_loop3A_389 = vector.broadcast %parallel_loop3A_388 : f32 to vector<16xf32>
        %parallel_loop3A_390 = arith.mulf %parallel_loop3A_387, %parallel_loop3A_389 : vector<16xf32>
        %parallel_loop3A_391 = arith.addf %parallel_loop3A_390, %parallel_loop3A_348 : vector<16xf32>
        %parallel_loop3A_392 = arith.constant 1 : i32
        %parallel_loop3A_393 = arith.constant 2 : i32
        %parallel_loop3A_394 = arith.index_cast %parallel_loop3A_392 : i32 to index
        %parallel_loop3A_395 = arith.index_cast %parallel_loop3A_393 : i32 to index
        %parallel_loop3A_396 = arith.index_cast %parallel_loop3A_260 : i32 to index
        %parallel_loop3A_397 = tpu.vector_load %arg13[%parallel_loop3A_394, %parallel_loop3A_395, %parallel_loop3A_396] {strides = array<i32>} : memref<2x4x1024xf32, #tpu.memory_space<vmem>>, vector<1x1x16xf32>,
        %parallel_loop3A_398 = vector.shape_cast %parallel_loop3A_397 : vector<1x1x16xf32> to vector<16xf32>
        %parallel_loop3A_399 = vector.shape_cast %parallel_loop3A_391 : vector<16xf32> to vector<1x1x16xf32>
        tpu.vector_store %arg13[%parallel_loop3A_394, %parallel_loop3A_395, %parallel_loop3A_396], %parallel_loop3A_399 {strides = array<i32>} : memref<2x4x1024xf32, #tpu.memory_space<vmem>>, vector<1x1x16xf32>,
        %parallel_loop3A_400 = arith.constant 7 : i32
        %parallel_loop3A_401 = arith.index_cast %parallel_loop3A_400 : i32 to index
        %parallel_loop3A_402 = arith.index_cast %parallel_loop3A_260 : i32 to index
        %parallel_loop3A_403 = tpu.vector_load %arg11[%parallel_loop3A_401, %parallel_loop3A_402] {strides = array<i32>} : memref<8x1024xf32, #tpu.memory_space<vmem>>, vector<1x16xf32>,
        %parallel_loop3A_404 = vector.shape_cast %parallel_loop3A_403 : vector<1x16xf32> to vector<16xf32>
        %parallel_loop3A_405 = arith.constant 3.200000e+01 : f32
        %parallel_loop3A_406 = vector.broadcast %parallel_loop3A_405 : f32 to vector<16xf32>
        %parallel_loop3A_407 = arith.mulf %parallel_loop3A_404, %parallel_loop3A_406 : vector<16xf32>
        %parallel_loop3A_408 = arith.addf %parallel_loop3A_407, %parallel_loop3A_348 : vector<16xf32>
        %parallel_loop3A_409 = arith.constant 1 : i32
        %parallel_loop3A_410 = arith.constant 3 : i32
        %parallel_loop3A_411 = arith.index_cast %parallel_loop3A_409 : i32 to index
        %parallel_loop3A_412 = arith.index_cast %parallel_loop3A_410 : i32 to index
        %parallel_loop3A_413 = arith.index_cast %parallel_loop3A_260 : i32 to index
        %parallel_loop3A_414 = tpu.vector_load %arg13[%parallel_loop3A_411, %parallel_loop3A_412, %parallel_loop3A_413] {strides = array<i32>} : memref<2x4x1024xf32, #tpu.memory_space<vmem>>, vector<1x1x16xf32>,
        %parallel_loop3A_415 = vector.shape_cast %parallel_loop3A_414 : vector<1x1x16xf32> to vector<16xf32>
        %parallel_loop3A_416 = vector.shape_cast %parallel_loop3A_408 : vector<16xf32> to vector<1x1x16xf32>
        tpu.vector_store %arg13[%parallel_loop3A_411, %parallel_loop3A_412, %parallel_loop3A_413], %parallel_loop3A_416 {strides = array<i32>} : memref<2x4x1024xf32, #tpu.memory_space<vmem>>, vector<1x1x16xf32>,
      } {sc.loop_unroll_factor = 16 : i64, sc.parallel_access}
      %mul3A_245 = arith.constant 2 : i32
      %mul3A_246 = arith.muli %add3A_227, %mul3A_245 : i32
      %add3A_247 = arith.addi %mul3A_4, %mul3A_246 : i32
      %dma_start3A_248 = arith.constant 0 : i32
      %dma_start3A_249 = arith.constant 0 : i32
      %dma_start3A_250 = tpu.memref_slice %arg5[%add3A_247, %dma_start3A_248, %dma_start3A_249] : memref<2048x4x1024xf32, #tpu.memory_space<hbm>> -> memref<2x4x1024xf32, #tpu.memory_space<hbm>>
      %dma_start3A_251 = arith.constant 0 : i32
      %dma_start3A_252 = arith.constant 0 : i32
      %dma_start3A_253 = tpu.memref_slice %arg5[%add3A_247, %dma_start3A_251, %dma_start3A_252] : memref<2048x4x1024xf32, #tpu.memory_space<hbm>> -> memref<2x4x1024xf32, #tpu.memory_space<hbm>>
      tpu.enqueue_dma source(%arg13 : memref<2x4x1024xf32, #tpu.memory_space<vmem>>) target(%dma_start3A_253 : memref<2x4x1024xf32, #tpu.memory_space<hbm>>) target_semaphore(%arg19 : memref<!tpu.dma_semaphore, #tpu.memory_space<semaphore_mem>>)
      %lt3A_254 = arith.constant 7 : i32
      %lt3A_255 = arith.cmpi slt, %scan3A_122, %lt3A_254 : i32
      %convert_element_type3A_256 = arith.extui %lt3A_255 : i1 to i32
      %cond3A_257 = arith.constant 0 : i32
      %cond3A_258 = arith.cmpi ne, %convert_element_type3A_256, %cond3A_257 : i32
      scf.if %cond3A_258 {
        %add3A_259 = arith.constant 4 : i32
        %add3A_260 = arith.addi %add3A_227, %add3A_259 : i32
        %mul3A_261 = arith.constant 8 : i32
        %mul3A_262 = arith.muli %add3A_260, %mul3A_261 : i32
        %dma_start3A_263 = tpu.memref_slice %arg6[%mul3A_262] : memref<256xi32, #tpu.memory_space<vmem>> -> memref<8xi32, #tpu.memory_space<vmem>>
        %dma_start3A_264 = arith.constant 0 : i32
        %dma_start3A_265 = arith.constant 0 : i32
        %dma_start3A_266 = tpu.memref_slice %arg4[%dma_start3A_264, %dma_start3A_265] : memref<100000x1024xf32, #tpu.memory_space<hbm>> -> memref<100000x1024xf32, #tpu.memory_space<hbm>>
        tpu.enqueue_indirect_dma source(%dma_start3A_266 : memref<100000x1024xf32, #tpu.memory_space<hbm>>) target(%arg11 : memref<8x1024xf32, #tpu.memory_space<vmem>>) offsets(%dma_start3A_263 : memref<8xi32, #tpu.memory_space<vmem>>) semaphore(%arg17 : memref<!tpu.dma_semaphore, #tpu.memory_space<semaphore_mem>>)
      } else {
      }
    }
    %scan3A_105 = arith.constant 8 : i32
    %dma_wait3A_106 = arith.constant 0 : i32
    %dma_wait3A_107 = arith.constant 0 : i32
    %dma_wait3A_108 = arith.constant 0 : i32
    %dma_wait3A_109 = tpu.memref_slice %arg5[%dma_wait3A_106, %dma_wait3A_107, %dma_wait3A_108] : memref<2048x4x1024xf32, #tpu.memory_space<hbm>> -> memref<2x4x1024xf32, #tpu.memory_space<hbm>>
    %dma_wait3A_110 = arith.constant 0 : i32
    %dma_wait3A_111 = arith.constant 0 : i32
    %dma_wait3A_112 = arith.constant 0 : i32
    %dma_wait3A_113 = tpu.memref_slice %arg5[%dma_wait3A_110, %dma_wait3A_111, %dma_wait3A_112] : memref<2048x4x1024xf32, #tpu.memory_space<hbm>> -> memref<2x4x1024xf32, #tpu.memory_space<hbm>>
    tpu.wait_dma2 semaphore(%arg18 : memref<!tpu.dma_semaphore, #tpu.memory_space<semaphore_mem>>) src(%dma_wait3A_113 : memref<2x4x1024xf32, #tpu.memory_space<hbm>>) dst(%arg12 : memref<2x4x1024xf32, #tpu.memory_space<vmem>>)
    %dma_wait3A_114 = arith.constant 0 : i32
    %dma_wait3A_115 = arith.constant 0 : i32
    %dma_wait3A_116 = arith.constant 0 : i32
    %dma_wait3A_117 = tpu.memref_slice %arg5[%dma_wait3A_114, %dma_wait3A_115, %dma_wait3A_116] : memref<2048x4x1024xf32, #tpu.memory_space<hbm>> -> memref<2x4x1024xf32, #tpu.memory_space<hbm>>
    %dma_wait3A_118 = arith.constant 0 : i32
    %dma_wait3A_119 = arith.constant 0 : i32
    %dma_wait3A_120 = arith.constant 0 : i32
    %dma_wait3A_121 = tpu.memref_slice %arg5[%dma_wait3A_118, %dma_wait3A_119, %dma_wait3A_120] : memref<2048x4x1024xf32, #tpu.memory_space<hbm>> -> memref<2x4x1024xf32, #tpu.memory_space<hbm>>
    tpu.wait_dma2 semaphore(%arg19 : memref<!tpu.dma_semaphore, #tpu.memory_space<semaphore_mem>>) src(%dma_wait3A_121 : memref<2x4x1024xf32, #tpu.memory_space<hbm>>) dst(%arg13 : memref<2x4x1024xf32, #tpu.memory_space<vmem>>)
    return
  }
}

</mosaic_0001>

<sc_bundles>
// kernel: kernel.3.cloned.1.call-start
scs
__scs_entry_jumppad:
0x0: {  	(pc) =	sbr.rel $0x88, $3  }
0x1: {  	(tag) =	ssettag $0x0;
	lr =	simm.s32 $0x1  }
0x2: {  	[smem:$0x3F9E] =	sst lr;
	_ =	strace $0xD0000000  }
0x3: {  	_ = 	snop  }
0x4: {  	_ = 	snop  }
0x5: {  	_ = 	snop  }
0x6: {  	_ = 	snop  }
0x7: {  	_ = 	snop  }
__scs_overlays_trampoline_lowered:
0x8: {  	[smem:$0x3FAD] =	sst s0  }
0x9: {  	[smem:$0x3FAE] =	sst s1  }
0xa: {  	[smem:$0x3FAF] =	sst s2  }
0xb: {  	[smem:$0x3FB0] =	sst s3  }
0xc: {  	[smem:$0x3FB1] =	sst s4  }
0xd: {  	[smem:$0x3FB2] =	sst s5  }
0xe: {  	[smem:$0x3FB3] =	sst s6  }
0xf: {  	[smem:$0x3FB4] =	sst s7  }
0x10: {  	[smem:$0x3FB5] =	sst s8  }
0x11: {  	[smem:$0x3FB6] =	sst s9;
	s0 =	simm.s32 @!p0 $0x0  }
0x12: {  	s1 =	sld [smem:$0x3F9C];
	s0 =	simm.s32 @p0 $0x1  }
0x13: {  	[smem:$0x3FB7] =	sst s0;
	s0 =	simm.s32 @!p1 $0x0  }
0x14: {  	s2 =	sld [smem:$0x3F9B];
	s0 =	simm.s32 @p1 $0x1  }
0x15: {  	[smem:$0x3FB8] =	sst s0;
	s0 =	simm.s32 @!p2 $0x0  }
0x16: {  	s3 =	sld [smem:$0x3FDB];
	s0 =	simm.s32 @p2 $0x1  }
0x17: {  	s4 =	simm.s32 $0x1BF5;
	[smem:$0x3FBA] =	sst s0  }
0x18: {  	s0 =	sld [smem:$0x3F9D];
	_ =	swait.ge [sflag:s4], $0x0  }
0x19: {  	s7 =	sld [smem:$0x3F9E]  }
0x1a: {  	s8 =	sadd.s32 $0xFFFFE003, lr  }
0x1b: {  	s9 =	sadd.s32 $0xFFFFFEF7, lr;
	s5 =	simm.s32 $0xFFFFFFFF;
	p2 =	slt.u32 s8, $0xFFFFF086  }
0x1c: {  	p1 =	slt.u32 s9, $0xF7A;
	s5 =	simm.s32 @!p2 $0x0  }
0x1d: {  	s5 =	simm.s32 @p1 $0x1;
	p0 =	seq.s32 s7, s2  }
0x1e: {  	s7 =	smul.u32 @!p0 $0xF7A, s2;
	p2 =	seq.s32 @!p0 s5, $0x0  }
0x1f: {  	s9 =	smul.u32 $0xF7A, s1;
	s8 =	simm.s32 @!p0 $0x1BF5;
	p2 =	por !p2, p0  }
0x20: {  	[sflag:s8] =	ssyncset.s32 @!p0 $0xFFFFF086;
	s6 =	sadd.s32 @!p0 s3, s7;
	s7 =	simm.s32 @!p0 $0x108  }
0x21: {  	s3 =	sadd.s32 s3, s9;
	s6 =	sadd.s32 @!p0 $0x88, s6;
	s7 =	simm.s32 @p2 $0x1082  }
0x22: {  	[simem:s7], [sflag:s8] =	dma.local @!p0 [hbm:s6], $0xF7A  }
0x23: {  	s9 =	sor.u32 $0xD0000000, s2;
	s6 =	simm.s32 $0x108;
	_ =	swait.ge @!p0 [sflag:s8], $0x0  }
0x24: {  	s3 =	sadd.s32 $0x88, s3;
	s6 =	simm.s32 @!p1 $0x1082;
	[sflag:s4] =	ssyncset.s32 $0xFFFFF086  }
0x25: {  	[simem:s6], [sflag:s4] =	dma.local [hbm:s3], $0xF7A  }
0x26: {  	[smem:$0x3F9E] =	sst s1;
	(tag) =	ssettag s2;
	_ =	strace s9  }
0x27: {  	s1 =	sld [smem:$0x3FAE]  }
0x28: {  	s2 =	sld [smem:$0x3FAF]  }
0x29: {  	s4 =	sld [smem:$0x3FB1]  }
0x2a: {  	p0 =	seq.s32 s5, $0x0;
	s5 =	sld [smem:$0x3FB2]  }
0x2b: {  	s6 =	sld [smem:$0x3FB3]  }
0x2c: {  	s7 =	sld [smem:$0x3FB4]  }
0x2d: {  	s3 =	simm.s32 $0x108;
	s8 =	sld [smem:$0x3FB5]  }
0x2e: {  	s3 =	simm.s32 @!p0 $0x1082;
	s9 =	sld [smem:$0x3FB6]  }
0x2f: {  	lr =	sadd.s32 s0, s3;
	s0 =	sld [smem:$0x3FAD]  }
0x30: {  	s3 =	sld [smem:$0x3FB0]  }
0x31: {  	[smem:$0x3FB9] =	sst s10  }
0x32: {  	s10 =	sld [smem:$0x3FB7];
	_ =	sdelay $0x3  }
0x33: {  	p0 =	seq.s32 s10, $0x1;
	s10 =	sld [smem:$0x3FB9];
	_ =	sdelay $0x3  }
0x34: {  	[smem:$0x3FB9] =	sst s10  }
0x35: {  	s10 =	sld [smem:$0x3FB8];
	_ =	sdelay $0x3  }
0x36: {  	p1 =	seq.s32 s10, $0x1;
	s10 =	sld [smem:$0x3FB9];
	_ =	sdelay $0x3  }
0x37: {  	[smem:$0x3FB9] =	sst s10  }
0x38: {  	s10 =	sld [smem:$0x3FBA]  }
0x39: {  	_ = 	snop;
	(pc) =	sbr.ind lr, $3  }
0x3a: {  	_ = 	snop  }
0x3b: {  	_ = 	snop  }
0x3c: {  	p2 =	seq.s32 s10, $0x1;
	s10 =	sld [smem:$0x3FB9]  }
0x3d: {  	_ =	shalt  }
0x3e: {  	_ =	shalt  }
0x3f: {  	_ =	shalt  }
0x40: {  	_ =	shalt  }
0x41: {  	_ =	shalt  }
0x42: {  	_ =	shalt  }
0x43: {  	_ =	shalt  }
0x44: {  	_ =	shalt  }
0x45: {  	_ =	shalt  }
0x46: {  	_ =	shalt  }
0x47: {  	_ =	shalt  }
0x48: {  	_ =	shalt  }
0x49: {  	_ =	shalt  }
0x4a: {  	_ =	shalt  }
0x4b: {  	_ =	shalt  }
0x4c: {  	_ =	shalt  }
0x4d: {  	_ =	shalt  }
0x4e: {  	_ =	shalt  }
0x4f: {  	_ =	shalt  }
0x50: {  	_ =	shalt  }
0x51: {  	_ =	shalt  }
0x52: {  	_ =	shalt  }
0x53: {  	_ =	shalt  }
0x54: {  	_ =	shalt  }
0x55: {  	_ =	shalt  }
0x56: {  	_ =	shalt  }
0x57: {  	_ =	shalt  }
0x58: {  	_ =	shalt  }
0x59: {  	_ =	shalt  }
0x5a: {  	_ =	shalt  }
0x5b: {  	_ =	shalt  }
0x5c: {  	_ =	shalt  }
0x5d: {  	_ =	shalt  }
0x5e: {  	_ =	shalt  }
0x5f: {  	_ =	shalt  }
0x60: {  	_ =	shalt  }
0x61: {  	_ =	shalt  }
0x62: {  	_ =	shalt  }
0x63: {  	_ =	shalt  }
0x64: {  	_ =	shalt  }
0x65: {  	_ =	shalt  }
0x66: {  	_ =	shalt  }
0x67: {  	_ =	shalt  }
0x68: {  	_ =	shalt  }
0x69: {  	_ =	shalt  }
0x6a: {  	_ =	shalt  }
0x6b: {  	_ =	shalt  }
0x6c: {  	_ =	shalt  }
0x6d: {  	_ =	shalt  }
0x6e: {  	_ =	shalt  }
0x6f: {  	_ =	shalt  }
0x70: {  	_ =	shalt  }
0x71: {  	_ =	shalt  }
0x72: {  	_ =	shalt  }
0x73: {  	_ =	shalt  }
0x74: {  	_ =	shalt  }
0x75: {  	_ =	shalt  }
0x76: {  	_ =	shalt  }
0x77: {  	_ =	shalt  }
0x78: {  	_ =	shalt  }
0x79: {  	_ =	shalt  }
0x7a: {  	_ =	shalt  }
0x7b: {  	_ =	shalt  }
0x7c: {  	_ =	shalt  }
0x7d: {  	_ =	shalt  }
0x7e: {  	_ =	shalt  }
0x7f: {  	_ =	shalt  }
0x80: {  	_ =	shalt  }
0x81: {  	_ =	shalt  }
0x82: {  	_ =	shalt  }
0x83: {  	_ =	shalt  }
0x84: {  	_ =	shalt  }
0x85: {  	_ =	shalt  }
0x86: {  	_ =	shalt  }
0x87: {  	_ =	shalt  }
.Lfunc_end0:
.L_simem_size_0:
called_computation_lowered:
.L_overlay_start_0:
0x88: {  	s2 =	sld [smem:$0x3FD9]  }
0x89: {  	s3 =	sld [smem:$0x3FFE];
	_ =	sdelay $0x1  }
0x8a: {  	s1 =	srdreg.scid  }
0x8b: {  	s0 =	sand.u32 $0x1, s1  }
0x8c: {  	s17 =	sshll.u32 s0, $0xA;
	s2 =	sadd.s32 s3, s2  }
0x8d: {  	s2 =	sadd.s32 s2, s17  }
0x8e: {  	[smem:$0x3FC5] =	sst s2  }
0x8f: {  	_ = 	snop  }
0x90: {  	s2 =	sld [smem:$0x3FC8]  }
0x91: {  	s18 =	sld [smem:$0x3FC7]  }
0x92: {  	s4 =	sld [smem:$0x3FD0];
	(tm) =	ssettm $0x1  }
0x93: {  	s5 =	sld [smem:$0x3FFB];
	_ =	sdelay $0x3  }
0x94: {  	_ =	strace s5  }
0x95: {  	s5 =	sld [smem:$0x3FFC];
	_ =	sdelay $0x3  }
0x96: {  	_ =	strace s5  }
0x97: {  	s5 =	sld [smem:$0x3FFD];
	_ =	sdelay $0x3  }
0x98: {  	_ =	strace s5  }
0x99: {  	_ =	strace $0x8FFFFFFF  }
0x9a: {  	s19 =	sld [smem:$0x3FDB];
	_ =	sdelay $0x1  }
0x9b: {  	s6 =	simm.s32 $_scs_section_size  }
0x9c: {  	s7 =	simm.s32 $_size__tile_overlayer_lowered;
	s8 =	simm.s32 $_tile_overlayer_lowered  }
0x9d: {  	s22 =	simm.s32 $0x1BFF;
	s21 =	sshll.u32 s8, $0x1;
	s5 =	sadd.s32 s6, s19  }
0x9e: {  	s9 =	simm.s32 $0x0;
	s20 =	sshll.u32 s7, $0x1;
	s7 =	sadd.s32 s21, s5  }
0x9f: {  	[timem:s9], [sflag:s22] =	dma.local [hbm:s7], s20  }
0xa0: {  	_ =	swait.ge [sflag:s22], s20  }
0xa1: {  	s6 =	ssub.s32 $0x0, s20;
	[sflag:s22] =	ssyncset.done $0x0  }
0xa2: {  	[sflag:s22] =	ssyncadd.s32 s6;
	_ =	sdelay $0x1  }
0xa3: {  	s23 =	simm.s32 $0x1B8B  }
0xa4: {  	_ =	swait.ge [sflag:s23], $0x1  }
0xa5: {  	[sflag:s23] =	ssyncset.done $0x0  }
0xa6: {  	s25 =	simm.s32 $0x1B8E;
	s24 =	sld [smem:$0x3FFE];
	[sflag:s23] =	ssyncadd.s32 $0xFFFFFFFF  }
0xa7: {  	s26 =	simm.s32 $execute0_lowered;
	[smem:$0x3FD2] =	sst s25  }
0xa8: {  	s7 =	sshll.u32 s26, $0x1;
	_ =	strace $0x80000046;
	[dreg:$0x1] =	wrdreg $0xFFFFFFFF  }
0xa9: {  	s28 =	simm.s32 $_size_execute0_lowered;
	s5 =	sadd.s32 s5, s7;
	[dreg:$0x0] =	wrdreg $0x0  }
0xaa: {  	s7 =	sshll.u32 s28, $0x1;
	[dreg:$0x2] =	wrdreg s5  }
0xab: {  	[dreg:$0x3] =	wrdreg s7  }
0xac: {  	[dreg:$0x4] =	wrdreg $0xC0  }
0xad: {  	_ =	task [dreg:s9], $0x5FFFF  }
0xae: {  	[dreg:$0x1] =	wrdreg $0xFFFFFFFF  }
0xaf: {  	[dreg:$0x0] =	wrdreg $0x60  }
0xb0: {  	[dreg:$0x2] =	wrdreg s24  }
0xb1: {  	[dreg:$0x3] =	wrdreg s18  }
0xb2: {  	[dreg:$0x4] =	wrdreg s2  }
0xb3: {  	[dreg:$0x5] =	wrdreg s4  }
0xb4: {  	[dreg:$0x6] =	wrdreg $0x9  }
0xb5: {  	_ =	task.clear_ibuf [dreg:s9], $0x7FFFF;
	_ =	strace $0x90000046  }
0xb6: {  	s29 =	simm.s32 $0x9;
	_ =	strace $0x80000048  }
0xb7: {  	_ =	swait.ge [sflag:s29], $0x1  }
0xb8: {  	[sflag:s29] =	ssyncadd.s32 $0xFFFFFFFF  }
0xb9: {  	_ =	strace $0x90000048  }
0xba: {  	_ =	sfence  }
0xbb: {  	s30 =	sld [smem:$0x0];
	_ =	sdelay $0x2  }
0xbc: {  	s31 =	sshll.u32 s1, $0xD;
	s1 =	sshrl.u32 s1, $0x2  }
0xbd: {  	s3 =	sand.u32 $0x4000, s31;
	s1 =	sadd.s32 s1, s30  }
0xbe: {  	s0 =	sor.u32 s3, s0;
	s1 =	sshll.u32 s1, $0x11  }
0xbf: {  	s0 =	sor.u32 s1, s0  }
0xc0: {  	s0 =	sadd.s32 $0x8F2B, s0  }
0xc1: {  	[sflag:s0] =	ssyncadd.remote.s32 $0x1  }
0xc2: {  	_ =	sfence.sel $0xFFFF  }
0xc3: {  	[dreg:$0x0] =	wrdreg $0xFFFFFFFF;
	(pc) =	sbr.abs _section_cstart, $3  }
0xc4: {  	[dreg:$0x1] =	wrdreg $0xFFFFFFFF  }
0xc5: {  	_ =	task.clear_ibuf [dreg:s9], $0x2FFFF;
	_ =	strace $0x9FFFFFFF  }
0xc6: {  	(tm) =	ssettm $0x7FFFFFFF  }
0xc7: {  	_ =	shalt  }
tec
execute0_lowered:
.L_overlay_start_1:
0x0: {  	(tag) =	ssettag $0x1  }
0x1: {  	s0 =	rddreg [dreg:$0x0]  }
0x2: {  	s1 =	rddreg [dreg:$0x1]  }
0x3: {  	s2 =	rddreg [dreg:$0x2]  }
0x4: {  	s4 =	rddreg [dreg:$0x3]  }
0x5: {  	s5 =	srdreg.scid;
	s6 =	stileid.u32  }
0x6: {  	s3 =	simm.s32 $0x0;
	s14 =	simm.s32 $0x8;
	s29 =	simm.s32 $0x16100  }
0x7: {  	s30 =	simm.s32 $0x16900;
	s31 =	simm.s32 $0x17100;
	s17 =	simm.s32 $0x7  }
0x8: {  	s18 =	simm.s32 $0x1;
	s19 =	simm.s32 $0x18100;
	s20 =	simm.s32 $0x2  }
0x9: {  	s21 =	simm.s32 $0x1A100;
	s22 =	simm.s32 $0x3;
	s23 =	simm.s32 $0x5  }
0xa: {  	s5 =	sand.u32 $0x1, s5;
	s6 =	sshll.u32 s6, $0x1;
	[smem:$0x7FF] =	sst s3  }
0xb: {  	s6 =	sor.u32 s5, s6;
	s5 =	ssub.s32 $0x2, s5;
	_ =	strace $0x80000047  }
0xc: {  	s7 =	sshll.u32 s6, $0x5;
	s8 =	sshrl.u32 s5, $0x1;
	s24 =	sshll.u32 s6, $0xD  }
0xd: {  	s9 =	sshll.u32 s6, $0xF;
	s6 =	sadd.s32 $0x100, s2;
	s0 =	sadd.s32 s7, s0  }
0xe: {  	s5 =	ssub.s32 s5, s8;
	s25 =	sadd.s32 s1, s24;
	s7 =	sadd.s32 $0x200, s2  }
0xf: {  	s8 =	sadd.s32 $0x300, s2;
	s0 =	sadd.s32 $0x400, s0;
	[dreg:$0x6] =	wrdreg s25  }
.Ltmp0:
0x10: {  	s1 =	sadd.s32 $0x800, s25;
	[dreg:$0x5] =	wrdreg s0;
	(pc) =	sbr.rel .LBB2_1-.Ltmp0, $4  }
0x11: {  	s12 =	sadd.s32 s4, s9;
	s26 =	sadd.s32 $0x1000, s25;
	[dreg:$0x7] =	wrdreg s1  }
0x12: {  	v0 =	vlaneseq.u32;
	s24 =	simm.s32 $0x4;
	s28 =	smax.u32 s5, $0x1;
	[dreg:$0x8] =	wrdreg s26  }
0x13: {  	v1 =	vshrl.u32 v0, $0x3;
	s0 =	sadd.s32 $0x1800, s25;
	[dreg:$0xa] =	wrdreg s28;
	s25 =	simm.s32 $0x6  }
0x14: {  	vm0 =	vmmov $0xffff;
	v0 =	vand.u32 $0x7, v0;
	v1 =	vmul.u32 $0x8, v1;
	s26 =	simm.s32 $0x0;
	[dreg:$0x9] =	wrdreg s0;
	s0 =	simm.s32 $0x17900  }
.LBB2_12:
0x15: {  	_ =	swait.ge [sflag:s23], $0x2000  }
0x16: {  	[sflag:s23] =	ssyncset.done $0x0  }
0x17: {  	[sflag:s23] =	ssyncadd.s32 $0xFFFFE000  }
0x18: {  	_ =	swait.ge [sflag:s25], $0x2000  }
0x19: {  	s26 =	sadd.s32 $0x1, s26;
	s1 =	rddreg [dreg:$0xa]  }
0x1a: {  	p0 =	sne.s32 s26, s1  }
.Ltmp1:
0x1b: {  	_ = 	snop;
	(pc) =	sbr.rel @!p0 .LBB2_13-.Ltmp1, $3  }
0x1c: {  	_ =	sdelay $0x1  }
0x1d: {  	[sflag:s25] =	ssyncset.done $0x0  }
0x1e: {  	[sflag:s25] =	ssyncadd.s32 $0xFFFFE000  }
.LBB2_1:
0x1f: {  	s1 =	rddreg [dreg:$0x5]  }
0x20: {  	[tilespmem:s3], [sflag:$0x8] =	stream.linear.gather [hbm4b:s1+s3], $0x100, $0x38;
	[tilespmem:$0x1C100] =	vst v63  }
0x21: {  	_ =	swait.ge [sflag:s14], $0x100  }
0x22: {  	[sflag:s14] =	ssyncset.done $0x0  }
0x23: {  	s4 =	simm.s32 $0x100;
	s13 =	rddreg [dreg:$0x6];
	[sflag:s14] =	ssyncadd.s32 $0xFFFFFF00  }
0x24: {  	[tilespmem:s4], [sflag:$0x7] =	stream.linear.gather [hbm4b:s13+s3], $0x4000, $0x38;
	[tilespmem:$0x1C100] =	vst v63  }
0x25: {  	v2 =	vld.msk [tilespmem:$0x0], $0xff;
	_ =	sdelay $0x4  }
0x26: {  	v3 =	vshll.u32 v2, $0x3  }
0x27: {  	v2 =	vand.u32 $0x7, v2;
	v3 =	vand.u32 $0xFFFFFFC0, v3  }
0x28: {  	v2 =	vor.u32 v2, v3  }
0x29: {  	v2 =	vperm.xlane v2, v0;
	_ =	sdelay $0x1  }
0x2a: {  	v2 =	vadd.s32 v1, v2;
	_ =	sdelay $0x3  }
0x2b: {  	s15 =	simm.s32 $0x10100  }
0x2c: {  	[tilespmem:s15], [sflag:$0x1] =	stream.indirect_vreg.gather [hbm4b:s2+s3], $0x80, v2, vm0, $0xb8;
	[tilespmem:$0x1C100] =	vst v63  }
0x2d: {  	s16 =	simm.s32 $0x10900  }
0x2e: {  	[tilespmem:s16], [sflag:$0x1] =	stream.indirect_vreg.gather [hbm4b:s6+s3], $0x80, v2, vm0, $0xb8;
	[tilespmem:$0x1C100] =	vst v63  }
0x2f: {  	s4 =	simm.s32 $0x11100  }
0x30: {  	[tilespmem:s4], [sflag:$0x1] =	stream.indirect_vreg.gather [hbm4b:s7+s3], $0x80, v2, vm0, $0xb8;
	[tilespmem:$0x1C100] =	vst v63  }
0x31: {  	s5 =	simm.s32 $0x11900  }
0x32: {  	[tilespmem:s5], [sflag:$0x1] =	stream.indirect_vreg.gather [hbm4b:s8+s3], $0x80, v2, vm0, $0xb8;
	[tilespmem:$0x1C100] =	vst v63  }
0x33: {  	v2 =	vld.msk [tilespmem:$0x8], $0xff;
	_ =	sdelay $0x4  }
0x34: {  	v3 =	vshll.u32 v2, $0x3  }
0x35: {  	v2 =	vand.u32 $0x7, v2;
	v3 =	vand.u32 $0xFFFFFFC0, v3  }
0x36: {  	v2 =	vor.u32 v2, v3  }
0x37: {  	v2 =	vperm.xlane v2, v0;
	_ =	sdelay $0x1  }
0x38: {  	v2 =	vadd.s32 v1, v2;
	_ =	sdelay $0x3  }
0x39: {  	s9 =	simm.s32 $0x12100  }
0x3a: {  	[tilespmem:s9], [sflag:$0x2] =	stream.indirect_vreg.gather [hbm4b:s2+s3], $0x80, v2, vm0, $0xb8;
	[tilespmem:$0x1C100] =	vst v63  }
0x3b: {  	s10 =	simm.s32 $0x12900  }
0x3c: {  	[tilespmem:s10], [sflag:$0x2] =	stream.indirect_vreg.gather [hbm4b:s6+s3], $0x80, v2, vm0, $0xb8;
	[tilespmem:$0x1C100] =	vst v63  }
0x3d: {  	s11 =	simm.s32 $0x13100  }
0x3e: {  	[tilespmem:s11], [sflag:$0x2] =	stream.indirect_vreg.gather [hbm4b:s7+s3], $0x80, v2, vm0, $0xb8;
	[tilespmem:$0x1C100] =	vst v63  }
0x3f: {  	s13 =	simm.s32 $0x13900  }
0x40: {  	[tilespmem:s13], [sflag:$0x2] =	stream.indirect_vreg.gather [hbm4b:s8+s3], $0x80, v2, vm0, $0xb8;
	[tilespmem:$0x1C100] =	vst v63  }
0x41: {  	v2 =	vld.msk [tilespmem:$0x10], $0xff;
	_ =	sdelay $0x4  }
0x42: {  	v3 =	vshll.u32 v2, $0x3  }
0x43: {  	v2 =	vand.u32 $0x7, v2;
	v3 =	vand.u32 $0xFFFFFFC0, v3  }
0x44: {  	v2 =	vor.u32 v2, v3  }
0x45: {  	v2 =	vperm.xlane v2, v0;
	_ =	sdelay $0x1  }
0x46: {  	v2 =	vadd.s32 v1, v2;
	_ =	sdelay $0x3  }
0x47: {  	s15 =	simm.s32 $0x14100  }
0x48: {  	[tilespmem:s15], [sflag:$0x3] =	stream.indirect_vreg.gather [hbm4b:s2+s3], $0x80, v2, vm0, $0xb8;
	[tilespmem:$0x1C100] =	vst v63  }
0x49: {  	s16 =	simm.s32 $0x14900  }
0x4a: {  	[tilespmem:s16], [sflag:$0x3] =	stream.indirect_vreg.gather [hbm4b:s6+s3], $0x80, v2, vm0, $0xb8;
	[tilespmem:$0x1C100] =	vst v63  }
0x4b: {  	s4 =	simm.s32 $0x15100  }
0x4c: {  	[tilespmem:s4], [sflag:$0x3] =	stream.indirect_vreg.gather [hbm4b:s7+s3], $0x80, v2, vm0, $0xb8;
	[tilespmem:$0x1C100] =	vst v63  }
0x4d: {  	s5 =	simm.s32 $0x15900  }
0x4e: {  	[tilespmem:s5], [sflag:$0x3] =	stream.indirect_vreg.gather [hbm4b:s8+s3], $0x80, v2, vm0, $0xb8;
	[tilespmem:$0x1C100] =	vst v63  }
0x4f: {  	v2 =	vld.msk [tilespmem:$0x18], $0xff;
	_ =	sdelay $0x4  }
0x50: {  	v3 =	vshll.u32 v2, $0x3  }
0x51: {  	v2 =	vand.u32 $0x7, v2;
	v3 =	vand.u32 $0xFFFFFFC0, v3  }
0x52: {  	v2 =	vor.u32 v2, v3  }
0x53: {  	v2 =	vperm.xlane v2, v0;
	_ =	sdelay $0x1  }
0x54: {  	v2 =	vadd.s32 v1, v2;
	_ =	sdelay $0x4  }
0x55: {  	[tilespmem:s29], [sflag:$0x4] =	stream.indirect_vreg.gather [hbm4b:s2+s3], $0x80, v2, vm0, $0xb8;
	[tilespmem:$0x1C100] =	vst v63  }
0x56: {  	_ = 	snop  }
0x57: {  	[tilespmem:s30], [sflag:$0x4] =	stream.indirect_vreg.gather [hbm4b:s6+s3], $0x80, v2, vm0, $0xb8;
	[tilespmem:$0x1C100] =	vst v63  }
0x58: {  	_ = 	snop  }
0x59: {  	[tilespmem:s31], [sflag:$0x4] =	stream.indirect_vreg.gather [hbm4b:s7+s3], $0x80, v2, vm0, $0xb8;
	[tilespmem:$0x1C100] =	vst v63  }
0x5a: {  	_ = 	snop  }
0x5b: {  	[tilespmem:s0], [sflag:$0x4] =	stream.indirect_vreg.gather [hbm4b:s8+s3], $0x80, v2, vm0, $0xb8;
	[tilespmem:$0x1C100] =	vst v63  }
0x5c: {  	s9 =	rddreg [dreg:$0x7];
	s10 =	simm.s32 $0x4100  }
0x5d: {  	[tilespmem:s10], [sflag:$0x7] =	stream.linear.gather [hbm4b:s9+s3], $0x4000, $0x38;
	[tilespmem:$0x1C100] =	vst v63  }
0x5e: {  	s11 =	rddreg [dreg:$0x8];
	s13 =	simm.s32 $0x8100  }
0x5f: {  	[tilespmem:s13], [sflag:$0x7] =	stream.linear.gather [hbm4b:s11+s3], $0x4000, $0x38;
	[tilespmem:$0x1C100] =	vst v63  }
0x60: {  	s15 =	rddreg [dreg:$0x9];
	s16 =	simm.s32 $0xC100  }
0x61: {  	[tilespmem:s16], [sflag:$0x7] =	stream.linear.gather [hbm4b:s15+s3], $0x4000, $0x38;
	[tilespmem:$0x1C100] =	vst v63  }
0x62: {  	_ =	swait.ge [sflag:s17], $0x4000  }
0x63: {  	[sflag:s17] =	ssyncset.done $0x0  }
0x64: {  	s28 =	simm.s32 $0x0;
	[sflag:s17] =	ssyncadd.s32 $0xFFFFC000  }
.LBB2_2:
0x65: {  	p1 =	seq.s32 s28, $0x0;
	s1 =	sand.u32 $0x1, s28  }
0x66: {  	p0 =	sne.s32 @!p1 s1, $0x0  }
0x67: {  	p0 =	por p0, p1  }
0x68: {  	s1 =	simm.s32 @!p0 $0x7  }
0x69: {  	_ =	swait.ge @!p0 [sflag:s1], $0x4000  }
0x6a: {  	s16 =	sshll.u32 s28, $0xF;
	[sflag:s1] =	ssyncset.done @!p0 $0x0  }
0x6b: {  	[sflag:s1] =	ssyncadd.s32 @!p0 $0xFFFFC000;
	s1 =	sshra.s32 s16, $0x2  }
0x6c: {  	_ =	swait.ge [sflag:s18], $0x2000;
	s5 =	sor.u32 $0x100, s1  }
0x6d: {  	[sflag:s18] =	ssyncset.done $0x0;
	v2 =	vmov s5  }
0x6e: {  	s4 =	simm.s32 @!p1 $0x5;
	[sflag:s18] =	ssyncadd.s32 $0xFFFFE000  }
0x6f: {  	_ =	swait.ge @!p1 [sflag:s4], $0x2000  }
0x70: {  	s9 =	sor.u32 $0x500, s1;
	[sflag:s4] =	ssyncset.done @!p1 $0x0  }
0x71: {  	s15 =	simm.s32 $0x0;
	s1 =	sshll.u32 s28, $0x2;
	v3 =	vmov s9;
	[sflag:s4] =	ssyncadd.s32 @!p1 $0xFFFFE000  }
.LBB2_3:
0x72: {  	s4 =	sshll.u32 s15, $0x3;
	v5 =	vld.idx.msk [tilespmem:v2+s15+$0x0 ss:$0x1], $0xffff  }
0x73: {  	v7 =	vld.idx.msk [tilespmem:v2+s15+$0x10 ss:$0x1], $0xffff;
	s9 =	sand.u32 $0x3FFFFFF8, s4  }
0x74: {  	v4 =	vld [tilespmem:s9+$0x10100]  }
0x75: {  	v13 =	vld [tilespmem:s9+$0x10150]  }
0x76: {  	v6 =	vld [tilespmem:s9+$0x10110]  }
0x77: {  	v53 =	vld.idx.msk [tilespmem:v2+s15+$0x50 ss:$0x1], $0xffff  }
0x78: {  	v8 =	vld [tilespmem:s9+$0x10120]  }
0x79: {  	v9 =	vld.idx.msk [tilespmem:v2+s15+$0x20 ss:$0x1], $0xffff;
	v4 =	vmul.f32 $3.200000000e+01, v4  }
0x7a: {  	v10 =	vld [tilespmem:s9+$0x10130];
	v13 =	vmul.f32 $3.200000000e+01, v13  }
0x7b: {  	s16 =	sshll.u32 s15, $0x2;
	v11 =	vld.idx.msk [tilespmem:v2+s15+$0x30 ss:$0x1], $0xffff;
	v6 =	vmul.f32 $3.200000000e+01, v6;
	v4 =	vadd.f32 v4, v5  }
0x7c: {  	s4 =	sand.u32 $0x3FFFFFFC, s16;
	v12 =	vld [tilespmem:s9+$0x10140];
	v13 =	vadd.f32 v13, v53  }
0x7d: {  	v14 =	vld.idx.msk [tilespmem:v2+s15+$0x40 ss:$0x1], $0xffff;
	v8 =	vmul.f32 $3.200000000e+01, v8;
	v6 =	vadd.f32 v6, v7;
	[tilespmem:s4+$0x18100] =	vst v4  }
0x7e: {  	[tilespmem:s4+$0x18150] =	vst v13;
	v4 =	vld [tilespmem:s9+$0x10180]  }
0x7f: {  	v52 =	vmul.f32 $3.200000000e+01, v10;
	v51 =	vadd.f32 v8, v9;
	[tilespmem:s4+$0x18110] =	vst v6;
	v13 =	vld [tilespmem:s9+$0x101D0]  }
0x80: {  	v15 =	vld [tilespmem:s9+$0x10190]  }
0x81: {  	v55 =	vmul.f32 $3.200000000e+01, v12;
	v54 =	vadd.f32 v52, v11;
	[tilespmem:s4+$0x18120] =	vst v51  }
0x82: {  	v56 =	vld [tilespmem:s9+$0x101A0]  }
0x83: {  	v57 =	vadd.f32 v55, v14;
	[tilespmem:s4+$0x18130] =	vst v54;
	v4 =	vmul.f32 $3.200000000e+01, v4  }
0x84: {  	v58 =	vld [tilespmem:s9+$0x101B0];
	v13 =	vmul.f32 $3.200000000e+01, v13  }
0x85: {  	[tilespmem:s4+$0x18140] =	vst v57;
	v15 =	vmul.f32 $3.200000000e+01, v15;
	v4 =	vadd.f32 v4, v5  }
0x86: {  	v6 =	vld [tilespmem:s9+$0x101C0];
	v13 =	vadd.f32 v13, v53  }
0x87: {  	v12 =	vmul.f32 $3.200000000e+01, v56;
	[tilespmem:s4+$0x18180] =	vst v4;
	v4 =	vadd.f32 v15, v7  }
0x88: {  	[tilespmem:s4+$0x181D0] =	vst v13;
	v59 =	vld [tilespmem:s9+$0x10200]  }
0x89: {  	v8 =	vmul.f32 $3.200000000e+01, v58;
	[tilespmem:s4+$0x18190] =	vst v4;
	v4 =	vadd.f32 v12, v9  }
0x8a: {  	v13 =	vld [tilespmem:s9+$0x10250]  }
0x8b: {  	v6 =	vmul.f32 $3.200000000e+01, v6;
	v60 =	vld [tilespmem:s9+$0x10210];
	[tilespmem:s4+$0x181A0] =	vst v4;
	v4 =	vadd.f32 v8, v11  }
0x8c: {  	v61 =	vld [tilespmem:s9+$0x10220]  }
0x8d: {  	v15 =	vmul.f32 $3.200000000e+01, v59;
	[tilespmem:s4+$0x181B0] =	vst v4;
	v4 =	vadd.f32 v6, v14;
	_ =	sdelay $0x1  }
0x8e: {  	v13 =	vmul.f32 $3.200000000e+01, v13;
	v62 =	vld [tilespmem:s9+$0x10230];
	v15 =	vadd.f32 v15, v5;
	[tilespmem:s4+$0x181C0] =	vst v4  }
0x8f: {  	v12 =	vmul.f32 $3.200000000e+01, v60;
	v4 =	vld [tilespmem:s9+$0x10240]  }
0x90: {  	v13 =	vadd.f32 v13, v53;
	[tilespmem:s4+$0x18200] =	vst v15;
	v8 =	vmul.f32 $3.200000000e+01, v61  }
0x91: {  	v12 =	vadd.f32 v12, v7;
	v15 =	vld [tilespmem:s9+$0x10280]  }
0x92: {  	[tilespmem:s4+$0x18250] =	vst v13;
	v8 =	vadd.f32 v8, v9  }
0x93: {  	v19 =	vld [tilespmem:s9+$0x102D0];
	[tilespmem:s4+$0x18210] =	vst v12;
	v6 =	vmul.f32 $3.200000000e+01, v62  }
0x94: {  	v12 =	vld [tilespmem:s9+$0x10290];
	[tilespmem:s4+$0x18220] =	vst v8;
	v4 =	vmul.f32 $3.200000000e+01, v4  }
0x95: {  	v6 =	vadd.f32 v6, v11;
	v8 =	vld [tilespmem:s9+$0x102A0]  }
0x96: {  	v15 =	vmul.f32 $3.200000000e+01, v15;
	v4 =	vadd.f32 v4, v14  }
0x97: {  	[tilespmem:s4+$0x18230] =	vst v6  }
0x98: {  	v6 =	vld [tilespmem:s9+$0x102B0];
	v5 =	vadd.f32 v15, v5;
	[tilespmem:s4+$0x18240] =	vst v4  }
0x99: {  	v12 =	vmul.f32 $3.200000000e+01, v12;
	v63 =	vld [tilespmem:s9+$0x102C0]  }
0x9a: {  	s5 =	sshrl.u32 s15, $0x7;
	[tilespmem:s4+$0x18280] =	vst v5;
	v18 =	vmul.f32 $3.200000000e+01, v8;
	v8 =	vmul.f32 $3.200000000e+01, v19;
	v19 =	vld.idx.msk [tilespmem:v2+s15+$0x60 ss:$0x1], $0xffff  }
0x9b: {  	s5 =	sor.u32 $0x1, s5;
	v5 =	vadd.f32 v12, v7;
	v4 =	vld.idx.msk [tilespmem:v3+s15+$0x0 ss:$0x1], $0xffff  }
0x9c: {  	s13 =	sshll.u32 s5, $0x7;
	v20 =	vld [tilespmem:s9+$0x10300]  }
0x9d: {  	[tilespmem:s4+$0x18290] =	vst v5;
	v7 =	vadd.f32 v18, v9;
	v18 =	vld.idx.msk [tilespmem:v2+s13+$0x20 ss:$0x1], $0xffff  }
0x9e: {  	v6 =	vmul.f32 $3.200000000e+01, v6;
	v5 =	vld.idx.msk [tilespmem:v3+s15+$0x10 ss:$0x1], $0xffff  }
0x9f: {  	v8 =	vadd.f32 v8, v53;
	v21 =	vld [tilespmem:s9+$0x10310];
	[tilespmem:s4+$0x182A0] =	vst v7  }
0xa0: {  	v22 =	vadd.f32 v6, v11;
	v6 =	vld.idx.msk [tilespmem:v3+s15+$0x20 ss:$0x1], $0xffff  }
0xa1: {  	[tilespmem:s4+$0x182D0] =	vst v8;
	v24 =	vld [tilespmem:s9+$0x10320]  }
0xa2: {  	s10 =	sshll.u32 s5, $0xA;
	v27 =	vld [tilespmem:s9+$0x10350]  }
0xa3: {  	s11 =	sand.u32 $0x3FFFFC00, s10;
	v23 =	vmul.f32 $3.200000000e+01, v63;
	v8 =	vld.idx.msk [tilespmem:v3+s15+$0x50 ss:$0x1], $0xffff  }
0xa4: {  	[tilespmem:s4+$0x182B0] =	vst v22;
	v22 =	vld [tilespmem:s11+$0x10100]  }
0xa5: {  	v11 =	vadd.f32 v23, v14;
	v23 =	vld [tilespmem:s11+$0x10110]  }
0xa6: {  	v26 =	vmul.f32 $3.200000000e+01, v20;
	v7 =	vld.idx.msk [tilespmem:v3+s15+$0x30 ss:$0x1], $0xffff  }
0xa7: {  	v25 =	vld [tilespmem:s9+$0x10330]  }
0xa8: {  	[tilespmem:s4+$0x182C0] =	vst v11;
	v29 =	vadd.f32 v26, v4;
	v26 =	vld [tilespmem:s9+$0x10160]  }
0xa9: {  	v11 =	vld [tilespmem:s9+$0x10340]  }
0xaa: {  	v9 =	vld.idx.msk [tilespmem:v3+s15+$0x40 ss:$0x1], $0xffff  }
0xab: {  	v28 =	vmul.f32 $3.200000000e+01, v21;
	v12 =	vmul.f32 $3.200000000e+01, v27;
	v27 =	vld [tilespmem:s9+$0x10170]  }
0xac: {  	v13 =	vmul.f32 $3.200000000e+01, v24;
	v24 =	vld.idx.msk [tilespmem:v2+s13+$0x10 ss:$0x1], $0xffff  }
0xad: {  	v14 =	vadd.f32 v28, v5;
	v28 =	vld [tilespmem:s11+$0x10120]  }
0xae: {  	[tilespmem:s4+$0x19100] =	vst v29;
	v29 =	vld [tilespmem:s11+$0x10130]  }
0xaf: {  	v15 =	vld [tilespmem:s9+$0x10380];
	v13 =	vadd.f32 v13, v6  }
0xb0: {  	v10 =	vmul.f32 $3.200000000e+01, v25;
	[tilespmem:s4+$0x19110] =	vst v14;
	v30 =	vadd.f32 v12, v8;
	v25 =	vld.idx.msk [tilespmem:v2+s13+$0x0 ss:$0x1], $0xffff  }
0xb1: {  	v14 =	vld [tilespmem:s9+$0x10390];
	[tilespmem:s4+$0x19120] =	vst v13  }
0xb2: {  	v26 =	vmul.f32 $3.200000000e+01, v26;
	v10 =	vadd.f32 v10, v7;
	[tilespmem:s4+$0x19150] =	vst v30;
	v30 =	vld [tilespmem:s11+$0x10140]  }
0xb3: {  	v11 =	vmul.f32 $3.200000000e+01, v11;
	v13 =	vld [tilespmem:s9+$0x103A0]  }
0xb4: {  	v33 =	vld [tilespmem:s9+$0x103D0];
	v26 =	vadd.f32 v26, v19;
	[tilespmem:s4+$0x19130] =	vst v10;
	v32 =	vmul.f32 $3.200000000e+01, v15  }
0xb5: {  	v22 =	vmul.f32 $3.200000000e+01, v22;
	v11 =	vadd.f32 v11, v9;
	v31 =	vld [tilespmem:s9+$0x103B0]  }
0xb6: {  	[tilespmem:s4+$0x18160] =	vst v26;
	v10 =	vadd.f32 v32, v4;
	v32 =	vld [tilespmem:s11+$0x10160]  }
0xb7: {  	s5 =	sshll.u32 s5, $0x9;
	v22 =	vadd.f32 v22, v25;
	[tilespmem:s4+$0x19140] =	vst v11;
	v47 =	vld [tilespmem:s9+$0x101E0]  }
0xb8: {  	s5 =	sand.u32 $0x3FFFFE00, s5;
	v28 =	vmul.f32 $3.200000000e+01, v28;
	v11 =	vld [tilespmem:s9+$0x103C0]  }
0xb9: {  	[tilespmem:s5+$0x18100] =	vst v22;
	v22 =	vld.idx.msk [tilespmem:v2+s13+$0x70 ss:$0x1], $0xffff  }
0xba: {  	v28 =	vadd.f32 v28, v18;
	[tilespmem:s4+$0x19180] =	vst v10;
	v10 =	vld.idx.msk [tilespmem:v2+s13+$0x30 ss:$0x1], $0xffff  }
0xbb: {  	v35 =	vmul.f32 $3.200000000e+01, v33;
	v33 =	vld [tilespmem:s11+$0x10170]  }
0xbc: {  	v14 =	vmul.f32 $3.200000000e+01, v14;
	[tilespmem:s5+$0x18120] =	vst v28;
	v38 =	vld [tilespmem:s11+$0x10180]  }
0xbd: {  	v13 =	vmul.f32 $3.200000000e+01, v13;
	v40 =	vld [tilespmem:s11+$0x101A0]  }
0xbe: {  	v16 =	vadd.f32 v14, v5;
	v14 =	vld [tilespmem:s9+$0x10400]  }
0xbf: {  	v34 =	vadd.f32 v13, v6;
	v13 =	vld.idx.msk [tilespmem:v2+s15+$0x70 ss:$0x1], $0xffff  }
0xc0: {  	v23 =	vmul.f32 $3.200000000e+01, v23;
	v12 =	vmul.f32 $3.200000000e+01, v31;
	[tilespmem:s4+$0x19190] =	vst v16;
	v31 =	vld [tilespmem:s11+$0x10150]  }
0xc1: {  	v37 =	vadd.f32 v35, v8;
	v15 =	vld [tilespmem:s9+$0x10410]  }
0xc2: {  	[tilespmem:s4+$0x191A0] =	vst v34;
	v34 =	vadd.f32 v23, v24;
	v23 =	vld.idx.msk [tilespmem:v2+s13+$0x60 ss:$0x1], $0xffff  }
0xc3: {  	v11 =	vmul.f32 $3.200000000e+01, v11;
	[tilespmem:s4+$0x191D0] =	vst v37;
	v16 =	vld [tilespmem:s9+$0x10420]  }
0xc4: {  	v29 =	vmul.f32 $3.200000000e+01, v29;
	v12 =	vadd.f32 v12, v7;
	v20 =	vld [tilespmem:s9+$0x10450]  }
0xc5: {  	v36 =	vadd.f32 v11, v9;
	v11 =	vld.idx.msk [tilespmem:v2+s13+$0x40 ss:$0x1], $0xffff  }
0xc6: {  	v29 =	vadd.f32 v29, v10;
	v33 =	vmul.f32 $3.200000000e+01, v33;
	[tilespmem:s4+$0x191B0] =	vst v12;
	v12 =	vld.idx.msk [tilespmem:v2+s13+$0x50 ss:$0x1], $0xffff  }
0xc7: {  	v27 =	vmul.f32 $3.200000000e+01, v27;
	[tilespmem:s5+$0x18110] =	vst v34;
	v17 =	vld [tilespmem:s9+$0x10430]  }
0xc8: {  	v34 =	vmul.f32 $3.200000000e+01, v38;
	v39 =	vld [tilespmem:s11+$0x10190];
	[tilespmem:s5+$0x18130] =	vst v29;
	v33 =	vadd.f32 v33, v22  }
0xc9: {  	v32 =	vmul.f32 $3.200000000e+01, v32;
	v27 =	vadd.f32 v27, v13;
	[tilespmem:s4+$0x191C0] =	vst v36;
	v41 =	vld [tilespmem:s11+$0x101B0]  }
0xca: {  	v29 =	vmul.f32 $3.200000000e+01, v40;
	v45 =	vadd.f32 v34, v25;
	v21 =	vld [tilespmem:s9+$0x10440];
	[tilespmem:s5+$0x18170] =	vst v33  }
0xcb: {  	v30 =	vmul.f32 $3.200000000e+01, v30;
	v32 =	vadd.f32 v32, v23;
	[tilespmem:s4+$0x18170] =	vst v27;
	v46 =	vld [tilespmem:s11+$0x101F0]  }
0xcc: {  	v31 =	vmul.f32 $3.200000000e+01, v31;
	v29 =	vadd.f32 v29, v18;
	[tilespmem:s5+$0x18180] =	vst v45;
	v48 =	vld [tilespmem:s9+$0x101F0]  }
0xcd: {  	v27 =	vmul.f32 $3.200000000e+01, v47;
	v30 =	vadd.f32 v30, v11;
	[tilespmem:s5+$0x18160] =	vst v32;
	v49 =	vld [tilespmem:s11+$0x10200]  }
0xce: {  	v20 =	vmul.f32 $3.200000000e+01, v20;
	v31 =	vadd.f32 v31, v12;
	[tilespmem:s5+$0x181A0] =	vst v29;
	v44 =	vld [tilespmem:s11+$0x101E0]  }
0xcf: {  	v27 =	vadd.f32 v27, v19;
	v28 =	vmul.f32 $3.200000000e+01, v39;
	v51 =	vld [tilespmem:s11+$0x10220];
	[tilespmem:s5+$0x18140] =	vst v30  }
0xd0: {  	v20 =	vadd.f32 v20, v8;
	[tilespmem:s5+$0x18150] =	vst v31;
	v30 =	vmul.f32 $3.200000000e+01, v41;
	v42 =	vld [tilespmem:s11+$0x101C0]  }
0xd1: {  	[tilespmem:s4+$0x181E0] =	vst v27;
	v43 =	vld [tilespmem:s11+$0x101D0];
	v28 =	vadd.f32 v28, v24;
	v34 =	vmul.f32 $3.200000000e+01, v46  }
0xd2: {  	v59 =	vld [tilespmem:s9+$0x10260];
	[tilespmem:s4+$0x19250] =	vst v20;
	v30 =	vadd.f32 v30, v10;
	v26 =	vmul.f32 $3.200000000e+01, v48  }
0xd3: {  	v20 =	vld [tilespmem:s9+$0x104D0];
	[tilespmem:s5+$0x18190] =	vst v28;
	v28 =	vmul.f32 $3.200000000e+01, v49;
	v34 =	vadd.f32 v34, v22  }
0xd4: {  	v50 =	vld [tilespmem:s11+$0x10210];
	v33 =	vmul.f32 $3.200000000e+01, v44;
	[tilespmem:s5+$0x181B0] =	vst v30;
	v26 =	vadd.f32 v26, v13  }
0xd5: {  	v57 =	vmul.f32 $3.200000000e+01, v51;
	v52 =	vld [tilespmem:s11+$0x10230];
	v56 =	vadd.f32 v28, v25;
	[tilespmem:s5+$0x181F0] =	vst v34  }
0xd6: {  	v31 =	vmul.f32 $3.200000000e+01, v42;
	v33 =	vadd.f32 v33, v23;
	[tilespmem:s4+$0x181F0] =	vst v26;
	v58 =	vld [tilespmem:s11+$0x10270]  }
0xd7: {  	v32 =	vmul.f32 $3.200000000e+01, v43;
	v28 =	vadd.f32 v57, v18;
	[tilespmem:s5+$0x18200] =	vst v56;
	v60 =	vld [tilespmem:s9+$0x10270]  }
0xd8: {  	v26 =	vmul.f32 $3.200000000e+01, v59;
	v31 =	vadd.f32 v31, v11;
	[tilespmem:s5+$0x181E0] =	vst v33;
	v61 =	vld [tilespmem:s11+$0x10280]  }
0xd9: {  	v32 =	vadd.f32 v32, v12;
	[tilespmem:s5+$0x18220] =	vst v28;
	v29 =	vmul.f32 $3.200000000e+01, v50;
	v55 =	vld [tilespmem:s11+$0x10260]  }
0xda: {  	v26 =	vadd.f32 v26, v19;
	v63 =	vld [tilespmem:s11+$0x102A0];
	[tilespmem:s5+$0x181C0] =	vst v31;
	v31 =	vmul.f32 $3.200000000e+01, v52  }
0xdb: {  	v21 =	vmul.f32 $3.200000000e+01, v21;
	[tilespmem:s5+$0x181D0] =	vst v32;
	v53 =	vld [tilespmem:s11+$0x10240];
	v29 =	vadd.f32 v29, v24  }
0xdc: {  	[tilespmem:s4+$0x18260] =	vst v26;
	v54 =	vld [tilespmem:s11+$0x10250];
	v31 =	vadd.f32 v31, v10;
	v30 =	vmul.f32 $3.200000000e+01, v58  }
0xdd: {  	v21 =	vadd.f32 v21, v9;
	v42 =	vld [tilespmem:s9+$0x102E0];
	v27 =	vmul.f32 $3.200000000e+01, v60;
	[tilespmem:s5+$0x18210] =	vst v29  }
0xde: {  	v29 =	vmul.f32 $3.200000000e+01, v61;
	v62 =	vld [tilespmem:s11+$0x10290];
	[tilespmem:s5+$0x18230] =	vst v31;
	v30 =	vadd.f32 v30, v22  }
0xdf: {  	[tilespmem:s4+$0x19240] =	vst v21;
	v34 =	vmul.f32 $3.200000000e+01, v55;
	v27 =	vadd.f32 v27, v13;
	v36 =	vld [tilespmem:s11+$0x102B0]  }
0xe0: {  	v52 =	vmul.f32 $3.200000000e+01, v14;
	v25 =	vadd.f32 v29, v25;
	v29 =	vld [tilespmem:s9+$0x104C0];
	[tilespmem:s5+$0x18270] =	vst v30  }
0xe1: {  	v55 =	vmul.f32 $3.200000000e+01, v16;
	v34 =	vadd.f32 v34, v23;
	[tilespmem:s4+$0x18270] =	vst v27;
	v41 =	vld [tilespmem:s11+$0x102F0]  }
0xe2: {  	v32 =	vmul.f32 $3.200000000e+01, v53;
	v33 =	vmul.f32 $3.200000000e+01, v54;
	v54 =	vadd.f32 v52, v4;
	[tilespmem:s5+$0x18280] =	vst v25;
	v44 =	vld [tilespmem:s9+$0x102F0]  }
0xe3: {  	v58 =	vadd.f32 v55, v6;
	[tilespmem:s5+$0x18260] =	vst v34;
	v34 =	vld [tilespmem:s11+$0x10300]  }
0xe4: {  	v53 =	vmul.f32 $3.200000000e+01, v15;
	v32 =	vadd.f32 v32, v11;
	[tilespmem:s4+$0x19200] =	vst v54;
	v39 =	vld [tilespmem:s11+$0x102E0]  }
0xe5: {  	v57 =	vmul.f32 $3.200000000e+01, v17;
	v33 =	vadd.f32 v33, v12;
	[tilespmem:s4+$0x19220] =	vst v58;
	v59 =	vld [tilespmem:s9+$0x10480]  }
0xe6: {  	v40 =	vmul.f32 $3.200000000e+01, v63;
	v56 =	vadd.f32 v53, v5;
	v63 =	vld [tilespmem:s9+$0x104A0];
	[tilespmem:s5+$0x18240] =	vst v32  }
0xe7: {  	v60 =	vadd.f32 v57, v7;
	v28 =	vmul.f32 $3.200000000e+01, v62;
	v62 =	vmul.f32 $3.200000000e+01, v42;
	[tilespmem:s5+$0x18250] =	vst v33;
	v37 =	vld [tilespmem:s11+$0x102C0]  }
0xe8: {  	[tilespmem:s4+$0x19210] =	vst v56;
	v38 =	vld [tilespmem:s11+$0x102D0]  }
0xe9: {  	[tilespmem:s4+$0x19230] =	vst v60;
	v43 =	vmul.f32 $3.200000000e+01, v36;
	v61 =	vld [tilespmem:s9+$0x10490];
	v19 =	vadd.f32 v62, v19  }
0xea: {  	v24 =	vadd.f32 v28, v24;
	v28 =	vld [tilespmem:s9+$0x104B0];
	v25 =	vmul.f32 $3.200000000e+01, v44  }
0xeb: {  	v46 =	vadd.f32 v43, v10;
	v10 =	vld.idx.msk [tilespmem:v3+s13+$0x0 ss:$0x1], $0xffff;
	[tilespmem:s4+$0x182E0] =	vst v19  }
0xec: {  	v30 =	vadd.f32 v25, v13;
	v13 =	vld.idx.msk [tilespmem:v3+s15+$0x60 ss:$0x1], $0xffff  }
0xed: {  	v51 =	vmul.f32 $3.200000000e+01, v41;
	[tilespmem:s5+$0x18290] =	vst v24;
	v31 =	vld [tilespmem:s9+$0x10360]  }
0xee: {  	v18 =	vadd.f32 v40, v18;
	[tilespmem:s5+$0x182B0] =	vst v46;
	v36 =	vld [tilespmem:s11+$0x10310]  }
0xef: {  	v49 =	vmul.f32 $3.200000000e+01, v39;
	v22 =	vadd.f32 v51, v22;
	v14 =	vld.idx.msk [tilespmem:v3+s13+$0x30 ss:$0x1], $0xffff  }
0xf0: {  	[tilespmem:s5+$0x182A0] =	vst v18;
	v40 =	vld [tilespmem:s11+$0x10330]  }
0xf1: {  	v45 =	vmul.f32 $3.200000000e+01, v37;
	v47 =	vmul.f32 $3.200000000e+01, v38;
	v23 =	vadd.f32 v49, v23;
	[tilespmem:s5+$0x182F0] =	vst v22;
	v38 =	vld [tilespmem:s11+$0x10320]  }
0xf2: {  	[tilespmem:s4+$0x182F0] =	vst v30;
	v18 =	vld.idx.msk [tilespmem:v3+s13+$0x70 ss:$0x1], $0xffff  }
0xf3: {  	v19 =	vld.idx.msk [tilespmem:v3+s15+$0x70 ss:$0x1], $0xffff;
	v48 =	vadd.f32 v45, v11;
	[tilespmem:s5+$0x182E0] =	vst v23;
	v23 =	vmul.f32 $3.200000000e+01, v59  }
0xf4: {  	v22 =	vmul.f32 $3.200000000e+01, v61;
	v33 =	vld [tilespmem:s9+$0x10370];
	v50 =	vadd.f32 v47, v12  }
0xf5: {  	v32 =	vmul.f32 $3.200000000e+01, v63;
	v11 =	vld.idx.msk [tilespmem:v3+s13+$0x10 ss:$0x1], $0xffff;
	[tilespmem:s5+$0x182C0] =	vst v48;
	v4 =	vadd.f32 v23, v4  }
0xf6: {  	v21 =	vmul.f32 $3.200000000e+01, v28;
	v12 =	vld.idx.msk [tilespmem:v3+s13+$0x20 ss:$0x1], $0xffff;
	v5 =	vadd.f32 v22, v5;
	[tilespmem:s5+$0x182D0] =	vst v50  }
0xf7: {  	v35 =	vmul.f32 $3.200000000e+01, v29;
	v17 =	vld.idx.msk [tilespmem:v3+s13+$0x60 ss:$0x1], $0xffff;
	[tilespmem:s4+$0x19280] =	vst v4;
	v4 =	vadd.f32 v32, v6  }
0xf8: {  	v37 =	vmul.f32 $3.200000000e+01, v20;
	v46 =	vld [tilespmem:s11+$0x10360];
	[tilespmem:s4+$0x19290] =	vst v5;
	v5 =	vadd.f32 v21, v7  }
0xf9: {  	v39 =	vmul.f32 $3.200000000e+01, v31;
	v48 =	vld [tilespmem:s11+$0x10370];
	[tilespmem:s4+$0x192A0] =	vst v4;
	v4 =	vadd.f32 v35, v9  }
0xfa: {  	v42 =	vld [tilespmem:s11+$0x10340];
	[tilespmem:s4+$0x192B0] =	vst v5;
	v5 =	vadd.f32 v37, v8;
	v41 =	vmul.f32 $3.200000000e+01, v33  }
0xfb: {  	v43 =	vmul.f32 $3.200000000e+01, v34;
	v44 =	vld [tilespmem:s11+$0x10350];
	[tilespmem:s4+$0x192C0] =	vst v4;
	v4 =	vadd.f32 v39, v13  }
0xfc: {  	v45 =	vmul.f32 $3.200000000e+01, v36;
	v15 =	vld.idx.msk [tilespmem:v3+s13+$0x40 ss:$0x1], $0xffff;
	[tilespmem:s4+$0x192D0] =	vst v5;
	v5 =	vadd.f32 v41, v19  }
0xfd: {  	v16 =	vld.idx.msk [tilespmem:v3+s13+$0x50 ss:$0x1], $0xffff;
	v47 =	vmul.f32 $3.200000000e+01, v38;
	[tilespmem:s4+$0x19160] =	vst v4;
	v4 =	vadd.f32 v43, v10  }
0xfe: {  	v50 =	vmul.f32 $3.200000000e+01, v40;
	[tilespmem:s4+$0x19170] =	vst v5;
	v5 =	vadd.f32 v45, v11;
	v49 =	vld [tilespmem:s9+$0x103E0]  }
0xff: {  	v52 =	vmul.f32 $3.200000000e+01, v42;
	v51 =	vld [tilespmem:s9+$0x103F0];
	[tilespmem:s5+$0x19100] =	vst v4;
	v4 =	vadd.f32 v47, v12  }
0x100: {  	v54 =	vmul.f32 $3.200000000e+01, v44;
	[tilespmem:s5+$0x19110] =	vst v5;
	v5 =	vadd.f32 v50, v14;
	v53 =	vld [tilespmem:s11+$0x10380]  }
0x101: {  	v56 =	vmul.f32 $3.200000000e+01, v46;
	v55 =	vld [tilespmem:s11+$0x10390];
	[tilespmem:s5+$0x19120] =	vst v4;
	v4 =	vadd.f32 v52, v15  }
0x102: {  	v58 =	vmul.f32 $3.200000000e+01, v48;
	[tilespmem:s5+$0x19130] =	vst v5;
	v5 =	vadd.f32 v54, v16;
	v57 =	vld [tilespmem:s11+$0x103A0]  }
0x103: {  	v60 =	vld [tilespmem:s11+$0x103B0];
	v59 =	vmul.f32 $3.200000000e+01, v49;
	[tilespmem:s5+$0x19140] =	vst v4;
	v4 =	vadd.f32 v56, v17  }
0x104: {  	v61 =	vmul.f32 $3.200000000e+01, v51;
	[tilespmem:s5+$0x19150] =	vst v5;
	v5 =	vadd.f32 v58, v18;
	v62 =	vld [tilespmem:s11+$0x103C0]  }
0x105: {  	v24 =	vld [tilespmem:s11+$0x103D0];
	v63 =	vadd.f32 v59, v13;
	v8 =	vmul.f32 $3.200000000e+01, v53;
	[tilespmem:s5+$0x19160] =	vst v4  }
0x106: {  	v25 =	vmul.f32 $3.200000000e+01, v55;
	[tilespmem:s5+$0x19170] =	vst v5;
	v4 =	vadd.f32 v61, v19;
	v26 =	vld [tilespmem:s11+$0x103E0]  }
0x107: {  	v28 =	vld [tilespmem:s11+$0x103F0];
	[tilespmem:s4+$0x191E0] =	vst v63;
	v5 =	vadd.f32 v8, v10;
	v27 =	vmul.f32 $3.200000000e+01, v57  }
0x108: {  	v30 =	vmul.f32 $3.200000000e+01, v60;
	[tilespmem:s4+$0x191F0] =	vst v4;
	v4 =	vadd.f32 v25, v11;
	v29 =	vld [tilespmem:s9+$0x10460]  }
0x109: {  	v31 =	vld [tilespmem:s9+$0x10470];
	[tilespmem:s5+$0x19180] =	vst v5;
	v5 =	vadd.f32 v27, v12;
	v32 =	vmul.f32 $3.200000000e+01, v62  }
0x10a: {  	v34 =	vmul.f32 $3.200000000e+01, v24;
	[tilespmem:s5+$0x19190] =	vst v4;
	v4 =	vadd.f32 v30, v14;
	v33 =	vld [tilespmem:s11+$0x10400]  }
0x10b: {  	v35 =	vld [tilespmem:s11+$0x10410];
	[tilespmem:s5+$0x191A0] =	vst v5;
	v5 =	vadd.f32 v32, v15;
	v36 =	vmul.f32 $3.200000000e+01, v26  }
0x10c: {  	v38 =	vmul.f32 $3.200000000e+01, v28;
	[tilespmem:s5+$0x191B0] =	vst v4;
	v4 =	vadd.f32 v34, v16;
	v37 =	vld [tilespmem:s11+$0x10420]  }
0x10d: {  	v40 =	vld [tilespmem:s11+$0x10430];
	v39 =	vmul.f32 $3.200000000e+01, v29;
	[tilespmem:s5+$0x191C0] =	vst v5;
	v5 =	vadd.f32 v36, v17  }
0x10e: {  	v41 =	vmul.f32 $3.200000000e+01, v31;
	[tilespmem:s5+$0x191D0] =	vst v4;
	v4 =	vadd.f32 v38, v18;
	v42 =	vld [tilespmem:s11+$0x10440]  }
0x10f: {  	v45 =	vld [tilespmem:s11+$0x10450];
	v43 =	vadd.f32 v39, v13;
	v44 =	vmul.f32 $3.200000000e+01, v33;
	[tilespmem:s5+$0x191E0] =	vst v5  }
0x110: {  	v5 =	vadd.f32 v41, v19;
	v46 =	vmul.f32 $3.200000000e+01, v35;
	[tilespmem:s5+$0x191F0] =	vst v4;
	v47 =	vld [tilespmem:s11+$0x10460]  }
0x111: {  	v49 =	vld [tilespmem:s11+$0x10470];
	[tilespmem:s4+$0x19260] =	vst v43;
	v4 =	vadd.f32 v44, v10;
	v48 =	vmul.f32 $3.200000000e+01, v37  }
0x112: {  	[tilespmem:s4+$0x19270] =	vst v5;
	v5 =	vadd.f32 v46, v11;
	v51 =	vmul.f32 $3.200000000e+01, v40;
	v50 =	vld [tilespmem:s9+$0x104E0]  }
0x113: {  	v52 =	vld [tilespmem:s9+$0x104F0];
	[tilespmem:s5+$0x19200] =	vst v4;
	v4 =	vadd.f32 v48, v12;
	v53 =	vmul.f32 $3.200000000e+01, v42  }
0x114: {  	[tilespmem:s5+$0x19210] =	vst v5;
	v7 =	vadd.f32 v51, v14;
	v9 =	vmul.f32 $3.200000000e+01, v45;
	v5 =	vld [tilespmem:s11+$0x10480]  }
0x115: {  	[tilespmem:s5+$0x19220] =	vst v4;
	v4 =	vld [tilespmem:s11+$0x10490];
	v6 =	vadd.f32 v53, v15;
	v20 =	vmul.f32 $3.200000000e+01, v47  }
0x116: {  	[tilespmem:s5+$0x19230] =	vst v7;
	v9 =	vadd.f32 v9, v16;
	v8 =	vmul.f32 $3.200000000e+01, v49;
	v54 =	vld [tilespmem:s11+$0x104A0]  }
0x117: {  	v55 =	vld [tilespmem:s11+$0x104B0];
	v21 =	vmul.f32 $3.200000000e+01, v50;
	[tilespmem:s5+$0x19240] =	vst v6;
	v20 =	vadd.f32 v20, v17  }
0x118: {  	v22 =	vmul.f32 $3.200000000e+01, v52;
	[tilespmem:s5+$0x19250] =	vst v9;
	v8 =	vadd.f32 v8, v18;
	v56 =	vld [tilespmem:s11+$0x104C0]  }
0x119: {  	v57 =	vld [tilespmem:s11+$0x104D0];
	v13 =	vadd.f32 v21, v13;
	v5 =	vmul.f32 $3.200000000e+01, v5;
	[tilespmem:s5+$0x19260] =	vst v20  }
0x11a: {  	v19 =	vadd.f32 v22, v19;
	[tilespmem:s5+$0x19270] =	vst v8;
	v4 =	vmul.f32 $3.200000000e+01, v4;
	v58 =	vld [tilespmem:s11+$0x104E0]  }
0x11b: {  	v59 =	vld [tilespmem:s11+$0x104F0];
	[tilespmem:s4+$0x192E0] =	vst v13;
	v5 =	vadd.f32 v5, v10;
	v7 =	vmul.f32 $3.200000000e+01, v54  }
0x11c: {  	[tilespmem:s4+$0x192F0] =	vst v19;
	v6 =	vmul.f32 $3.200000000e+01, v55;
	v4 =	vadd.f32 v4, v11  }
0x11d: {  	[tilespmem:s5+$0x19280] =	vst v5;
	v5 =	vadd.f32 v7, v12;
	v60 =	vmul.f32 $3.200000000e+01, v56  }
0x11e: {  	v61 =	vmul.f32 $3.200000000e+01, v57;
	[tilespmem:s5+$0x19290] =	vst v4;
	v4 =	vadd.f32 v6, v14  }
0x11f: {  	p0 =	slt.u32 s15, $0x300;
	[tilespmem:s5+$0x192A0] =	vst v5;
	v5 =	vadd.f32 v60, v15;
	v62 =	vmul.f32 $3.200000000e+01, v58  }
.Ltmp2:
0x120: {  	v63 =	vmul.f32 $3.200000000e+01, v59;
	[tilespmem:s5+$0x192B0] =	vst v4;
	v4 =	vadd.f32 v61, v16;
	(pc) =	sbr.rel @p0 .LBB2_3-.Ltmp2, $4  }
0x121: {  	[tilespmem:s5+$0x192C0] =	vst v5;
	v5 =	vadd.f32 v62, v17  }
0x122: {  	[tilespmem:s5+$0x192D0] =	vst v4;
	v4 =	vadd.f32 v63, v18  }
0x123: {  	s16 =	sadd.s32 $0x100, s15;
	[tilespmem:s5+$0x192E0] =	vst v5  }
0x124: {  	s15 =	smov.u32 s16;
	[tilespmem:s5+$0x192F0] =	vst v4  }
0x125: {  	s4 =	sshll.u32 s28, $0xC  }
0x126: {  	p0 =	seq.s32 s28, $0x7;
	s4 =	sadd.s32 s4, s12  }
0x127: {  	[hbm4b:s4+s3] =	stream.linear.scatter [tilespmem:s19], [sflag:$0x5], $0x2000, $0x38;
	[tilespmem:$0x1C100] =	vst v63  }
0x128: {  	s4 =	sshll.u32 @!p0 s28, $0x5  }
0x129: {  	s15 =	sand.u32 @!p0 $0x3FFFFFE0, s4  }
0x12a: {  	v2 =	vld.msk @!p0 [tilespmem:s15+$0x20], $0xff;
	_ =	sdelay $0x4  }
0x12b: {  	v3 =	vshll.u32 @!p0 v2, $0x3  }
0x12c: {  	v4 =	vlaneseq.u32 @!p0;
	v2 =	vand.u32 @!p0 $0x7, v2;
	v3 =	vand.u32 @!p0 $0xFFFFFFC0, v3  }
0x12d: {  	v2 =	vor.u32 @!p0 v2, v3;
	v3 =	vand.u32 @!p0 $0x7, v4;
	v4 =	vshrl.u32 @!p0 v4, $0x3  }
0x12e: {  	v2 =	vperm.xlane @!p0 v2, v3;
	v3 =	vmul.u32 @!p0 $0x8, v4;
	_ =	sdelay $0x1  }
0x12f: {  	v2 =	vadd.s32 @!p0 v3, v2;
	_ =	sdelay $0x3  }
0x130: {  	vm1 =	vmmov @!p0 $0xffff;
	s5 =	simm.s32 @!p0 $0x10100;
	s4 =	simm.s32 @!p0 $0x0  }
0x131: {  	[tilespmem:s5], [sflag:$0x1] =	stream.indirect_vreg.gather @!p0 [hbm4b:s2+s4], $0x80, v2, vm1, $0xb8;
	[tilespmem:$0x1C100] =	vst v63  }
0x132: {  	s5 =	simm.s32 @!p0 $0x10900  }
0x133: {  	[tilespmem:s5], [sflag:$0x1] =	stream.indirect_vreg.gather @!p0 [hbm4b:s6+s4], $0x80, v2, vm1, $0xb8;
	[tilespmem:$0x1C100] =	vst v63  }
0x134: {  	s16 =	sor.u32 $0x1, s1;
	s5 =	simm.s32 @!p0 $0x11100  }
0x135: {  	[tilespmem:s5], [sflag:$0x1] =	stream.indirect_vreg.gather @!p0 [hbm4b:s7+s4], $0x80, v2, vm1, $0xb8;
	[tilespmem:$0x1C100] =	vst v63  }
0x136: {  	s13 =	sshll.u32 s16, $0xD;
	s5 =	simm.s32 @!p0 $0x11900  }
0x137: {  	[tilespmem:s5], [sflag:$0x1] =	stream.indirect_vreg.gather @!p0 [hbm4b:s8+s4], $0x80, v2, vm1, $0xb8;
	[tilespmem:$0x1C100] =	vst v63  }
0x138: {  	s5 =	sshra.s32 s13, $0x2  }
0x139: {  	_ =	swait.ge [sflag:s20], $0x2000;
	s9 =	sor.u32 $0x100, s5  }
0x13a: {  	[sflag:s20] =	ssyncset.done $0x0;
	v2 =	vmov s9  }
0x13b: {  	s4 =	simm.s32 @!p1 $0x6;
	[sflag:s20] =	ssyncadd.s32 $0xFFFFE000  }
0x13c: {  	_ =	swait.ge @!p1 [sflag:s4], $0x2000  }
0x13d: {  	s5 =	sor.u32 $0x500, s5;
	[sflag:s4] =	ssyncset.done @!p1 $0x0  }
0x13e: {  	v3 =	vmov s5;
	[sflag:s4] =	ssyncadd.s32 @!p1 $0xFFFFE000;
	s4 =	simm.s32 $0x0  }
.LBB2_5:
0x13f: {  	s5 =	sshll.u32 s4, $0x3;
	v5 =	vld.idx.msk [tilespmem:v2+s4+$0x0 ss:$0x1], $0xffff  }
0x140: {  	v7 =	vld.idx.msk [tilespmem:v2+s4+$0x10 ss:$0x1], $0xffff;
	s10 =	sand.u32 $0x3FFFFFF8, s5  }
0x141: {  	v4 =	vld [tilespmem:s10+$0x12100]  }
0x142: {  	v13 =	vld [tilespmem:s10+$0x12150]  }
0x143: {  	v6 =	vld [tilespmem:s10+$0x12110]  }
0x144: {  	v53 =	vld.idx.msk [tilespmem:v2+s4+$0x50 ss:$0x1], $0xffff  }
0x145: {  	v8 =	vld [tilespmem:s10+$0x12120]  }
0x146: {  	v9 =	vld.idx.msk [tilespmem:v2+s4+$0x20 ss:$0x1], $0xffff;
	v4 =	vmul.f32 $3.200000000e+01, v4  }
0x147: {  	v10 =	vld [tilespmem:s10+$0x12130];
	v13 =	vmul.f32 $3.200000000e+01, v13  }
0x148: {  	s9 =	sshll.u32 s4, $0x2;
	v11 =	vld.idx.msk [tilespmem:v2+s4+$0x30 ss:$0x1], $0xffff;
	v6 =	vmul.f32 $3.200000000e+01, v6;
	v4 =	vadd.f32 v4, v5  }
0x149: {  	s9 =	sand.u32 $0x3FFFFFFC, s9;
	v12 =	vld [tilespmem:s10+$0x12140];
	v13 =	vadd.f32 v13, v53  }
0x14a: {  	v14 =	vld.idx.msk [tilespmem:v2+s4+$0x40 ss:$0x1], $0xffff;
	v8 =	vmul.f32 $3.200000000e+01, v8;
	v6 =	vadd.f32 v6, v7;
	[tilespmem:s9+$0x1A100] =	vst v4  }
0x14b: {  	[tilespmem:s9+$0x1A150] =	vst v13;
	v4 =	vld [tilespmem:s10+$0x12180]  }
0x14c: {  	v52 =	vmul.f32 $3.200000000e+01, v10;
	v51 =	vadd.f32 v8, v9;
	[tilespmem:s9+$0x1A110] =	vst v6;
	v13 =	vld [tilespmem:s10+$0x121D0]  }
0x14d: {  	v15 =	vld [tilespmem:s10+$0x12190]  }
0x14e: {  	v55 =	vmul.f32 $3.200000000e+01, v12;
	v54 =	vadd.f32 v52, v11;
	[tilespmem:s9+$0x1A120] =	vst v51  }
0x14f: {  	v56 =	vld [tilespmem:s10+$0x121A0]  }
0x150: {  	v57 =	vadd.f32 v55, v14;
	[tilespmem:s9+$0x1A130] =	vst v54;
	v4 =	vmul.f32 $3.200000000e+01, v4  }
0x151: {  	v58 =	vld [tilespmem:s10+$0x121B0];
	v13 =	vmul.f32 $3.200000000e+01, v13  }
0x152: {  	[tilespmem:s9+$0x1A140] =	vst v57;
	v15 =	vmul.f32 $3.200000000e+01, v15;
	v4 =	vadd.f32 v4, v5  }
0x153: {  	v6 =	vld [tilespmem:s10+$0x121C0];
	v13 =	vadd.f32 v13, v53  }
0x154: {  	v12 =	vmul.f32 $3.200000000e+01, v56;
	[tilespmem:s9+$0x1A180] =	vst v4;
	v4 =	vadd.f32 v15, v7  }
0x155: {  	[tilespmem:s9+$0x1A1D0] =	vst v13;
	v59 =	vld [tilespmem:s10+$0x12200]  }
0x156: {  	v8 =	vmul.f32 $3.200000000e+01, v58;
	[tilespmem:s9+$0x1A190] =	vst v4;
	v4 =	vadd.f32 v12, v9  }
0x157: {  	v13 =	vld [tilespmem:s10+$0x12250]  }
0x158: {  	v6 =	vmul.f32 $3.200000000e+01, v6;
	v60 =	vld [tilespmem:s10+$0x12210];
	[tilespmem:s9+$0x1A1A0] =	vst v4;
	v4 =	vadd.f32 v8, v11  }
0x159: {  	v61 =	vld [tilespmem:s10+$0x12220]  }
0x15a: {  	v15 =	vmul.f32 $3.200000000e+01, v59;
	[tilespmem:s9+$0x1A1B0] =	vst v4;
	v4 =	vadd.f32 v6, v14;
	_ =	sdelay $0x1  }
0x15b: {  	v13 =	vmul.f32 $3.200000000e+01, v13;
	v62 =	vld [tilespmem:s10+$0x12230];
	v15 =	vadd.f32 v15, v5;
	[tilespmem:s9+$0x1A1C0] =	vst v4  }
0x15c: {  	v12 =	vmul.f32 $3.200000000e+01, v60;
	v4 =	vld [tilespmem:s10+$0x12240]  }
0x15d: {  	v13 =	vadd.f32 v13, v53;
	[tilespmem:s9+$0x1A200] =	vst v15;
	v8 =	vmul.f32 $3.200000000e+01, v61  }
0x15e: {  	v12 =	vadd.f32 v12, v7;
	v15 =	vld [tilespmem:s10+$0x12280]  }
0x15f: {  	[tilespmem:s9+$0x1A250] =	vst v13;
	v8 =	vadd.f32 v8, v9  }
0x160: {  	v19 =	vld [tilespmem:s10+$0x122D0];
	[tilespmem:s9+$0x1A210] =	vst v12;
	v6 =	vmul.f32 $3.200000000e+01, v62  }
0x161: {  	v12 =	vld [tilespmem:s10+$0x12290];
	[tilespmem:s9+$0x1A220] =	vst v8;
	v4 =	vmul.f32 $3.200000000e+01, v4  }
0x162: {  	v6 =	vadd.f32 v6, v11;
	v8 =	vld [tilespmem:s10+$0x122A0]  }
0x163: {  	v15 =	vmul.f32 $3.200000000e+01, v15;
	v4 =	vadd.f32 v4, v14  }
0x164: {  	[tilespmem:s9+$0x1A230] =	vst v6  }
0x165: {  	v6 =	vld [tilespmem:s10+$0x122B0];
	v5 =	vadd.f32 v15, v5;
	[tilespmem:s9+$0x1A240] =	vst v4  }
0x166: {  	v12 =	vmul.f32 $3.200000000e+01, v12;
	v63 =	vld [tilespmem:s10+$0x122C0]  }
0x167: {  	s11 =	sshrl.u32 s4, $0x7;
	[tilespmem:s9+$0x1A280] =	vst v5;
	v18 =	vmul.f32 $3.200000000e+01, v8;
	v8 =	vmul.f32 $3.200000000e+01, v19;
	v19 =	vld.idx.msk [tilespmem:v2+s4+$0x60 ss:$0x1], $0xffff  }
0x168: {  	s11 =	sor.u32 $0x1, s11;
	v5 =	vadd.f32 v12, v7;
	v4 =	vld.idx.msk [tilespmem:v3+s4+$0x0 ss:$0x1], $0xffff  }
0x169: {  	s5 =	sshll.u32 s11, $0x7;
	v20 =	vld [tilespmem:s10+$0x12300]  }
0x16a: {  	[tilespmem:s9+$0x1A290] =	vst v5;
	v7 =	vadd.f32 v18, v9;
	v18 =	vld.idx.msk [tilespmem:v2+s5+$0x20 ss:$0x1], $0xffff  }
0x16b: {  	v6 =	vmul.f32 $3.200000000e+01, v6;
	v5 =	vld.idx.msk [tilespmem:v3+s4+$0x10 ss:$0x1], $0xffff  }
0x16c: {  	v8 =	vadd.f32 v8, v53;
	v21 =	vld [tilespmem:s10+$0x12310];
	[tilespmem:s9+$0x1A2A0] =	vst v7  }
0x16d: {  	v22 =	vadd.f32 v6, v11;
	v6 =	vld.idx.msk [tilespmem:v3+s4+$0x20 ss:$0x1], $0xffff  }
0x16e: {  	[tilespmem:s9+$0x1A2D0] =	vst v8;
	v24 =	vld [tilespmem:s10+$0x12320]  }
0x16f: {  	s13 =	sshll.u32 s11, $0xA;
	v27 =	vld [tilespmem:s10+$0x12350]  }
0x170: {  	s13 =	sand.u32 $0x3FFFFC00, s13;
	v23 =	vmul.f32 $3.200000000e+01, v63;
	v8 =	vld.idx.msk [tilespmem:v3+s4+$0x50 ss:$0x1], $0xffff  }
0x171: {  	[tilespmem:s9+$0x1A2B0] =	vst v22;
	v22 =	vld [tilespmem:s13+$0x12100]  }
0x172: {  	v11 =	vadd.f32 v23, v14;
	v23 =	vld [tilespmem:s13+$0x12110]  }
0x173: {  	v26 =	vmul.f32 $3.200000000e+01, v20;
	v7 =	vld.idx.msk [tilespmem:v3+s4+$0x30 ss:$0x1], $0xffff  }
0x174: {  	v25 =	vld [tilespmem:s10+$0x12330]  }
0x175: {  	[tilespmem:s9+$0x1A2C0] =	vst v11;
	v29 =	vadd.f32 v26, v4;
	v26 =	vld [tilespmem:s10+$0x12160]  }
0x176: {  	v11 =	vld [tilespmem:s10+$0x12340]  }
0x177: {  	v9 =	vld.idx.msk [tilespmem:v3+s4+$0x40 ss:$0x1], $0xffff  }
0x178: {  	v28 =	vmul.f32 $3.200000000e+01, v21;
	v12 =	vmul.f32 $3.200000000e+01, v27;
	v27 =	vld [tilespmem:s10+$0x12170]  }
0x179: {  	v13 =	vmul.f32 $3.200000000e+01, v24;
	v24 =	vld.idx.msk [tilespmem:v2+s5+$0x10 ss:$0x1], $0xffff  }
0x17a: {  	v14 =	vadd.f32 v28, v5;
	v28 =	vld [tilespmem:s13+$0x12120]  }
0x17b: {  	[tilespmem:s9+$0x1B100] =	vst v29;
	v29 =	vld [tilespmem:s13+$0x12130]  }
0x17c: {  	v15 =	vld [tilespmem:s10+$0x12380];
	v13 =	vadd.f32 v13, v6  }
0x17d: {  	v10 =	vmul.f32 $3.200000000e+01, v25;
	[tilespmem:s9+$0x1B110] =	vst v14;
	v30 =	vadd.f32 v12, v8;
	v25 =	vld.idx.msk [tilespmem:v2+s5+$0x0 ss:$0x1], $0xffff  }
0x17e: {  	v14 =	vld [tilespmem:s10+$0x12390];
	[tilespmem:s9+$0x1B120] =	vst v13  }
0x17f: {  	v26 =	vmul.f32 $3.200000000e+01, v26;
	v10 =	vadd.f32 v10, v7;
	[tilespmem:s9+$0x1B150] =	vst v30;
	v30 =	vld [tilespmem:s13+$0x12140]  }
0x180: {  	v11 =	vmul.f32 $3.200000000e+01, v11;
	v13 =	vld [tilespmem:s10+$0x123A0]  }
0x181: {  	v33 =	vld [tilespmem:s10+$0x123D0];
	v26 =	vadd.f32 v26, v19;
	[tilespmem:s9+$0x1B130] =	vst v10;
	v32 =	vmul.f32 $3.200000000e+01, v15  }
0x182: {  	v22 =	vmul.f32 $3.200000000e+01, v22;
	v11 =	vadd.f32 v11, v9;
	v31 =	vld [tilespmem:s10+$0x123B0]  }
0x183: {  	[tilespmem:s9+$0x1A160] =	vst v26;
	v10 =	vadd.f32 v32, v4;
	v32 =	vld [tilespmem:s13+$0x12160]  }
0x184: {  	s11 =	sshll.u32 s11, $0x9;
	v22 =	vadd.f32 v22, v25;
	[tilespmem:s9+$0x1B140] =	vst v11;
	v47 =	vld [tilespmem:s10+$0x121E0]  }
0x185: {  	s11 =	sand.u32 $0x3FFFFE00, s11;
	v28 =	vmul.f32 $3.200000000e+01, v28;
	v11 =	vld [tilespmem:s10+$0x123C0]  }
0x186: {  	[tilespmem:s11+$0x1A100] =	vst v22;
	v22 =	vld.idx.msk [tilespmem:v2+s5+$0x70 ss:$0x1], $0xffff  }
0x187: {  	v28 =	vadd.f32 v28, v18;
	[tilespmem:s9+$0x1B180] =	vst v10;
	v10 =	vld.idx.msk [tilespmem:v2+s5+$0x30 ss:$0x1], $0xffff  }
0x188: {  	v35 =	vmul.f32 $3.200000000e+01, v33;
	v33 =	vld [tilespmem:s13+$0x12170]  }
0x189: {  	v14 =	vmul.f32 $3.200000000e+01, v14;
	[tilespmem:s11+$0x1A120] =	vst v28;
	v38 =	vld [tilespmem:s13+$0x12180]  }
0x18a: {  	v13 =	vmul.f32 $3.200000000e+01, v13;
	v40 =	vld [tilespmem:s13+$0x121A0]  }
0x18b: {  	v16 =	vadd.f32 v14, v5;
	v14 =	vld [tilespmem:s10+$0x12400]  }
0x18c: {  	v34 =	vadd.f32 v13, v6;
	v13 =	vld.idx.msk [tilespmem:v2+s4+$0x70 ss:$0x1], $0xffff  }
0x18d: {  	v23 =	vmul.f32 $3.200000000e+01, v23;
	v12 =	vmul.f32 $3.200000000e+01, v31;
	[tilespmem:s9+$0x1B190] =	vst v16;
	v31 =	vld [tilespmem:s13+$0x12150]  }
0x18e: {  	v37 =	vadd.f32 v35, v8;
	v15 =	vld [tilespmem:s10+$0x12410]  }
0x18f: {  	[tilespmem:s9+$0x1B1A0] =	vst v34;
	v34 =	vadd.f32 v23, v24;
	v23 =	vld.idx.msk [tilespmem:v2+s5+$0x60 ss:$0x1], $0xffff  }
0x190: {  	v11 =	vmul.f32 $3.200000000e+01, v11;
	[tilespmem:s9+$0x1B1D0] =	vst v37;
	v16 =	vld [tilespmem:s10+$0x12420]  }
0x191: {  	v29 =	vmul.f32 $3.200000000e+01, v29;
	v12 =	vadd.f32 v12, v7;
	v20 =	vld [tilespmem:s10+$0x12450]  }
0x192: {  	v36 =	vadd.f32 v11, v9;
	v11 =	vld.idx.msk [tilespmem:v2+s5+$0x40 ss:$0x1], $0xffff  }
0x193: {  	v29 =	vadd.f32 v29, v10;
	v33 =	vmul.f32 $3.200000000e+01, v33;
	[tilespmem:s9+$0x1B1B0] =	vst v12;
	v12 =	vld.idx.msk [tilespmem:v2+s5+$0x50 ss:$0x1], $0xffff  }
0x194: {  	v27 =	vmul.f32 $3.200000000e+01, v27;
	[tilespmem:s11+$0x1A110] =	vst v34;
	v17 =	vld [tilespmem:s10+$0x12430]  }
0x195: {  	v34 =	vmul.f32 $3.200000000e+01, v38;
	v39 =	vld [tilespmem:s13+$0x12190];
	[tilespmem:s11+$0x1A130] =	vst v29;
	v33 =	vadd.f32 v33, v22  }
0x196: {  	v32 =	vmul.f32 $3.200000000e+01, v32;
	v27 =	vadd.f32 v27, v13;
	[tilespmem:s9+$0x1B1C0] =	vst v36;
	v41 =	vld [tilespmem:s13+$0x121B0]  }
0x197: {  	v29 =	vmul.f32 $3.200000000e+01, v40;
	v45 =	vadd.f32 v34, v25;
	v21 =	vld [tilespmem:s10+$0x12440];
	[tilespmem:s11+$0x1A170] =	vst v33  }
0x198: {  	v30 =	vmul.f32 $3.200000000e+01, v30;
	v32 =	vadd.f32 v32, v23;
	[tilespmem:s9+$0x1A170] =	vst v27;
	v46 =	vld [tilespmem:s13+$0x121F0]  }
0x199: {  	v31 =	vmul.f32 $3.200000000e+01, v31;
	v29 =	vadd.f32 v29, v18;
	[tilespmem:s11+$0x1A180] =	vst v45;
	v48 =	vld [tilespmem:s10+$0x121F0]  }
0x19a: {  	v27 =	vmul.f32 $3.200000000e+01, v47;
	v30 =	vadd.f32 v30, v11;
	[tilespmem:s11+$0x1A160] =	vst v32;
	v49 =	vld [tilespmem:s13+$0x12200]  }
0x19b: {  	v20 =	vmul.f32 $3.200000000e+01, v20;
	v31 =	vadd.f32 v31, v12;
	[tilespmem:s11+$0x1A1A0] =	vst v29;
	v44 =	vld [tilespmem:s13+$0x121E0]  }
0x19c: {  	v27 =	vadd.f32 v27, v19;
	v28 =	vmul.f32 $3.200000000e+01, v39;
	v51 =	vld [tilespmem:s13+$0x12220];
	[tilespmem:s11+$0x1A140] =	vst v30  }
0x19d: {  	v20 =	vadd.f32 v20, v8;
	[tilespmem:s11+$0x1A150] =	vst v31;
	v30 =	vmul.f32 $3.200000000e+01, v41;
	v42 =	vld [tilespmem:s13+$0x121C0]  }
0x19e: {  	[tilespmem:s9+$0x1A1E0] =	vst v27;
	v43 =	vld [tilespmem:s13+$0x121D0];
	v28 =	vadd.f32 v28, v24;
	v34 =	vmul.f32 $3.200000000e+01, v46  }
0x19f: {  	v59 =	vld [tilespmem:s10+$0x12260];
	[tilespmem:s9+$0x1B250] =	vst v20;
	v30 =	vadd.f32 v30, v10;
	v26 =	vmul.f32 $3.200000000e+01, v48  }
0x1a0: {  	v20 =	vld [tilespmem:s10+$0x124D0];
	[tilespmem:s11+$0x1A190] =	vst v28;
	v28 =	vmul.f32 $3.200000000e+01, v49;
	v34 =	vadd.f32 v34, v22  }
0x1a1: {  	v50 =	vld [tilespmem:s13+$0x12210];
	v33 =	vmul.f32 $3.200000000e+01, v44;
	[tilespmem:s11+$0x1A1B0] =	vst v30;
	v26 =	vadd.f32 v26, v13  }
0x1a2: {  	v57 =	vmul.f32 $3.200000000e+01, v51;
	v52 =	vld [tilespmem:s13+$0x12230];
	v56 =	vadd.f32 v28, v25;
	[tilespmem:s11+$0x1A1F0] =	vst v34  }
0x1a3: {  	v31 =	vmul.f32 $3.200000000e+01, v42;
	v33 =	vadd.f32 v33, v23;
	[tilespmem:s9+$0x1A1F0] =	vst v26;
	v58 =	vld [tilespmem:s13+$0x12270]  }
0x1a4: {  	v32 =	vmul.f32 $3.200000000e+01, v43;
	v28 =	vadd.f32 v57, v18;
	[tilespmem:s11+$0x1A200] =	vst v56;
	v60 =	vld [tilespmem:s10+$0x12270]  }
0x1a5: {  	v26 =	vmul.f32 $3.200000000e+01, v59;
	v31 =	vadd.f32 v31, v11;
	[tilespmem:s11+$0x1A1E0] =	vst v33;
	v61 =	vld [tilespmem:s13+$0x12280]  }
0x1a6: {  	v32 =	vadd.f32 v32, v12;
	[tilespmem:s11+$0x1A220] =	vst v28;
	v29 =	vmul.f32 $3.200000000e+01, v50;
	v55 =	vld [tilespmem:s13+$0x12260]  }
0x1a7: {  	v26 =	vadd.f32 v26, v19;
	v63 =	vld [tilespmem:s13+$0x122A0];
	[tilespmem:s11+$0x1A1C0] =	vst v31;
	v31 =	vmul.f32 $3.200000000e+01, v52  }
0x1a8: {  	v21 =	vmul.f32 $3.200000000e+01, v21;
	[tilespmem:s11+$0x1A1D0] =	vst v32;
	v53 =	vld [tilespmem:s13+$0x12240];
	v29 =	vadd.f32 v29, v24  }
0x1a9: {  	[tilespmem:s9+$0x1A260] =	vst v26;
	v54 =	vld [tilespmem:s13+$0x12250];
	v31 =	vadd.f32 v31, v10;
	v30 =	vmul.f32 $3.200000000e+01, v58  }
0x1aa: {  	v21 =	vadd.f32 v21, v9;
	v42 =	vld [tilespmem:s10+$0x122E0];
	v27 =	vmul.f32 $3.200000000e+01, v60;
	[tilespmem:s11+$0x1A210] =	vst v29  }
0x1ab: {  	v29 =	vmul.f32 $3.200000000e+01, v61;
	v62 =	vld [tilespmem:s13+$0x12290];
	[tilespmem:s11+$0x1A230] =	vst v31;
	v30 =	vadd.f32 v30, v22  }
0x1ac: {  	[tilespmem:s9+$0x1B240] =	vst v21;
	v34 =	vmul.f32 $3.200000000e+01, v55;
	v27 =	vadd.f32 v27, v13;
	v36 =	vld [tilespmem:s13+$0x122B0]  }
0x1ad: {  	v52 =	vmul.f32 $3.200000000e+01, v14;
	v25 =	vadd.f32 v29, v25;
	v29 =	vld [tilespmem:s10+$0x124C0];
	[tilespmem:s11+$0x1A270] =	vst v30  }
0x1ae: {  	v55 =	vmul.f32 $3.200000000e+01, v16;
	v34 =	vadd.f32 v34, v23;
	[tilespmem:s9+$0x1A270] =	vst v27;
	v41 =	vld [tilespmem:s13+$0x122F0]  }
0x1af: {  	v32 =	vmul.f32 $3.200000000e+01, v53;
	v33 =	vmul.f32 $3.200000000e+01, v54;
	v54 =	vadd.f32 v52, v4;
	[tilespmem:s11+$0x1A280] =	vst v25;
	v44 =	vld [tilespmem:s10+$0x122F0]  }
0x1b0: {  	v58 =	vadd.f32 v55, v6;
	[tilespmem:s11+$0x1A260] =	vst v34;
	v34 =	vld [tilespmem:s13+$0x12300]  }
0x1b1: {  	v53 =	vmul.f32 $3.200000000e+01, v15;
	v32 =	vadd.f32 v32, v11;
	[tilespmem:s9+$0x1B200] =	vst v54;
	v39 =	vld [tilespmem:s13+$0x122E0]  }
0x1b2: {  	v57 =	vmul.f32 $3.200000000e+01, v17;
	v33 =	vadd.f32 v33, v12;
	[tilespmem:s9+$0x1B220] =	vst v58;
	v59 =	vld [tilespmem:s10+$0x12480]  }
0x1b3: {  	v40 =	vmul.f32 $3.200000000e+01, v63;
	v56 =	vadd.f32 v53, v5;
	v63 =	vld [tilespmem:s10+$0x124A0];
	[tilespmem:s11+$0x1A240] =	vst v32  }
0x1b4: {  	v60 =	vadd.f32 v57, v7;
	v28 =	vmul.f32 $3.200000000e+01, v62;
	v62 =	vmul.f32 $3.200000000e+01, v42;
	[tilespmem:s11+$0x1A250] =	vst v33;
	v37 =	vld [tilespmem:s13+$0x122C0]  }
0x1b5: {  	[tilespmem:s9+$0x1B210] =	vst v56;
	v38 =	vld [tilespmem:s13+$0x122D0]  }
0x1b6: {  	[tilespmem:s9+$0x1B230] =	vst v60;
	v43 =	vmul.f32 $3.200000000e+01, v36;
	v61 =	vld [tilespmem:s10+$0x12490];
	v19 =	vadd.f32 v62, v19  }
0x1b7: {  	v24 =	vadd.f32 v28, v24;
	v28 =	vld [tilespmem:s10+$0x124B0];
	v25 =	vmul.f32 $3.200000000e+01, v44  }
0x1b8: {  	v46 =	vadd.f32 v43, v10;
	v10 =	vld.idx.msk [tilespmem:v3+s5+$0x0 ss:$0x1], $0xffff;
	[tilespmem:s9+$0x1A2E0] =	vst v19  }
0x1b9: {  	v30 =	vadd.f32 v25, v13;
	v13 =	vld.idx.msk [tilespmem:v3+s4+$0x60 ss:$0x1], $0xffff  }
0x1ba: {  	v51 =	vmul.f32 $3.200000000e+01, v41;
	[tilespmem:s11+$0x1A290] =	vst v24;
	v31 =	vld [tilespmem:s10+$0x12360]  }
0x1bb: {  	v18 =	vadd.f32 v40, v18;
	[tilespmem:s11+$0x1A2B0] =	vst v46;
	v36 =	vld [tilespmem:s13+$0x12310]  }
0x1bc: {  	v49 =	vmul.f32 $3.200000000e+01, v39;
	v22 =	vadd.f32 v51, v22;
	v14 =	vld.idx.msk [tilespmem:v3+s5+$0x30 ss:$0x1], $0xffff  }
0x1bd: {  	[tilespmem:s11+$0x1A2A0] =	vst v18;
	v40 =	vld [tilespmem:s13+$0x12330]  }
0x1be: {  	v45 =	vmul.f32 $3.200000000e+01, v37;
	v47 =	vmul.f32 $3.200000000e+01, v38;
	v23 =	vadd.f32 v49, v23;
	[tilespmem:s11+$0x1A2F0] =	vst v22;
	v38 =	vld [tilespmem:s13+$0x12320]  }
0x1bf: {  	[tilespmem:s9+$0x1A2F0] =	vst v30;
	v18 =	vld.idx.msk [tilespmem:v3+s5+$0x70 ss:$0x1], $0xffff  }
0x1c0: {  	v19 =	vld.idx.msk [tilespmem:v3+s4+$0x70 ss:$0x1], $0xffff;
	v48 =	vadd.f32 v45, v11;
	[tilespmem:s11+$0x1A2E0] =	vst v23;
	v23 =	vmul.f32 $3.200000000e+01, v59  }
0x1c1: {  	v22 =	vmul.f32 $3.200000000e+01, v61;
	v33 =	vld [tilespmem:s10+$0x12370];
	v50 =	vadd.f32 v47, v12  }
0x1c2: {  	v32 =	vmul.f32 $3.200000000e+01, v63;
	v11 =	vld.idx.msk [tilespmem:v3+s5+$0x10 ss:$0x1], $0xffff;
	[tilespmem:s11+$0x1A2C0] =	vst v48;
	v4 =	vadd.f32 v23, v4  }
0x1c3: {  	v21 =	vmul.f32 $3.200000000e+01, v28;
	v12 =	vld.idx.msk [tilespmem:v3+s5+$0x20 ss:$0x1], $0xffff;
	v5 =	vadd.f32 v22, v5;
	[tilespmem:s11+$0x1A2D0] =	vst v50  }
0x1c4: {  	v35 =	vmul.f32 $3.200000000e+01, v29;
	v17 =	vld.idx.msk [tilespmem:v3+s5+$0x60 ss:$0x1], $0xffff;
	[tilespmem:s9+$0x1B280] =	vst v4;
	v4 =	vadd.f32 v32, v6  }
0x1c5: {  	v37 =	vmul.f32 $3.200000000e+01, v20;
	v46 =	vld [tilespmem:s13+$0x12360];
	[tilespmem:s9+$0x1B290] =	vst v5;
	v5 =	vadd.f32 v21, v7  }
0x1c6: {  	v39 =	vmul.f32 $3.200000000e+01, v31;
	v48 =	vld [tilespmem:s13+$0x12370];
	[tilespmem:s9+$0x1B2A0] =	vst v4;
	v4 =	vadd.f32 v35, v9  }
0x1c7: {  	v42 =	vld [tilespmem:s13+$0x12340];
	[tilespmem:s9+$0x1B2B0] =	vst v5;
	v5 =	vadd.f32 v37, v8;
	v41 =	vmul.f32 $3.200000000e+01, v33  }
0x1c8: {  	v43 =	vmul.f32 $3.200000000e+01, v34;
	v44 =	vld [tilespmem:s13+$0x12350];
	[tilespmem:s9+$0x1B2C0] =	vst v4;
	v4 =	vadd.f32 v39, v13  }
0x1c9: {  	v45 =	vmul.f32 $3.200000000e+01, v36;
	v15 =	vld.idx.msk [tilespmem:v3+s5+$0x40 ss:$0x1], $0xffff;
	[tilespmem:s9+$0x1B2D0] =	vst v5;
	v5 =	vadd.f32 v41, v19  }
0x1ca: {  	v16 =	vld.idx.msk [tilespmem:v3+s5+$0x50 ss:$0x1], $0xffff;
	v47 =	vmul.f32 $3.200000000e+01, v38;
	[tilespmem:s9+$0x1B160] =	vst v4;
	v4 =	vadd.f32 v43, v10  }
0x1cb: {  	v50 =	vmul.f32 $3.200000000e+01, v40;
	[tilespmem:s9+$0x1B170] =	vst v5;
	v5 =	vadd.f32 v45, v11;
	v49 =	vld [tilespmem:s10+$0x123E0]  }
0x1cc: {  	v52 =	vmul.f32 $3.200000000e+01, v42;
	v51 =	vld [tilespmem:s10+$0x123F0];
	[tilespmem:s11+$0x1B100] =	vst v4;
	v4 =	vadd.f32 v47, v12  }
0x1cd: {  	v54 =	vmul.f32 $3.200000000e+01, v44;
	[tilespmem:s11+$0x1B110] =	vst v5;
	v5 =	vadd.f32 v50, v14;
	v53 =	vld [tilespmem:s13+$0x12380]  }
0x1ce: {  	v56 =	vmul.f32 $3.200000000e+01, v46;
	v55 =	vld [tilespmem:s13+$0x12390];
	[tilespmem:s11+$0x1B120] =	vst v4;
	v4 =	vadd.f32 v52, v15  }
0x1cf: {  	v58 =	vmul.f32 $3.200000000e+01, v48;
	[tilespmem:s11+$0x1B130] =	vst v5;
	v5 =	vadd.f32 v54, v16;
	v57 =	vld [tilespmem:s13+$0x123A0]  }
0x1d0: {  	v60 =	vld [tilespmem:s13+$0x123B0];
	v59 =	vmul.f32 $3.200000000e+01, v49;
	[tilespmem:s11+$0x1B140] =	vst v4;
	v4 =	vadd.f32 v56, v17  }
0x1d1: {  	v61 =	vmul.f32 $3.200000000e+01, v51;
	[tilespmem:s11+$0x1B150] =	vst v5;
	v5 =	vadd.f32 v58, v18;
	v62 =	vld [tilespmem:s13+$0x123C0]  }
0x1d2: {  	v24 =	vld [tilespmem:s13+$0x123D0];
	v63 =	vadd.f32 v59, v13;
	v8 =	vmul.f32 $3.200000000e+01, v53;
	[tilespmem:s11+$0x1B160] =	vst v4  }
0x1d3: {  	v25 =	vmul.f32 $3.200000000e+01, v55;
	[tilespmem:s11+$0x1B170] =	vst v5;
	v4 =	vadd.f32 v61, v19;
	v26 =	vld [tilespmem:s13+$0x123E0]  }
0x1d4: {  	v28 =	vld [tilespmem:s13+$0x123F0];
	[tilespmem:s9+$0x1B1E0] =	vst v63;
	v5 =	vadd.f32 v8, v10;
	v27 =	vmul.f32 $3.200000000e+01, v57  }
0x1d5: {  	v30 =	vmul.f32 $3.200000000e+01, v60;
	[tilespmem:s9+$0x1B1F0] =	vst v4;
	v4 =	vadd.f32 v25, v11;
	v29 =	vld [tilespmem:s10+$0x12460]  }
0x1d6: {  	v31 =	vld [tilespmem:s10+$0x12470];
	[tilespmem:s11+$0x1B180] =	vst v5;
	v5 =	vadd.f32 v27, v12;
	v32 =	vmul.f32 $3.200000000e+01, v62  }
0x1d7: {  	v34 =	vmul.f32 $3.200000000e+01, v24;
	[tilespmem:s11+$0x1B190] =	vst v4;
	v4 =	vadd.f32 v30, v14;
	v33 =	vld [tilespmem:s13+$0x12400]  }
0x1d8: {  	v35 =	vld [tilespmem:s13+$0x12410];
	[tilespmem:s11+$0x1B1A0] =	vst v5;
	v5 =	vadd.f32 v32, v15;
	v36 =	vmul.f32 $3.200000000e+01, v26  }
0x1d9: {  	v38 =	vmul.f32 $3.200000000e+01, v28;
	[tilespmem:s11+$0x1B1B0] =	vst v4;
	v4 =	vadd.f32 v34, v16;
	v37 =	vld [tilespmem:s13+$0x12420]  }
0x1da: {  	v40 =	vld [tilespmem:s13+$0x12430];
	v39 =	vmul.f32 $3.200000000e+01, v29;
	[tilespmem:s11+$0x1B1C0] =	vst v5;
	v5 =	vadd.f32 v36, v17  }
0x1db: {  	v41 =	vmul.f32 $3.200000000e+01, v31;
	[tilespmem:s11+$0x1B1D0] =	vst v4;
	v4 =	vadd.f32 v38, v18;
	v42 =	vld [tilespmem:s13+$0x12440]  }
0x1dc: {  	v45 =	vld [tilespmem:s13+$0x12450];
	v43 =	vadd.f32 v39, v13;
	v44 =	vmul.f32 $3.200000000e+01, v33;
	[tilespmem:s11+$0x1B1E0] =	vst v5  }
0x1dd: {  	v5 =	vadd.f32 v41, v19;
	v46 =	vmul.f32 $3.200000000e+01, v35;
	[tilespmem:s11+$0x1B1F0] =	vst v4;
	v47 =	vld [tilespmem:s13+$0x12460]  }
0x1de: {  	v49 =	vld [tilespmem:s13+$0x12470];
	[tilespmem:s9+$0x1B260] =	vst v43;
	v4 =	vadd.f32 v44, v10;
	v48 =	vmul.f32 $3.200000000e+01, v37  }
0x1df: {  	[tilespmem:s9+$0x1B270] =	vst v5;
	v5 =	vadd.f32 v46, v11;
	v51 =	vmul.f32 $3.200000000e+01, v40;
	v50 =	vld [tilespmem:s10+$0x124E0]  }
0x1e0: {  	v52 =	vld [tilespmem:s10+$0x124F0];
	[tilespmem:s11+$0x1B200] =	vst v4;
	v4 =	vadd.f32 v48, v12;
	v53 =	vmul.f32 $3.200000000e+01, v42  }
0x1e1: {  	[tilespmem:s11+$0x1B210] =	vst v5;
	v7 =	vadd.f32 v51, v14;
	v9 =	vmul.f32 $3.200000000e+01, v45;
	v5 =	vld [tilespmem:s13+$0x12480]  }
0x1e2: {  	[tilespmem:s11+$0x1B220] =	vst v4;
	v4 =	vld [tilespmem:s13+$0x12490];
	v6 =	vadd.f32 v53, v15;
	v20 =	vmul.f32 $3.200000000e+01, v47  }
0x1e3: {  	[tilespmem:s11+$0x1B230] =	vst v7;
	v9 =	vadd.f32 v9, v16;
	v8 =	vmul.f32 $3.200000000e+01, v49;
	v54 =	vld [tilespmem:s13+$0x124A0]  }
0x1e4: {  	v55 =	vld [tilespmem:s13+$0x124B0];
	v21 =	vmul.f32 $3.200000000e+01, v50;
	[tilespmem:s11+$0x1B240] =	vst v6;
	v20 =	vadd.f32 v20, v17  }
0x1e5: {  	v22 =	vmul.f32 $3.200000000e+01, v52;
	[tilespmem:s11+$0x1B250] =	vst v9;
	v8 =	vadd.f32 v8, v18;
	v56 =	vld [tilespmem:s13+$0x124C0]  }
0x1e6: {  	v57 =	vld [tilespmem:s13+$0x124D0];
	v13 =	vadd.f32 v21, v13;
	v5 =	vmul.f32 $3.200000000e+01, v5;
	[tilespmem:s11+$0x1B260] =	vst v20  }
0x1e7: {  	v19 =	vadd.f32 v22, v19;
	[tilespmem:s11+$0x1B270] =	vst v8;
	v4 =	vmul.f32 $3.200000000e+01, v4;
	v58 =	vld [tilespmem:s13+$0x124E0]  }
0x1e8: {  	v59 =	vld [tilespmem:s13+$0x124F0];
	[tilespmem:s9+$0x1B2E0] =	vst v13;
	v5 =	vadd.f32 v5, v10;
	v7 =	vmul.f32 $3.200000000e+01, v54  }
0x1e9: {  	[tilespmem:s9+$0x1B2F0] =	vst v19;
	v6 =	vmul.f32 $3.200000000e+01, v55;
	v4 =	vadd.f32 v4, v11  }
0x1ea: {  	[tilespmem:s11+$0x1B280] =	vst v5;
	v5 =	vadd.f32 v7, v12;
	v60 =	vmul.f32 $3.200000000e+01, v56  }
0x1eb: {  	v61 =	vmul.f32 $3.200000000e+01, v57;
	[tilespmem:s11+$0x1B290] =	vst v4;
	v4 =	vadd.f32 v6, v14  }
0x1ec: {  	p1 =	slt.u32 s4, $0x300;
	[tilespmem:s11+$0x1B2A0] =	vst v5;
	v5 =	vadd.f32 v60, v15;
	v62 =	vmul.f32 $3.200000000e+01, v58  }
.Ltmp3:
0x1ed: {  	v63 =	vmul.f32 $3.200000000e+01, v59;
	[tilespmem:s11+$0x1B2B0] =	vst v4;
	v4 =	vadd.f32 v61, v16;
	(pc) =	sbr.rel @p1 .LBB2_5-.Ltmp3, $4  }
0x1ee: {  	[tilespmem:s11+$0x1B2C0] =	vst v5;
	v5 =	vadd.f32 v62, v17  }
0x1ef: {  	[tilespmem:s11+$0x1B2D0] =	vst v4;
	v4 =	vadd.f32 v63, v18  }
0x1f0: {  	s13 =	sadd.s32 $0x100, s4;
	[tilespmem:s11+$0x1B2E0] =	vst v5  }
0x1f1: {  	s4 =	smov.u32 s13;
	[tilespmem:s11+$0x1B2F0] =	vst v4  }
0x1f2: {  	s4 =	sshll.u32 s16, $0xA  }
0x1f3: {  	s4 =	sadd.s32 s4, s12  }
0x1f4: {  	[hbm4b:s4+s3] =	stream.linear.scatter [tilespmem:s21], [sflag:$0x6], $0x2000, $0x38;
	[tilespmem:$0x1C100] =	vst v63  }
0x1f5: {  	v2 =	vld.msk @!p0 [tilespmem:s15+$0x28], $0xff;
	_ =	sdelay $0x4  }
0x1f6: {  	v3 =	vshll.u32 @!p0 v2, $0x3  }
0x1f7: {  	v4 =	vlaneseq.u32 @!p0;
	v2 =	vand.u32 @!p0 $0x7, v2;
	v3 =	vand.u32 @!p0 $0xFFFFFFC0, v3  }
0x1f8: {  	v2 =	vor.u32 @!p0 v2, v3;
	v3 =	vand.u32 @!p0 $0x7, v4;
	v4 =	vshrl.u32 @!p0 v4, $0x3  }
0x1f9: {  	v2 =	vperm.xlane @!p0 v2, v3;
	v3 =	vmul.u32 @!p0 $0x8, v4;
	_ =	sdelay $0x1  }
0x1fa: {  	v2 =	vadd.s32 @!p0 v3, v2;
	_ =	sdelay $0x3  }
0x1fb: {  	s5 =	simm.s32 @!p0 $0x12100;
	s4 =	simm.s32 @!p0 $0x0  }
0x1fc: {  	[tilespmem:s5], [sflag:$0x2] =	stream.indirect_vreg.gather @!p0 [hbm4b:s2+s4], $0x80, v2, vm1, $0xb8;
	[tilespmem:$0x1C100] =	vst v63  }
0x1fd: {  	s5 =	simm.s32 @!p0 $0x12900  }
0x1fe: {  	[tilespmem:s5], [sflag:$0x2] =	stream.indirect_vreg.gather @!p0 [hbm4b:s6+s4], $0x80, v2, vm1, $0xb8;
	[tilespmem:$0x1C100] =	vst v63  }
0x1ff: {  	s16 =	sor.u32 $0x2, s1;
	s5 =	simm.s32 @!p0 $0x13100  }
0x200: {  	[tilespmem:s5], [sflag:$0x2] =	stream.indirect_vreg.gather @!p0 [hbm4b:s7+s4], $0x80, v2, vm1, $0xb8;
	[tilespmem:$0x1C100] =	vst v63  }
0x201: {  	s11 =	sshll.u32 s16, $0xD;
	s5 =	simm.s32 @!p0 $0x13900  }
0x202: {  	[tilespmem:s5], [sflag:$0x2] =	stream.indirect_vreg.gather @!p0 [hbm4b:s8+s4], $0x80, v2, vm1, $0xb8;
	[tilespmem:$0x1C100] =	vst v63  }
0x203: {  	s4 =	sshra.s32 s11, $0x2  }
0x204: {  	_ =	swait.ge [sflag:s22], $0x2000;
	s13 =	sor.u32 $0x100, s4  }
0x205: {  	[sflag:s22] =	ssyncset.done $0x0;
	v2 =	vmov s13  }
0x206: {  	[sflag:s22] =	ssyncadd.s32 $0xFFFFE000  }
0x207: {  	_ =	swait.ge [sflag:s23], $0x2000  }
0x208: {  	s9 =	sor.u32 $0x500, s4;
	[sflag:s23] =	ssyncset.done $0x0  }
0x209: {  	s4 =	simm.s32 $0x0;
	v3 =	vmov s9;
	[sflag:s23] =	ssyncadd.s32 $0xFFFFE000  }
.LBB2_7:
0x20a: {  	s5 =	sshll.u32 s4, $0x3;
	v5 =	vld.idx.msk [tilespmem:v2+s4+$0x0 ss:$0x1], $0xffff  }
0x20b: {  	v7 =	vld.idx.msk [tilespmem:v2+s4+$0x10 ss:$0x1], $0xffff;
	s10 =	sand.u32 $0x3FFFFFF8, s5  }
0x20c: {  	v4 =	vld [tilespmem:s10+$0x14100]  }
0x20d: {  	v13 =	vld [tilespmem:s10+$0x14150]  }
0x20e: {  	v6 =	vld [tilespmem:s10+$0x14110]  }
0x20f: {  	v53 =	vld.idx.msk [tilespmem:v2+s4+$0x50 ss:$0x1], $0xffff  }
0x210: {  	v8 =	vld [tilespmem:s10+$0x14120]  }
0x211: {  	v9 =	vld.idx.msk [tilespmem:v2+s4+$0x20 ss:$0x1], $0xffff;
	v4 =	vmul.f32 $3.200000000e+01, v4  }
0x212: {  	v10 =	vld [tilespmem:s10+$0x14130];
	v13 =	vmul.f32 $3.200000000e+01, v13  }
0x213: {  	s9 =	sshll.u32 s4, $0x2;
	v11 =	vld.idx.msk [tilespmem:v2+s4+$0x30 ss:$0x1], $0xffff;
	v6 =	vmul.f32 $3.200000000e+01, v6;
	v4 =	vadd.f32 v4, v5  }
0x214: {  	s9 =	sand.u32 $0x3FFFFFFC, s9;
	v12 =	vld [tilespmem:s10+$0x14140];
	v13 =	vadd.f32 v13, v53  }
0x215: {  	v14 =	vld.idx.msk [tilespmem:v2+s4+$0x40 ss:$0x1], $0xffff;
	v8 =	vmul.f32 $3.200000000e+01, v8;
	v6 =	vadd.f32 v6, v7;
	[tilespmem:s9+$0x18100] =	vst v4  }
0x216: {  	[tilespmem:s9+$0x18150] =	vst v13;
	v4 =	vld [tilespmem:s10+$0x14180]  }
0x217: {  	v52 =	vmul.f32 $3.200000000e+01, v10;
	v51 =	vadd.f32 v8, v9;
	[tilespmem:s9+$0x18110] =	vst v6;
	v13 =	vld [tilespmem:s10+$0x141D0]  }
0x218: {  	v15 =	vld [tilespmem:s10+$0x14190]  }
0x219: {  	v55 =	vmul.f32 $3.200000000e+01, v12;
	v54 =	vadd.f32 v52, v11;
	[tilespmem:s9+$0x18120] =	vst v51  }
0x21a: {  	v56 =	vld [tilespmem:s10+$0x141A0]  }
0x21b: {  	v57 =	vadd.f32 v55, v14;
	[tilespmem:s9+$0x18130] =	vst v54;
	v4 =	vmul.f32 $3.200000000e+01, v4  }
0x21c: {  	v58 =	vld [tilespmem:s10+$0x141B0];
	v13 =	vmul.f32 $3.200000000e+01, v13  }
0x21d: {  	[tilespmem:s9+$0x18140] =	vst v57;
	v15 =	vmul.f32 $3.200000000e+01, v15;
	v4 =	vadd.f32 v4, v5  }
0x21e: {  	v6 =	vld [tilespmem:s10+$0x141C0];
	v13 =	vadd.f32 v13, v53  }
0x21f: {  	v12 =	vmul.f32 $3.200000000e+01, v56;
	[tilespmem:s9+$0x18180] =	vst v4;
	v4 =	vadd.f32 v15, v7  }
0x220: {  	[tilespmem:s9+$0x181D0] =	vst v13;
	v59 =	vld [tilespmem:s10+$0x14200]  }
0x221: {  	v8 =	vmul.f32 $3.200000000e+01, v58;
	[tilespmem:s9+$0x18190] =	vst v4;
	v4 =	vadd.f32 v12, v9  }
0x222: {  	v13 =	vld [tilespmem:s10+$0x14250]  }
0x223: {  	v6 =	vmul.f32 $3.200000000e+01, v6;
	v60 =	vld [tilespmem:s10+$0x14210];
	[tilespmem:s9+$0x181A0] =	vst v4;
	v4 =	vadd.f32 v8, v11  }
0x224: {  	v61 =	vld [tilespmem:s10+$0x14220]  }
0x225: {  	v15 =	vmul.f32 $3.200000000e+01, v59;
	[tilespmem:s9+$0x181B0] =	vst v4;
	v4 =	vadd.f32 v6, v14;
	_ =	sdelay $0x1  }
0x226: {  	v13 =	vmul.f32 $3.200000000e+01, v13;
	v62 =	vld [tilespmem:s10+$0x14230];
	v15 =	vadd.f32 v15, v5;
	[tilespmem:s9+$0x181C0] =	vst v4  }
0x227: {  	v12 =	vmul.f32 $3.200000000e+01, v60;
	v4 =	vld [tilespmem:s10+$0x14240]  }
0x228: {  	v13 =	vadd.f32 v13, v53;
	[tilespmem:s9+$0x18200] =	vst v15;
	v8 =	vmul.f32 $3.200000000e+01, v61  }
0x229: {  	v12 =	vadd.f32 v12, v7;
	v15 =	vld [tilespmem:s10+$0x14280]  }
0x22a: {  	[tilespmem:s9+$0x18250] =	vst v13;
	v8 =	vadd.f32 v8, v9  }
0x22b: {  	v19 =	vld [tilespmem:s10+$0x142D0];
	[tilespmem:s9+$0x18210] =	vst v12;
	v6 =	vmul.f32 $3.200000000e+01, v62  }
0x22c: {  	v12 =	vld [tilespmem:s10+$0x14290];
	[tilespmem:s9+$0x18220] =	vst v8;
	v4 =	vmul.f32 $3.200000000e+01, v4  }
0x22d: {  	v6 =	vadd.f32 v6, v11;
	v8 =	vld [tilespmem:s10+$0x142A0]  }
0x22e: {  	v15 =	vmul.f32 $3.200000000e+01, v15;
	v4 =	vadd.f32 v4, v14  }
0x22f: {  	[tilespmem:s9+$0x18230] =	vst v6  }
0x230: {  	v6 =	vld [tilespmem:s10+$0x142B0];
	v5 =	vadd.f32 v15, v5;
	[tilespmem:s9+$0x18240] =	vst v4  }
0x231: {  	v12 =	vmul.f32 $3.200000000e+01, v12;
	v63 =	vld [tilespmem:s10+$0x142C0]  }
0x232: {  	s11 =	sshrl.u32 s4, $0x7;
	[tilespmem:s9+$0x18280] =	vst v5;
	v18 =	vmul.f32 $3.200000000e+01, v8;
	v8 =	vmul.f32 $3.200000000e+01, v19;
	v19 =	vld.idx.msk [tilespmem:v2+s4+$0x60 ss:$0x1], $0xffff  }
0x233: {  	s11 =	sor.u32 $0x1, s11;
	v5 =	vadd.f32 v12, v7;
	v4 =	vld.idx.msk [tilespmem:v3+s4+$0x0 ss:$0x1], $0xffff  }
0x234: {  	s5 =	sshll.u32 s11, $0x7;
	v20 =	vld [tilespmem:s10+$0x14300]  }
0x235: {  	[tilespmem:s9+$0x18290] =	vst v5;
	v7 =	vadd.f32 v18, v9;
	v18 =	vld.idx.msk [tilespmem:v2+s5+$0x20 ss:$0x1], $0xffff  }
0x236: {  	v6 =	vmul.f32 $3.200000000e+01, v6;
	v5 =	vld.idx.msk [tilespmem:v3+s4+$0x10 ss:$0x1], $0xffff  }
0x237: {  	v8 =	vadd.f32 v8, v53;
	v21 =	vld [tilespmem:s10+$0x14310];
	[tilespmem:s9+$0x182A0] =	vst v7  }
0x238: {  	v22 =	vadd.f32 v6, v11;
	v6 =	vld.idx.msk [tilespmem:v3+s4+$0x20 ss:$0x1], $0xffff  }
0x239: {  	[tilespmem:s9+$0x182D0] =	vst v8;
	v24 =	vld [tilespmem:s10+$0x14320]  }
0x23a: {  	s13 =	sshll.u32 s11, $0xA;
	v27 =	vld [tilespmem:s10+$0x14350]  }
0x23b: {  	s13 =	sand.u32 $0x3FFFFC00, s13;
	v23 =	vmul.f32 $3.200000000e+01, v63;
	v8 =	vld.idx.msk [tilespmem:v3+s4+$0x50 ss:$0x1], $0xffff  }
0x23c: {  	[tilespmem:s9+$0x182B0] =	vst v22;
	v22 =	vld [tilespmem:s13+$0x14100]  }
0x23d: {  	v11 =	vadd.f32 v23, v14;
	v23 =	vld [tilespmem:s13+$0x14110]  }
0x23e: {  	v26 =	vmul.f32 $3.200000000e+01, v20;
	v7 =	vld.idx.msk [tilespmem:v3+s4+$0x30 ss:$0x1], $0xffff  }
0x23f: {  	v25 =	vld [tilespmem:s10+$0x14330]  }
0x240: {  	[tilespmem:s9+$0x182C0] =	vst v11;
	v29 =	vadd.f32 v26, v4;
	v26 =	vld [tilespmem:s10+$0x14160]  }
0x241: {  	v11 =	vld [tilespmem:s10+$0x14340]  }
0x242: {  	v9 =	vld.idx.msk [tilespmem:v3+s4+$0x40 ss:$0x1], $0xffff  }
0x243: {  	v28 =	vmul.f32 $3.200000000e+01, v21;
	v12 =	vmul.f32 $3.200000000e+01, v27;
	v27 =	vld [tilespmem:s10+$0x14170]  }
0x244: {  	v13 =	vmul.f32 $3.200000000e+01, v24;
	v24 =	vld.idx.msk [tilespmem:v2+s5+$0x10 ss:$0x1], $0xffff  }
0x245: {  	v14 =	vadd.f32 v28, v5;
	v28 =	vld [tilespmem:s13+$0x14120]  }
0x246: {  	[tilespmem:s9+$0x19100] =	vst v29;
	v29 =	vld [tilespmem:s13+$0x14130]  }
0x247: {  	v15 =	vld [tilespmem:s10+$0x14380];
	v13 =	vadd.f32 v13, v6  }
0x248: {  	v10 =	vmul.f32 $3.200000000e+01, v25;
	[tilespmem:s9+$0x19110] =	vst v14;
	v30 =	vadd.f32 v12, v8;
	v25 =	vld.idx.msk [tilespmem:v2+s5+$0x0 ss:$0x1], $0xffff  }
0x249: {  	v14 =	vld [tilespmem:s10+$0x14390];
	[tilespmem:s9+$0x19120] =	vst v13  }
0x24a: {  	v26 =	vmul.f32 $3.200000000e+01, v26;
	v10 =	vadd.f32 v10, v7;
	[tilespmem:s9+$0x19150] =	vst v30;
	v30 =	vld [tilespmem:s13+$0x14140]  }
0x24b: {  	v11 =	vmul.f32 $3.200000000e+01, v11;
	v13 =	vld [tilespmem:s10+$0x143A0]  }
0x24c: {  	v33 =	vld [tilespmem:s10+$0x143D0];
	v26 =	vadd.f32 v26, v19;
	[tilespmem:s9+$0x19130] =	vst v10;
	v32 =	vmul.f32 $3.200000000e+01, v15  }
0x24d: {  	v22 =	vmul.f32 $3.200000000e+01, v22;
	v11 =	vadd.f32 v11, v9;
	v31 =	vld [tilespmem:s10+$0x143B0]  }
0x24e: {  	[tilespmem:s9+$0x18160] =	vst v26;
	v10 =	vadd.f32 v32, v4;
	v32 =	vld [tilespmem:s13+$0x14160]  }
0x24f: {  	s11 =	sshll.u32 s11, $0x9;
	v22 =	vadd.f32 v22, v25;
	[tilespmem:s9+$0x19140] =	vst v11;
	v47 =	vld [tilespmem:s10+$0x141E0]  }
0x250: {  	s11 =	sand.u32 $0x3FFFFE00, s11;
	v28 =	vmul.f32 $3.200000000e+01, v28;
	v11 =	vld [tilespmem:s10+$0x143C0]  }
0x251: {  	[tilespmem:s11+$0x18100] =	vst v22;
	v22 =	vld.idx.msk [tilespmem:v2+s5+$0x70 ss:$0x1], $0xffff  }
0x252: {  	v28 =	vadd.f32 v28, v18;
	[tilespmem:s9+$0x19180] =	vst v10;
	v10 =	vld.idx.msk [tilespmem:v2+s5+$0x30 ss:$0x1], $0xffff  }
0x253: {  	v35 =	vmul.f32 $3.200000000e+01, v33;
	v33 =	vld [tilespmem:s13+$0x14170]  }
0x254: {  	v14 =	vmul.f32 $3.200000000e+01, v14;
	[tilespmem:s11+$0x18120] =	vst v28;
	v38 =	vld [tilespmem:s13+$0x14180]  }
0x255: {  	v13 =	vmul.f32 $3.200000000e+01, v13;
	v40 =	vld [tilespmem:s13+$0x141A0]  }
0x256: {  	v16 =	vadd.f32 v14, v5;
	v14 =	vld [tilespmem:s10+$0x14400]  }
0x257: {  	v34 =	vadd.f32 v13, v6;
	v13 =	vld.idx.msk [tilespmem:v2+s4+$0x70 ss:$0x1], $0xffff  }
0x258: {  	v23 =	vmul.f32 $3.200000000e+01, v23;
	v12 =	vmul.f32 $3.200000000e+01, v31;
	[tilespmem:s9+$0x19190] =	vst v16;
	v31 =	vld [tilespmem:s13+$0x14150]  }
0x259: {  	v37 =	vadd.f32 v35, v8;
	v15 =	vld [tilespmem:s10+$0x14410]  }
0x25a: {  	[tilespmem:s9+$0x191A0] =	vst v34;
	v34 =	vadd.f32 v23, v24;
	v23 =	vld.idx.msk [tilespmem:v2+s5+$0x60 ss:$0x1], $0xffff  }
0x25b: {  	v11 =	vmul.f32 $3.200000000e+01, v11;
	[tilespmem:s9+$0x191D0] =	vst v37;
	v16 =	vld [tilespmem:s10+$0x14420]  }
0x25c: {  	v29 =	vmul.f32 $3.200000000e+01, v29;
	v12 =	vadd.f32 v12, v7;
	v20 =	vld [tilespmem:s10+$0x14450]  }
0x25d: {  	v36 =	vadd.f32 v11, v9;
	v11 =	vld.idx.msk [tilespmem:v2+s5+$0x40 ss:$0x1], $0xffff  }
0x25e: {  	v29 =	vadd.f32 v29, v10;
	v33 =	vmul.f32 $3.200000000e+01, v33;
	[tilespmem:s9+$0x191B0] =	vst v12;
	v12 =	vld.idx.msk [tilespmem:v2+s5+$0x50 ss:$0x1], $0xffff  }
0x25f: {  	v27 =	vmul.f32 $3.200000000e+01, v27;
	[tilespmem:s11+$0x18110] =	vst v34;
	v17 =	vld [tilespmem:s10+$0x14430]  }
0x260: {  	v34 =	vmul.f32 $3.200000000e+01, v38;
	v39 =	vld [tilespmem:s13+$0x14190];
	[tilespmem:s11+$0x18130] =	vst v29;
	v33 =	vadd.f32 v33, v22  }
0x261: {  	v32 =	vmul.f32 $3.200000000e+01, v32;
	v27 =	vadd.f32 v27, v13;
	[tilespmem:s9+$0x191C0] =	vst v36;
	v41 =	vld [tilespmem:s13+$0x141B0]  }
0x262: {  	v29 =	vmul.f32 $3.200000000e+01, v40;
	v45 =	vadd.f32 v34, v25;
	v21 =	vld [tilespmem:s10+$0x14440];
	[tilespmem:s11+$0x18170] =	vst v33  }
0x263: {  	v30 =	vmul.f32 $3.200000000e+01, v30;
	v32 =	vadd.f32 v32, v23;
	[tilespmem:s9+$0x18170] =	vst v27;
	v46 =	vld [tilespmem:s13+$0x141F0]  }
0x264: {  	v31 =	vmul.f32 $3.200000000e+01, v31;
	v29 =	vadd.f32 v29, v18;
	[tilespmem:s11+$0x18180] =	vst v45;
	v48 =	vld [tilespmem:s10+$0x141F0]  }
0x265: {  	v27 =	vmul.f32 $3.200000000e+01, v47;
	v30 =	vadd.f32 v30, v11;
	[tilespmem:s11+$0x18160] =	vst v32;
	v49 =	vld [tilespmem:s13+$0x14200]  }
0x266: {  	v20 =	vmul.f32 $3.200000000e+01, v20;
	v31 =	vadd.f32 v31, v12;
	[tilespmem:s11+$0x181A0] =	vst v29;
	v44 =	vld [tilespmem:s13+$0x141E0]  }
0x267: {  	v27 =	vadd.f32 v27, v19;
	v28 =	vmul.f32 $3.200000000e+01, v39;
	v51 =	vld [tilespmem:s13+$0x14220];
	[tilespmem:s11+$0x18140] =	vst v30  }
0x268: {  	v20 =	vadd.f32 v20, v8;
	[tilespmem:s11+$0x18150] =	vst v31;
	v30 =	vmul.f32 $3.200000000e+01, v41;
	v42 =	vld [tilespmem:s13+$0x141C0]  }
0x269: {  	[tilespmem:s9+$0x181E0] =	vst v27;
	v43 =	vld [tilespmem:s13+$0x141D0];
	v28 =	vadd.f32 v28, v24;
	v34 =	vmul.f32 $3.200000000e+01, v46  }
0x26a: {  	v59 =	vld [tilespmem:s10+$0x14260];
	[tilespmem:s9+$0x19250] =	vst v20;
	v30 =	vadd.f32 v30, v10;
	v26 =	vmul.f32 $3.200000000e+01, v48  }
0x26b: {  	v20 =	vld [tilespmem:s10+$0x144D0];
	[tilespmem:s11+$0x18190] =	vst v28;
	v28 =	vmul.f32 $3.200000000e+01, v49;
	v34 =	vadd.f32 v34, v22  }
0x26c: {  	v50 =	vld [tilespmem:s13+$0x14210];
	v33 =	vmul.f32 $3.200000000e+01, v44;
	[tilespmem:s11+$0x181B0] =	vst v30;
	v26 =	vadd.f32 v26, v13  }
0x26d: {  	v57 =	vmul.f32 $3.200000000e+01, v51;
	v52 =	vld [tilespmem:s13+$0x14230];
	v56 =	vadd.f32 v28, v25;
	[tilespmem:s11+$0x181F0] =	vst v34  }
0x26e: {  	v31 =	vmul.f32 $3.200000000e+01, v42;
	v33 =	vadd.f32 v33, v23;
	[tilespmem:s9+$0x181F0] =	vst v26;
	v58 =	vld [tilespmem:s13+$0x14270]  }
0x26f: {  	v32 =	vmul.f32 $3.200000000e+01, v43;
	v28 =	vadd.f32 v57, v18;
	[tilespmem:s11+$0x18200] =	vst v56;
	v60 =	vld [tilespmem:s10+$0x14270]  }
0x270: {  	v26 =	vmul.f32 $3.200000000e+01, v59;
	v31 =	vadd.f32 v31, v11;
	[tilespmem:s11+$0x181E0] =	vst v33;
	v61 =	vld [tilespmem:s13+$0x14280]  }
0x271: {  	v32 =	vadd.f32 v32, v12;
	[tilespmem:s11+$0x18220] =	vst v28;
	v29 =	vmul.f32 $3.200000000e+01, v50;
	v55 =	vld [tilespmem:s13+$0x14260]  }
0x272: {  	v26 =	vadd.f32 v26, v19;
	v63 =	vld [tilespmem:s13+$0x142A0];
	[tilespmem:s11+$0x181C0] =	vst v31;
	v31 =	vmul.f32 $3.200000000e+01, v52  }
0x273: {  	v21 =	vmul.f32 $3.200000000e+01, v21;
	[tilespmem:s11+$0x181D0] =	vst v32;
	v53 =	vld [tilespmem:s13+$0x14240];
	v29 =	vadd.f32 v29, v24  }
0x274: {  	[tilespmem:s9+$0x18260] =	vst v26;
	v54 =	vld [tilespmem:s13+$0x14250];
	v31 =	vadd.f32 v31, v10;
	v30 =	vmul.f32 $3.200000000e+01, v58  }
0x275: {  	v21 =	vadd.f32 v21, v9;
	v42 =	vld [tilespmem:s10+$0x142E0];
	v27 =	vmul.f32 $3.200000000e+01, v60;
	[tilespmem:s11+$0x18210] =	vst v29  }
0x276: {  	v29 =	vmul.f32 $3.200000000e+01, v61;
	v62 =	vld [tilespmem:s13+$0x14290];
	[tilespmem:s11+$0x18230] =	vst v31;
	v30 =	vadd.f32 v30, v22  }
0x277: {  	[tilespmem:s9+$0x19240] =	vst v21;
	v34 =	vmul.f32 $3.200000000e+01, v55;
	v27 =	vadd.f32 v27, v13;
	v36 =	vld [tilespmem:s13+$0x142B0]  }
0x278: {  	v52 =	vmul.f32 $3.200000000e+01, v14;
	v25 =	vadd.f32 v29, v25;
	v29 =	vld [tilespmem:s10+$0x144C0];
	[tilespmem:s11+$0x18270] =	vst v30  }
0x279: {  	v55 =	vmul.f32 $3.200000000e+01, v16;
	v34 =	vadd.f32 v34, v23;
	[tilespmem:s9+$0x18270] =	vst v27;
	v41 =	vld [tilespmem:s13+$0x142F0]  }
0x27a: {  	v32 =	vmul.f32 $3.200000000e+01, v53;
	v33 =	vmul.f32 $3.200000000e+01, v54;
	v54 =	vadd.f32 v52, v4;
	[tilespmem:s11+$0x18280] =	vst v25;
	v44 =	vld [tilespmem:s10+$0x142F0]  }
0x27b: {  	v58 =	vadd.f32 v55, v6;
	[tilespmem:s11+$0x18260] =	vst v34;
	v34 =	vld [tilespmem:s13+$0x14300]  }
0x27c: {  	v53 =	vmul.f32 $3.200000000e+01, v15;
	v32 =	vadd.f32 v32, v11;
	[tilespmem:s9+$0x19200] =	vst v54;
	v39 =	vld [tilespmem:s13+$0x142E0]  }
0x27d: {  	v57 =	vmul.f32 $3.200000000e+01, v17;
	v33 =	vadd.f32 v33, v12;
	[tilespmem:s9+$0x19220] =	vst v58;
	v59 =	vld [tilespmem:s10+$0x14480]  }
0x27e: {  	v40 =	vmul.f32 $3.200000000e+01, v63;
	v56 =	vadd.f32 v53, v5;
	v63 =	vld [tilespmem:s10+$0x144A0];
	[tilespmem:s11+$0x18240] =	vst v32  }
0x27f: {  	v60 =	vadd.f32 v57, v7;
	v28 =	vmul.f32 $3.200000000e+01, v62;
	v62 =	vmul.f32 $3.200000000e+01, v42;
	[tilespmem:s11+$0x18250] =	vst v33;
	v37 =	vld [tilespmem:s13+$0x142C0]  }
0x280: {  	[tilespmem:s9+$0x19210] =	vst v56;
	v38 =	vld [tilespmem:s13+$0x142D0]  }
0x281: {  	[tilespmem:s9+$0x19230] =	vst v60;
	v43 =	vmul.f32 $3.200000000e+01, v36;
	v61 =	vld [tilespmem:s10+$0x14490];
	v19 =	vadd.f32 v62, v19  }
0x282: {  	v24 =	vadd.f32 v28, v24;
	v28 =	vld [tilespmem:s10+$0x144B0];
	v25 =	vmul.f32 $3.200000000e+01, v44  }
0x283: {  	v46 =	vadd.f32 v43, v10;
	v10 =	vld.idx.msk [tilespmem:v3+s5+$0x0 ss:$0x1], $0xffff;
	[tilespmem:s9+$0x182E0] =	vst v19  }
0x284: {  	v30 =	vadd.f32 v25, v13;
	v13 =	vld.idx.msk [tilespmem:v3+s4+$0x60 ss:$0x1], $0xffff  }
0x285: {  	v51 =	vmul.f32 $3.200000000e+01, v41;
	[tilespmem:s11+$0x18290] =	vst v24;
	v31 =	vld [tilespmem:s10+$0x14360]  }
0x286: {  	v18 =	vadd.f32 v40, v18;
	[tilespmem:s11+$0x182B0] =	vst v46;
	v36 =	vld [tilespmem:s13+$0x14310]  }
0x287: {  	v49 =	vmul.f32 $3.200000000e+01, v39;
	v22 =	vadd.f32 v51, v22;
	v14 =	vld.idx.msk [tilespmem:v3+s5+$0x30 ss:$0x1], $0xffff  }
0x288: {  	[tilespmem:s11+$0x182A0] =	vst v18;
	v40 =	vld [tilespmem:s13+$0x14330]  }
0x289: {  	v45 =	vmul.f32 $3.200000000e+01, v37;
	v47 =	vmul.f32 $3.200000000e+01, v38;
	v23 =	vadd.f32 v49, v23;
	[tilespmem:s11+$0x182F0] =	vst v22;
	v38 =	vld [tilespmem:s13+$0x14320]  }
0x28a: {  	[tilespmem:s9+$0x182F0] =	vst v30;
	v18 =	vld.idx.msk [tilespmem:v3+s5+$0x70 ss:$0x1], $0xffff  }
0x28b: {  	v19 =	vld.idx.msk [tilespmem:v3+s4+$0x70 ss:$0x1], $0xffff;
	v48 =	vadd.f32 v45, v11;
	[tilespmem:s11+$0x182E0] =	vst v23;
	v23 =	vmul.f32 $3.200000000e+01, v59  }
0x28c: {  	v22 =	vmul.f32 $3.200000000e+01, v61;
	v33 =	vld [tilespmem:s10+$0x14370];
	v50 =	vadd.f32 v47, v12  }
0x28d: {  	v32 =	vmul.f32 $3.200000000e+01, v63;
	v11 =	vld.idx.msk [tilespmem:v3+s5+$0x10 ss:$0x1], $0xffff;
	[tilespmem:s11+$0x182C0] =	vst v48;
	v4 =	vadd.f32 v23, v4  }
0x28e: {  	v21 =	vmul.f32 $3.200000000e+01, v28;
	v12 =	vld.idx.msk [tilespmem:v3+s5+$0x20 ss:$0x1], $0xffff;
	v5 =	vadd.f32 v22, v5;
	[tilespmem:s11+$0x182D0] =	vst v50  }
0x28f: {  	v35 =	vmul.f32 $3.200000000e+01, v29;
	v17 =	vld.idx.msk [tilespmem:v3+s5+$0x60 ss:$0x1], $0xffff;
	[tilespmem:s9+$0x19280] =	vst v4;
	v4 =	vadd.f32 v32, v6  }
0x290: {  	v37 =	vmul.f32 $3.200000000e+01, v20;
	v46 =	vld [tilespmem:s13+$0x14360];
	[tilespmem:s9+$0x19290] =	vst v5;
	v5 =	vadd.f32 v21, v7  }
0x291: {  	v39 =	vmul.f32 $3.200000000e+01, v31;
	v48 =	vld [tilespmem:s13+$0x14370];
	[tilespmem:s9+$0x192A0] =	vst v4;
	v4 =	vadd.f32 v35, v9  }
0x292: {  	v42 =	vld [tilespmem:s13+$0x14340];
	[tilespmem:s9+$0x192B0] =	vst v5;
	v5 =	vadd.f32 v37, v8;
	v41 =	vmul.f32 $3.200000000e+01, v33  }
0x293: {  	v43 =	vmul.f32 $3.200000000e+01, v34;
	v44 =	vld [tilespmem:s13+$0x14350];
	[tilespmem:s9+$0x192C0] =	vst v4;
	v4 =	vadd.f32 v39, v13  }
0x294: {  	v45 =	vmul.f32 $3.200000000e+01, v36;
	v15 =	vld.idx.msk [tilespmem:v3+s5+$0x40 ss:$0x1], $0xffff;
	[tilespmem:s9+$0x192D0] =	vst v5;
	v5 =	vadd.f32 v41, v19  }
0x295: {  	v16 =	vld.idx.msk [tilespmem:v3+s5+$0x50 ss:$0x1], $0xffff;
	v47 =	vmul.f32 $3.200000000e+01, v38;
	[tilespmem:s9+$0x19160] =	vst v4;
	v4 =	vadd.f32 v43, v10  }
0x296: {  	v50 =	vmul.f32 $3.200000000e+01, v40;
	[tilespmem:s9+$0x19170] =	vst v5;
	v5 =	vadd.f32 v45, v11;
	v49 =	vld [tilespmem:s10+$0x143E0]  }
0x297: {  	v52 =	vmul.f32 $3.200000000e+01, v42;
	v51 =	vld [tilespmem:s10+$0x143F0];
	[tilespmem:s11+$0x19100] =	vst v4;
	v4 =	vadd.f32 v47, v12  }
0x298: {  	v54 =	vmul.f32 $3.200000000e+01, v44;
	[tilespmem:s11+$0x19110] =	vst v5;
	v5 =	vadd.f32 v50, v14;
	v53 =	vld [tilespmem:s13+$0x14380]  }
0x299: {  	v56 =	vmul.f32 $3.200000000e+01, v46;
	v55 =	vld [tilespmem:s13+$0x14390];
	[tilespmem:s11+$0x19120] =	vst v4;
	v4 =	vadd.f32 v52, v15  }
0x29a: {  	v58 =	vmul.f32 $3.200000000e+01, v48;
	[tilespmem:s11+$0x19130] =	vst v5;
	v5 =	vadd.f32 v54, v16;
	v57 =	vld [tilespmem:s13+$0x143A0]  }
0x29b: {  	v60 =	vld [tilespmem:s13+$0x143B0];
	v59 =	vmul.f32 $3.200000000e+01, v49;
	[tilespmem:s11+$0x19140] =	vst v4;
	v4 =	vadd.f32 v56, v17  }
0x29c: {  	v61 =	vmul.f32 $3.200000000e+01, v51;
	[tilespmem:s11+$0x19150] =	vst v5;
	v5 =	vadd.f32 v58, v18;
	v62 =	vld [tilespmem:s13+$0x143C0]  }
0x29d: {  	v24 =	vld [tilespmem:s13+$0x143D0];
	v63 =	vadd.f32 v59, v13;
	v8 =	vmul.f32 $3.200000000e+01, v53;
	[tilespmem:s11+$0x19160] =	vst v4  }
0x29e: {  	v25 =	vmul.f32 $3.200000000e+01, v55;
	[tilespmem:s11+$0x19170] =	vst v5;
	v4 =	vadd.f32 v61, v19;
	v26 =	vld [tilespmem:s13+$0x143E0]  }
0x29f: {  	v28 =	vld [tilespmem:s13+$0x143F0];
	[tilespmem:s9+$0x191E0] =	vst v63;
	v5 =	vadd.f32 v8, v10;
	v27 =	vmul.f32 $3.200000000e+01, v57  }
0x2a0: {  	v30 =	vmul.f32 $3.200000000e+01, v60;
	[tilespmem:s9+$0x191F0] =	vst v4;
	v4 =	vadd.f32 v25, v11;
	v29 =	vld [tilespmem:s10+$0x14460]  }
0x2a1: {  	v31 =	vld [tilespmem:s10+$0x14470];
	[tilespmem:s11+$0x19180] =	vst v5;
	v5 =	vadd.f32 v27, v12;
	v32 =	vmul.f32 $3.200000000e+01, v62  }
0x2a2: {  	v34 =	vmul.f32 $3.200000000e+01, v24;
	[tilespmem:s11+$0x19190] =	vst v4;
	v4 =	vadd.f32 v30, v14;
	v33 =	vld [tilespmem:s13+$0x14400]  }
0x2a3: {  	v35 =	vld [tilespmem:s13+$0x14410];
	[tilespmem:s11+$0x191A0] =	vst v5;
	v5 =	vadd.f32 v32, v15;
	v36 =	vmul.f32 $3.200000000e+01, v26  }
0x2a4: {  	v38 =	vmul.f32 $3.200000000e+01, v28;
	[tilespmem:s11+$0x191B0] =	vst v4;
	v4 =	vadd.f32 v34, v16;
	v37 =	vld [tilespmem:s13+$0x14420]  }
0x2a5: {  	v40 =	vld [tilespmem:s13+$0x14430];
	v39 =	vmul.f32 $3.200000000e+01, v29;
	[tilespmem:s11+$0x191C0] =	vst v5;
	v5 =	vadd.f32 v36, v17  }
0x2a6: {  	v41 =	vmul.f32 $3.200000000e+01, v31;
	[tilespmem:s11+$0x191D0] =	vst v4;
	v4 =	vadd.f32 v38, v18;
	v42 =	vld [tilespmem:s13+$0x14440]  }
0x2a7: {  	v45 =	vld [tilespmem:s13+$0x14450];
	v43 =	vadd.f32 v39, v13;
	v44 =	vmul.f32 $3.200000000e+01, v33;
	[tilespmem:s11+$0x191E0] =	vst v5  }
0x2a8: {  	v5 =	vadd.f32 v41, v19;
	v46 =	vmul.f32 $3.200000000e+01, v35;
	[tilespmem:s11+$0x191F0] =	vst v4;
	v47 =	vld [tilespmem:s13+$0x14460]  }
0x2a9: {  	v49 =	vld [tilespmem:s13+$0x14470];
	[tilespmem:s9+$0x19260] =	vst v43;
	v4 =	vadd.f32 v44, v10;
	v48 =	vmul.f32 $3.200000000e+01, v37  }
0x2aa: {  	[tilespmem:s9+$0x19270] =	vst v5;
	v5 =	vadd.f32 v46, v11;
	v51 =	vmul.f32 $3.200000000e+01, v40;
	v50 =	vld [tilespmem:s10+$0x144E0]  }
0x2ab: {  	v52 =	vld [tilespmem:s10+$0x144F0];
	[tilespmem:s11+$0x19200] =	vst v4;
	v4 =	vadd.f32 v48, v12;
	v53 =	vmul.f32 $3.200000000e+01, v42  }
0x2ac: {  	[tilespmem:s11+$0x19210] =	vst v5;
	v7 =	vadd.f32 v51, v14;
	v9 =	vmul.f32 $3.200000000e+01, v45;
	v5 =	vld [tilespmem:s13+$0x14480]  }
0x2ad: {  	[tilespmem:s11+$0x19220] =	vst v4;
	v4 =	vld [tilespmem:s13+$0x14490];
	v6 =	vadd.f32 v53, v15;
	v20 =	vmul.f32 $3.200000000e+01, v47  }
0x2ae: {  	[tilespmem:s11+$0x19230] =	vst v7;
	v9 =	vadd.f32 v9, v16;
	v8 =	vmul.f32 $3.200000000e+01, v49;
	v54 =	vld [tilespmem:s13+$0x144A0]  }
0x2af: {  	v55 =	vld [tilespmem:s13+$0x144B0];
	v21 =	vmul.f32 $3.200000000e+01, v50;
	[tilespmem:s11+$0x19240] =	vst v6;
	v20 =	vadd.f32 v20, v17  }
0x2b0: {  	v22 =	vmul.f32 $3.200000000e+01, v52;
	[tilespmem:s11+$0x19250] =	vst v9;
	v8 =	vadd.f32 v8, v18;
	v56 =	vld [tilespmem:s13+$0x144C0]  }
0x2b1: {  	v57 =	vld [tilespmem:s13+$0x144D0];
	v13 =	vadd.f32 v21, v13;
	v5 =	vmul.f32 $3.200000000e+01, v5;
	[tilespmem:s11+$0x19260] =	vst v20  }
0x2b2: {  	v19 =	vadd.f32 v22, v19;
	[tilespmem:s11+$0x19270] =	vst v8;
	v4 =	vmul.f32 $3.200000000e+01, v4;
	v58 =	vld [tilespmem:s13+$0x144E0]  }
0x2b3: {  	v59 =	vld [tilespmem:s13+$0x144F0];
	[tilespmem:s9+$0x192E0] =	vst v13;
	v5 =	vadd.f32 v5, v10;
	v7 =	vmul.f32 $3.200000000e+01, v54  }
0x2b4: {  	[tilespmem:s9+$0x192F0] =	vst v19;
	v6 =	vmul.f32 $3.200000000e+01, v55;
	v4 =	vadd.f32 v4, v11  }
0x2b5: {  	[tilespmem:s11+$0x19280] =	vst v5;
	v5 =	vadd.f32 v7, v12;
	v60 =	vmul.f32 $3.200000000e+01, v56  }
0x2b6: {  	v61 =	vmul.f32 $3.200000000e+01, v57;
	[tilespmem:s11+$0x19290] =	vst v4;
	v4 =	vadd.f32 v6, v14  }
0x2b7: {  	p1 =	slt.u32 s4, $0x300;
	[tilespmem:s11+$0x192A0] =	vst v5;
	v5 =	vadd.f32 v60, v15;
	v62 =	vmul.f32 $3.200000000e+01, v58  }
.Ltmp4:
0x2b8: {  	v63 =	vmul.f32 $3.200000000e+01, v59;
	[tilespmem:s11+$0x192B0] =	vst v4;
	v4 =	vadd.f32 v61, v16;
	(pc) =	sbr.rel @p1 .LBB2_7-.Ltmp4, $4  }
0x2b9: {  	[tilespmem:s11+$0x192C0] =	vst v5;
	v5 =	vadd.f32 v62, v17  }
0x2ba: {  	[tilespmem:s11+$0x192D0] =	vst v4;
	v4 =	vadd.f32 v63, v18  }
0x2bb: {  	s13 =	sadd.s32 $0x100, s4;
	[tilespmem:s11+$0x192E0] =	vst v5  }
0x2bc: {  	s4 =	smov.u32 s13;
	[tilespmem:s11+$0x192F0] =	vst v4  }
0x2bd: {  	s4 =	sshll.u32 s16, $0xA  }
0x2be: {  	s4 =	sadd.s32 s4, s12  }
0x2bf: {  	[hbm4b:s4+s3] =	stream.linear.scatter [tilespmem:s19], [sflag:$0x5], $0x2000, $0x38;
	[tilespmem:$0x1C100] =	vst v63  }
0x2c0: {  	v2 =	vld.msk @!p0 [tilespmem:s15+$0x30], $0xff;
	_ =	sdelay $0x4  }
0x2c1: {  	v3 =	vshll.u32 @!p0 v2, $0x3  }
0x2c2: {  	v4 =	vlaneseq.u32 @!p0;
	v2 =	vand.u32 @!p0 $0x7, v2;
	v3 =	vand.u32 @!p0 $0xFFFFFFC0, v3  }
0x2c3: {  	v2 =	vor.u32 @!p0 v2, v3;
	v3 =	vand.u32 @!p0 $0x7, v4;
	v4 =	vshrl.u32 @!p0 v4, $0x3  }
0x2c4: {  	v2 =	vperm.xlane @!p0 v2, v3;
	v3 =	vmul.u32 @!p0 $0x8, v4;
	_ =	sdelay $0x1  }
0x2c5: {  	v2 =	vadd.s32 @!p0 v3, v2;
	_ =	sdelay $0x3  }
0x2c6: {  	s5 =	simm.s32 @!p0 $0x14100;
	s4 =	simm.s32 @!p0 $0x0  }
0x2c7: {  	[tilespmem:s5], [sflag:$0x3] =	stream.indirect_vreg.gather @!p0 [hbm4b:s2+s4], $0x80, v2, vm1, $0xb8;
	[tilespmem:$0x1C100] =	vst v63  }
0x2c8: {  	s5 =	simm.s32 @!p0 $0x14900  }
0x2c9: {  	[tilespmem:s5], [sflag:$0x3] =	stream.indirect_vreg.gather @!p0 [hbm4b:s6+s4], $0x80, v2, vm1, $0xb8;
	[tilespmem:$0x1C100] =	vst v63  }
0x2ca: {  	s1 =	sor.u32 $0x3, s1;
	s5 =	simm.s32 @!p0 $0x15100  }
0x2cb: {  	[tilespmem:s5], [sflag:$0x3] =	stream.indirect_vreg.gather @!p0 [hbm4b:s7+s4], $0x80, v2, vm1, $0xb8;
	[tilespmem:$0x1C100] =	vst v63  }
0x2cc: {  	s15 =	sshll.u32 s1, $0xD;
	s5 =	simm.s32 @!p0 $0x15900  }
0x2cd: {  	[tilespmem:s5], [sflag:$0x3] =	stream.indirect_vreg.gather @!p0 [hbm4b:s8+s4], $0x80, v2, vm1, $0xb8;
	[tilespmem:$0x1C100] =	vst v63  }
0x2ce: {  	s4 =	sshra.s32 s15, $0x2  }
0x2cf: {  	_ =	swait.ge [sflag:s24], $0x2000;
	s16 =	sor.u32 $0x100, s4  }
0x2d0: {  	[sflag:s24] =	ssyncset.done $0x0;
	v2 =	vmov s16  }
0x2d1: {  	[sflag:s24] =	ssyncadd.s32 $0xFFFFE000  }
0x2d2: {  	_ =	swait.ge [sflag:s25], $0x2000  }
0x2d3: {  	s9 =	sor.u32 $0x500, s4;
	[sflag:s25] =	ssyncset.done $0x0  }
0x2d4: {  	s4 =	simm.s32 $0x0;
	v3 =	vmov s9;
	[sflag:s25] =	ssyncadd.s32 $0xFFFFE000  }
.LBB2_9:
0x2d5: {  	s5 =	sshll.u32 s4, $0x3;
	v5 =	vld.idx.msk [tilespmem:v2+s4+$0x0 ss:$0x1], $0xffff  }
0x2d6: {  	v7 =	vld.idx.msk [tilespmem:v2+s4+$0x10 ss:$0x1], $0xffff;
	s10 =	sand.u32 $0x3FFFFFF8, s5  }
0x2d7: {  	v4 =	vld [tilespmem:s10+$0x16100]  }
0x2d8: {  	v13 =	vld [tilespmem:s10+$0x16150]  }
0x2d9: {  	v6 =	vld [tilespmem:s10+$0x16110]  }
0x2da: {  	v53 =	vld.idx.msk [tilespmem:v2+s4+$0x50 ss:$0x1], $0xffff  }
0x2db: {  	v8 =	vld [tilespmem:s10+$0x16120]  }
0x2dc: {  	v9 =	vld.idx.msk [tilespmem:v2+s4+$0x20 ss:$0x1], $0xffff;
	v4 =	vmul.f32 $3.200000000e+01, v4  }
0x2dd: {  	v10 =	vld [tilespmem:s10+$0x16130];
	v13 =	vmul.f32 $3.200000000e+01, v13  }
0x2de: {  	s13 =	sshll.u32 s4, $0x2;
	v11 =	vld.idx.msk [tilespmem:v2+s4+$0x30 ss:$0x1], $0xffff;
	v6 =	vmul.f32 $3.200000000e+01, v6;
	v4 =	vadd.f32 v4, v5  }
0x2df: {  	s9 =	sand.u32 $0x3FFFFFFC, s13;
	v12 =	vld [tilespmem:s10+$0x16140];
	v13 =	vadd.f32 v13, v53  }
0x2e0: {  	v14 =	vld.idx.msk [tilespmem:v2+s4+$0x40 ss:$0x1], $0xffff;
	v8 =	vmul.f32 $3.200000000e+01, v8;
	v6 =	vadd.f32 v6, v7;
	[tilespmem:s9+$0x1A100] =	vst v4  }
0x2e1: {  	[tilespmem:s9+$0x1A150] =	vst v13;
	v4 =	vld [tilespmem:s10+$0x16180]  }
0x2e2: {  	v52 =	vmul.f32 $3.200000000e+01, v10;
	v51 =	vadd.f32 v8, v9;
	[tilespmem:s9+$0x1A110] =	vst v6;
	v13 =	vld [tilespmem:s10+$0x161D0]  }
0x2e3: {  	v15 =	vld [tilespmem:s10+$0x16190]  }
0x2e4: {  	v55 =	vmul.f32 $3.200000000e+01, v12;
	v54 =	vadd.f32 v52, v11;
	[tilespmem:s9+$0x1A120] =	vst v51  }
0x2e5: {  	v56 =	vld [tilespmem:s10+$0x161A0]  }
0x2e6: {  	v57 =	vadd.f32 v55, v14;
	[tilespmem:s9+$0x1A130] =	vst v54;
	v4 =	vmul.f32 $3.200000000e+01, v4  }
0x2e7: {  	v58 =	vld [tilespmem:s10+$0x161B0];
	v13 =	vmul.f32 $3.200000000e+01, v13  }
0x2e8: {  	[tilespmem:s9+$0x1A140] =	vst v57;
	v15 =	vmul.f32 $3.200000000e+01, v15;
	v4 =	vadd.f32 v4, v5  }
0x2e9: {  	v6 =	vld [tilespmem:s10+$0x161C0];
	v13 =	vadd.f32 v13, v53  }
0x2ea: {  	v12 =	vmul.f32 $3.200000000e+01, v56;
	[tilespmem:s9+$0x1A180] =	vst v4;
	v4 =	vadd.f32 v15, v7  }
0x2eb: {  	[tilespmem:s9+$0x1A1D0] =	vst v13;
	v59 =	vld [tilespmem:s10+$0x16200]  }
0x2ec: {  	v8 =	vmul.f32 $3.200000000e+01, v58;
	[tilespmem:s9+$0x1A190] =	vst v4;
	v4 =	vadd.f32 v12, v9  }
0x2ed: {  	v13 =	vld [tilespmem:s10+$0x16250]  }
0x2ee: {  	v6 =	vmul.f32 $3.200000000e+01, v6;
	v60 =	vld [tilespmem:s10+$0x16210];
	[tilespmem:s9+$0x1A1A0] =	vst v4;
	v4 =	vadd.f32 v8, v11  }
0x2ef: {  	v61 =	vld [tilespmem:s10+$0x16220]  }
0x2f0: {  	v15 =	vmul.f32 $3.200000000e+01, v59;
	[tilespmem:s9+$0x1A1B0] =	vst v4;
	v4 =	vadd.f32 v6, v14;
	_ =	sdelay $0x1  }
0x2f1: {  	v13 =	vmul.f32 $3.200000000e+01, v13;
	v62 =	vld [tilespmem:s10+$0x16230];
	v15 =	vadd.f32 v15, v5;
	[tilespmem:s9+$0x1A1C0] =	vst v4  }
0x2f2: {  	v12 =	vmul.f32 $3.200000000e+01, v60;
	v4 =	vld [tilespmem:s10+$0x16240]  }
0x2f3: {  	v13 =	vadd.f32 v13, v53;
	[tilespmem:s9+$0x1A200] =	vst v15;
	v8 =	vmul.f32 $3.200000000e+01, v61  }
0x2f4: {  	v12 =	vadd.f32 v12, v7;
	v15 =	vld [tilespmem:s10+$0x16280]  }
0x2f5: {  	[tilespmem:s9+$0x1A250] =	vst v13;
	v8 =	vadd.f32 v8, v9  }
0x2f6: {  	v19 =	vld [tilespmem:s10+$0x162D0];
	[tilespmem:s9+$0x1A210] =	vst v12;
	v6 =	vmul.f32 $3.200000000e+01, v62  }
0x2f7: {  	v12 =	vld [tilespmem:s10+$0x16290];
	[tilespmem:s9+$0x1A220] =	vst v8;
	v4 =	vmul.f32 $3.200000000e+01, v4  }
0x2f8: {  	v6 =	vadd.f32 v6, v11;
	v8 =	vld [tilespmem:s10+$0x162A0]  }
0x2f9: {  	v15 =	vmul.f32 $3.200000000e+01, v15;
	v4 =	vadd.f32 v4, v14  }
0x2fa: {  	[tilespmem:s9+$0x1A230] =	vst v6  }
0x2fb: {  	v6 =	vld [tilespmem:s10+$0x162B0];
	v5 =	vadd.f32 v15, v5;
	[tilespmem:s9+$0x1A240] =	vst v4  }
0x2fc: {  	v12 =	vmul.f32 $3.200000000e+01, v12;
	v63 =	vld [tilespmem:s10+$0x162C0]  }
0x2fd: {  	s15 =	sshrl.u32 s4, $0x7;
	[tilespmem:s9+$0x1A280] =	vst v5;
	v18 =	vmul.f32 $3.200000000e+01, v8;
	v8 =	vmul.f32 $3.200000000e+01, v19;
	v19 =	vld.idx.msk [tilespmem:v2+s4+$0x60 ss:$0x1], $0xffff  }
0x2fe: {  	s11 =	sor.u32 $0x1, s15;
	v5 =	vadd.f32 v12, v7;
	v4 =	vld.idx.msk [tilespmem:v3+s4+$0x0 ss:$0x1], $0xffff  }
0x2ff: {  	s5 =	sshll.u32 s11, $0x7;
	v20 =	vld [tilespmem:s10+$0x16300]  }
0x300: {  	[tilespmem:s9+$0x1A290] =	vst v5;
	v7 =	vadd.f32 v18, v9;
	v18 =	vld.idx.msk [tilespmem:v2+s5+$0x20 ss:$0x1], $0xffff  }
0x301: {  	v6 =	vmul.f32 $3.200000000e+01, v6;
	v5 =	vld.idx.msk [tilespmem:v3+s4+$0x10 ss:$0x1], $0xffff  }
0x302: {  	v8 =	vadd.f32 v8, v53;
	v21 =	vld [tilespmem:s10+$0x16310];
	[tilespmem:s9+$0x1A2A0] =	vst v7  }
0x303: {  	v22 =	vadd.f32 v6, v11;
	v6 =	vld.idx.msk [tilespmem:v3+s4+$0x20 ss:$0x1], $0xffff  }
0x304: {  	[tilespmem:s9+$0x1A2D0] =	vst v8;
	v24 =	vld [tilespmem:s10+$0x16320]  }
0x305: {  	s13 =	sshll.u32 s11, $0xA;
	v27 =	vld [tilespmem:s10+$0x16350]  }
0x306: {  	s13 =	sand.u32 $0x3FFFFC00, s13;
	v23 =	vmul.f32 $3.200000000e+01, v63;
	v8 =	vld.idx.msk [tilespmem:v3+s4+$0x50 ss:$0x1], $0xffff  }
0x307: {  	[tilespmem:s9+$0x1A2B0] =	vst v22;
	v22 =	vld [tilespmem:s13+$0x16100]  }
0x308: {  	v11 =	vadd.f32 v23, v14;
	v23 =	vld [tilespmem:s13+$0x16110]  }
0x309: {  	v26 =	vmul.f32 $3.200000000e+01, v20;
	v7 =	vld.idx.msk [tilespmem:v3+s4+$0x30 ss:$0x1], $0xffff  }
0x30a: {  	v25 =	vld [tilespmem:s10+$0x16330]  }
0x30b: {  	[tilespmem:s9+$0x1A2C0] =	vst v11;
	v29 =	vadd.f32 v26, v4;
	v26 =	vld [tilespmem:s10+$0x16160]  }
0x30c: {  	v11 =	vld [tilespmem:s10+$0x16340]  }
0x30d: {  	v9 =	vld.idx.msk [tilespmem:v3+s4+$0x40 ss:$0x1], $0xffff  }
0x30e: {  	v28 =	vmul.f32 $3.200000000e+01, v21;
	v12 =	vmul.f32 $3.200000000e+01, v27;
	v27 =	vld [tilespmem:s10+$0x16170]  }
0x30f: {  	v13 =	vmul.f32 $3.200000000e+01, v24;
	v24 =	vld.idx.msk [tilespmem:v2+s5+$0x10 ss:$0x1], $0xffff  }
0x310: {  	v14 =	vadd.f32 v28, v5;
	v28 =	vld [tilespmem:s13+$0x16120]  }
0x311: {  	[tilespmem:s9+$0x1B100] =	vst v29;
	v29 =	vld [tilespmem:s13+$0x16130]  }
0x312: {  	v15 =	vld [tilespmem:s10+$0x16380];
	v13 =	vadd.f32 v13, v6  }
0x313: {  	v10 =	vmul.f32 $3.200000000e+01, v25;
	[tilespmem:s9+$0x1B110] =	vst v14;
	v30 =	vadd.f32 v12, v8;
	v25 =	vld.idx.msk [tilespmem:v2+s5+$0x0 ss:$0x1], $0xffff  }
0x314: {  	v14 =	vld [tilespmem:s10+$0x16390];
	[tilespmem:s9+$0x1B120] =	vst v13  }
0x315: {  	v26 =	vmul.f32 $3.200000000e+01, v26;
	v10 =	vadd.f32 v10, v7;
	[tilespmem:s9+$0x1B150] =	vst v30;
	v30 =	vld [tilespmem:s13+$0x16140]  }
0x316: {  	v11 =	vmul.f32 $3.200000000e+01, v11;
	v13 =	vld [tilespmem:s10+$0x163A0]  }
0x317: {  	v33 =	vld [tilespmem:s10+$0x163D0];
	v26 =	vadd.f32 v26, v19;
	[tilespmem:s9+$0x1B130] =	vst v10;
	v32 =	vmul.f32 $3.200000000e+01, v15  }
0x318: {  	v22 =	vmul.f32 $3.200000000e+01, v22;
	v11 =	vadd.f32 v11, v9;
	v31 =	vld [tilespmem:s10+$0x163B0]  }
0x319: {  	[tilespmem:s9+$0x1A160] =	vst v26;
	v10 =	vadd.f32 v32, v4;
	v32 =	vld [tilespmem:s13+$0x16160]  }
0x31a: {  	s11 =	sshll.u32 s11, $0x9;
	v22 =	vadd.f32 v22, v25;
	[tilespmem:s9+$0x1B140] =	vst v11;
	v47 =	vld [tilespmem:s10+$0x161E0]  }
0x31b: {  	s11 =	sand.u32 $0x3FFFFE00, s11;
	v28 =	vmul.f32 $3.200000000e+01, v28;
	v11 =	vld [tilespmem:s10+$0x163C0]  }
0x31c: {  	[tilespmem:s11+$0x1A100] =	vst v22;
	v22 =	vld.idx.msk [tilespmem:v2+s5+$0x70 ss:$0x1], $0xffff  }
0x31d: {  	v28 =	vadd.f32 v28, v18;
	[tilespmem:s9+$0x1B180] =	vst v10;
	v10 =	vld.idx.msk [tilespmem:v2+s5+$0x30 ss:$0x1], $0xffff  }
0x31e: {  	v35 =	vmul.f32 $3.200000000e+01, v33;
	v33 =	vld [tilespmem:s13+$0x16170]  }
0x31f: {  	v14 =	vmul.f32 $3.200000000e+01, v14;
	[tilespmem:s11+$0x1A120] =	vst v28;
	v38 =	vld [tilespmem:s13+$0x16180]  }
0x320: {  	v13 =	vmul.f32 $3.200000000e+01, v13;
	v40 =	vld [tilespmem:s13+$0x161A0]  }
0x321: {  	v16 =	vadd.f32 v14, v5;
	v14 =	vld [tilespmem:s10+$0x16400]  }
0x322: {  	v34 =	vadd.f32 v13, v6;
	v13 =	vld.idx.msk [tilespmem:v2+s4+$0x70 ss:$0x1], $0xffff  }
0x323: {  	v23 =	vmul.f32 $3.200000000e+01, v23;
	v12 =	vmul.f32 $3.200000000e+01, v31;
	[tilespmem:s9+$0x1B190] =	vst v16;
	v31 =	vld [tilespmem:s13+$0x16150]  }
0x324: {  	v37 =	vadd.f32 v35, v8;
	v15 =	vld [tilespmem:s10+$0x16410]  }
0x325: {  	[tilespmem:s9+$0x1B1A0] =	vst v34;
	v34 =	vadd.f32 v23, v24;
	v23 =	vld.idx.msk [tilespmem:v2+s5+$0x60 ss:$0x1], $0xffff  }
0x326: {  	v11 =	vmul.f32 $3.200000000e+01, v11;
	[tilespmem:s9+$0x1B1D0] =	vst v37;
	v16 =	vld [tilespmem:s10+$0x16420]  }
0x327: {  	v29 =	vmul.f32 $3.200000000e+01, v29;
	v12 =	vadd.f32 v12, v7;
	v20 =	vld [tilespmem:s10+$0x16450]  }
0x328: {  	v36 =	vadd.f32 v11, v9;
	v11 =	vld.idx.msk [tilespmem:v2+s5+$0x40 ss:$0x1], $0xffff  }
0x329: {  	v29 =	vadd.f32 v29, v10;
	v33 =	vmul.f32 $3.200000000e+01, v33;
	[tilespmem:s9+$0x1B1B0] =	vst v12;
	v12 =	vld.idx.msk [tilespmem:v2+s5+$0x50 ss:$0x1], $0xffff  }
0x32a: {  	v27 =	vmul.f32 $3.200000000e+01, v27;
	[tilespmem:s11+$0x1A110] =	vst v34;
	v17 =	vld [tilespmem:s10+$0x16430]  }
0x32b: {  	v34 =	vmul.f32 $3.200000000e+01, v38;
	v39 =	vld [tilespmem:s13+$0x16190];
	[tilespmem:s11+$0x1A130] =	vst v29;
	v33 =	vadd.f32 v33, v22  }
0x32c: {  	v32 =	vmul.f32 $3.200000000e+01, v32;
	v27 =	vadd.f32 v27, v13;
	[tilespmem:s9+$0x1B1C0] =	vst v36;
	v41 =	vld [tilespmem:s13+$0x161B0]  }
0x32d: {  	v29 =	vmul.f32 $3.200000000e+01, v40;
	v45 =	vadd.f32 v34, v25;
	v21 =	vld [tilespmem:s10+$0x16440];
	[tilespmem:s11+$0x1A170] =	vst v33  }
0x32e: {  	v30 =	vmul.f32 $3.200000000e+01, v30;
	v32 =	vadd.f32 v32, v23;
	[tilespmem:s9+$0x1A170] =	vst v27;
	v46 =	vld [tilespmem:s13+$0x161F0]  }
0x32f: {  	v31 =	vmul.f32 $3.200000000e+01, v31;
	v29 =	vadd.f32 v29, v18;
	[tilespmem:s11+$0x1A180] =	vst v45;
	v48 =	vld [tilespmem:s10+$0x161F0]  }
0x330: {  	v27 =	vmul.f32 $3.200000000e+01, v47;
	v30 =	vadd.f32 v30, v11;
	[tilespmem:s11+$0x1A160] =	vst v32;
	v49 =	vld [tilespmem:s13+$0x16200]  }
0x331: {  	v20 =	vmul.f32 $3.200000000e+01, v20;
	v31 =	vadd.f32 v31, v12;
	[tilespmem:s11+$0x1A1A0] =	vst v29;
	v44 =	vld [tilespmem:s13+$0x161E0]  }
0x332: {  	v27 =	vadd.f32 v27, v19;
	v28 =	vmul.f32 $3.200000000e+01, v39;
	v51 =	vld [tilespmem:s13+$0x16220];
	[tilespmem:s11+$0x1A140] =	vst v30  }
0x333: {  	v20 =	vadd.f32 v20, v8;
	[tilespmem:s11+$0x1A150] =	vst v31;
	v30 =	vmul.f32 $3.200000000e+01, v41;
	v42 =	vld [tilespmem:s13+$0x161C0]  }
0x334: {  	[tilespmem:s9+$0x1A1E0] =	vst v27;
	v43 =	vld [tilespmem:s13+$0x161D0];
	v28 =	vadd.f32 v28, v24;
	v34 =	vmul.f32 $3.200000000e+01, v46  }
0x335: {  	v59 =	vld [tilespmem:s10+$0x16260];
	[tilespmem:s9+$0x1B250] =	vst v20;
	v30 =	vadd.f32 v30, v10;
	v26 =	vmul.f32 $3.200000000e+01, v48  }
0x336: {  	v20 =	vld [tilespmem:s10+$0x164D0];
	[tilespmem:s11+$0x1A190] =	vst v28;
	v28 =	vmul.f32 $3.200000000e+01, v49;
	v34 =	vadd.f32 v34, v22  }
0x337: {  	v50 =	vld [tilespmem:s13+$0x16210];
	v33 =	vmul.f32 $3.200000000e+01, v44;
	[tilespmem:s11+$0x1A1B0] =	vst v30;
	v26 =	vadd.f32 v26, v13  }
0x338: {  	v57 =	vmul.f32 $3.200000000e+01, v51;
	v52 =	vld [tilespmem:s13+$0x16230];
	v56 =	vadd.f32 v28, v25;
	[tilespmem:s11+$0x1A1F0] =	vst v34  }
0x339: {  	v31 =	vmul.f32 $3.200000000e+01, v42;
	v33 =	vadd.f32 v33, v23;
	[tilespmem:s9+$0x1A1F0] =	vst v26;
	v58 =	vld [tilespmem:s13+$0x16270]  }
0x33a: {  	v32 =	vmul.f32 $3.200000000e+01, v43;
	v28 =	vadd.f32 v57, v18;
	[tilespmem:s11+$0x1A200] =	vst v56;
	v60 =	vld [tilespmem:s10+$0x16270]  }
0x33b: {  	v26 =	vmul.f32 $3.200000000e+01, v59;
	v31 =	vadd.f32 v31, v11;
	[tilespmem:s11+$0x1A1E0] =	vst v33;
	v61 =	vld [tilespmem:s13+$0x16280]  }
0x33c: {  	v32 =	vadd.f32 v32, v12;
	[tilespmem:s11+$0x1A220] =	vst v28;
	v29 =	vmul.f32 $3.200000000e+01, v50;
	v55 =	vld [tilespmem:s13+$0x16260]  }
0x33d: {  	v26 =	vadd.f32 v26, v19;
	v63 =	vld [tilespmem:s13+$0x162A0];
	[tilespmem:s11+$0x1A1C0] =	vst v31;
	v31 =	vmul.f32 $3.200000000e+01, v52  }
0x33e: {  	v21 =	vmul.f32 $3.200000000e+01, v21;
	[tilespmem:s11+$0x1A1D0] =	vst v32;
	v53 =	vld [tilespmem:s13+$0x16240];
	v29 =	vadd.f32 v29, v24  }
0x33f: {  	[tilespmem:s9+$0x1A260] =	vst v26;
	v54 =	vld [tilespmem:s13+$0x16250];
	v31 =	vadd.f32 v31, v10;
	v30 =	vmul.f32 $3.200000000e+01, v58  }
0x340: {  	v21 =	vadd.f32 v21, v9;
	v42 =	vld [tilespmem:s10+$0x162E0];
	v27 =	vmul.f32 $3.200000000e+01, v60;
	[tilespmem:s11+$0x1A210] =	vst v29  }
0x341: {  	v29 =	vmul.f32 $3.200000000e+01, v61;
	v62 =	vld [tilespmem:s13+$0x16290];
	[tilespmem:s11+$0x1A230] =	vst v31;
	v30 =	vadd.f32 v30, v22  }
0x342: {  	[tilespmem:s9+$0x1B240] =	vst v21;
	v34 =	vmul.f32 $3.200000000e+01, v55;
	v27 =	vadd.f32 v27, v13;
	v36 =	vld [tilespmem:s13+$0x162B0]  }
0x343: {  	v52 =	vmul.f32 $3.200000000e+01, v14;
	v25 =	vadd.f32 v29, v25;
	v29 =	vld [tilespmem:s10+$0x164C0];
	[tilespmem:s11+$0x1A270] =	vst v30  }
0x344: {  	v55 =	vmul.f32 $3.200000000e+01, v16;
	v34 =	vadd.f32 v34, v23;
	[tilespmem:s9+$0x1A270] =	vst v27;
	v41 =	vld [tilespmem:s13+$0x162F0]  }
0x345: {  	v32 =	vmul.f32 $3.200000000e+01, v53;
	v33 =	vmul.f32 $3.200000000e+01, v54;
	v54 =	vadd.f32 v52, v4;
	[tilespmem:s11+$0x1A280] =	vst v25;
	v44 =	vld [tilespmem:s10+$0x162F0]  }
0x346: {  	v58 =	vadd.f32 v55, v6;
	[tilespmem:s11+$0x1A260] =	vst v34;
	v34 =	vld [tilespmem:s13+$0x16300]  }
0x347: {  	v53 =	vmul.f32 $3.200000000e+01, v15;
	v32 =	vadd.f32 v32, v11;
	[tilespmem:s9+$0x1B200] =	vst v54;
	v39 =	vld [tilespmem:s13+$0x162E0]  }
0x348: {  	v57 =	vmul.f32 $3.200000000e+01, v17;
	v33 =	vadd.f32 v33, v12;
	[tilespmem:s9+$0x1B220] =	vst v58;
	v59 =	vld [tilespmem:s10+$0x16480]  }
0x349: {  	v40 =	vmul.f32 $3.200000000e+01, v63;
	v56 =	vadd.f32 v53, v5;
	v63 =	vld [tilespmem:s10+$0x164A0];
	[tilespmem:s11+$0x1A240] =	vst v32  }
0x34a: {  	v60 =	vadd.f32 v57, v7;
	v28 =	vmul.f32 $3.200000000e+01, v62;
	v62 =	vmul.f32 $3.200000000e+01, v42;
	[tilespmem:s11+$0x1A250] =	vst v33;
	v37 =	vld [tilespmem:s13+$0x162C0]  }
0x34b: {  	[tilespmem:s9+$0x1B210] =	vst v56;
	v38 =	vld [tilespmem:s13+$0x162D0]  }
0x34c: {  	[tilespmem:s9+$0x1B230] =	vst v60;
	v43 =	vmul.f32 $3.200000000e+01, v36;
	v61 =	vld [tilespmem:s10+$0x16490];
	v19 =	vadd.f32 v62, v19  }
0x34d: {  	v24 =	vadd.f32 v28, v24;
	v28 =	vld [tilespmem:s10+$0x164B0];
	v25 =	vmul.f32 $3.200000000e+01, v44  }
0x34e: {  	v46 =	vadd.f32 v43, v10;
	v10 =	vld.idx.msk [tilespmem:v3+s5+$0x0 ss:$0x1], $0xffff;
	[tilespmem:s9+$0x1A2E0] =	vst v19  }
0x34f: {  	v30 =	vadd.f32 v25, v13;
	v13 =	vld.idx.msk [tilespmem:v3+s4+$0x60 ss:$0x1], $0xffff  }
0x350: {  	v51 =	vmul.f32 $3.200000000e+01, v41;
	[tilespmem:s11+$0x1A290] =	vst v24;
	v31 =	vld [tilespmem:s10+$0x16360]  }
0x351: {  	v18 =	vadd.f32 v40, v18;
	[tilespmem:s11+$0x1A2B0] =	vst v46;
	v36 =	vld [tilespmem:s13+$0x16310]  }
0x352: {  	v49 =	vmul.f32 $3.200000000e+01, v39;
	v22 =	vadd.f32 v51, v22;
	v14 =	vld.idx.msk [tilespmem:v3+s5+$0x30 ss:$0x1], $0xffff  }
0x353: {  	[tilespmem:s11+$0x1A2A0] =	vst v18;
	v40 =	vld [tilespmem:s13+$0x16330]  }
0x354: {  	v45 =	vmul.f32 $3.200000000e+01, v37;
	v47 =	vmul.f32 $3.200000000e+01, v38;
	v23 =	vadd.f32 v49, v23;
	[tilespmem:s11+$0x1A2F0] =	vst v22;
	v38 =	vld [tilespmem:s13+$0x16320]  }
0x355: {  	[tilespmem:s9+$0x1A2F0] =	vst v30;
	v18 =	vld.idx.msk [tilespmem:v3+s5+$0x70 ss:$0x1], $0xffff  }
0x356: {  	v19 =	vld.idx.msk [tilespmem:v3+s4+$0x70 ss:$0x1], $0xffff;
	v48 =	vadd.f32 v45, v11;
	[tilespmem:s11+$0x1A2E0] =	vst v23;
	v23 =	vmul.f32 $3.200000000e+01, v59  }
0x357: {  	v22 =	vmul.f32 $3.200000000e+01, v61;
	v33 =	vld [tilespmem:s10+$0x16370];
	v50 =	vadd.f32 v47, v12  }
0x358: {  	v32 =	vmul.f32 $3.200000000e+01, v63;
	v11 =	vld.idx.msk [tilespmem:v3+s5+$0x10 ss:$0x1], $0xffff;
	[tilespmem:s11+$0x1A2C0] =	vst v48;
	v4 =	vadd.f32 v23, v4  }
0x359: {  	v21 =	vmul.f32 $3.200000000e+01, v28;
	v12 =	vld.idx.msk [tilespmem:v3+s5+$0x20 ss:$0x1], $0xffff;
	v5 =	vadd.f32 v22, v5;
	[tilespmem:s11+$0x1A2D0] =	vst v50  }
0x35a: {  	v35 =	vmul.f32 $3.200000000e+01, v29;
	v17 =	vld.idx.msk [tilespmem:v3+s5+$0x60 ss:$0x1], $0xffff;
	[tilespmem:s9+$0x1B280] =	vst v4;
	v4 =	vadd.f32 v32, v6  }
0x35b: {  	v37 =	vmul.f32 $3.200000000e+01, v20;
	v46 =	vld [tilespmem:s13+$0x16360];
	[tilespmem:s9+$0x1B290] =	vst v5;
	v5 =	vadd.f32 v21, v7  }
0x35c: {  	v39 =	vmul.f32 $3.200000000e+01, v31;
	v48 =	vld [tilespmem:s13+$0x16370];
	[tilespmem:s9+$0x1B2A0] =	vst v4;
	v4 =	vadd.f32 v35, v9  }
0x35d: {  	v42 =	vld [tilespmem:s13+$0x16340];
	[tilespmem:s9+$0x1B2B0] =	vst v5;
	v5 =	vadd.f32 v37, v8;
	v41 =	vmul.f32 $3.200000000e+01, v33  }
0x35e: {  	v43 =	vmul.f32 $3.200000000e+01, v34;
	v44 =	vld [tilespmem:s13+$0x16350];
	[tilespmem:s9+$0x1B2C0] =	vst v4;
	v4 =	vadd.f32 v39, v13  }
0x35f: {  	v45 =	vmul.f32 $3.200000000e+01, v36;
	v15 =	vld.idx.msk [tilespmem:v3+s5+$0x40 ss:$0x1], $0xffff;
	[tilespmem:s9+$0x1B2D0] =	vst v5;
	v5 =	vadd.f32 v41, v19  }
0x360: {  	v16 =	vld.idx.msk [tilespmem:v3+s5+$0x50 ss:$0x1], $0xffff;
	v47 =	vmul.f32 $3.200000000e+01, v38;
	[tilespmem:s9+$0x1B160] =	vst v4;
	v4 =	vadd.f32 v43, v10  }
0x361: {  	v50 =	vmul.f32 $3.200000000e+01, v40;
	[tilespmem:s9+$0x1B170] =	vst v5;
	v5 =	vadd.f32 v45, v11;
	v49 =	vld [tilespmem:s10+$0x163E0]  }
0x362: {  	v52 =	vmul.f32 $3.200000000e+01, v42;
	v51 =	vld [tilespmem:s10+$0x163F0];
	[tilespmem:s11+$0x1B100] =	vst v4;
	v4 =	vadd.f32 v47, v12  }
0x363: {  	v54 =	vmul.f32 $3.200000000e+01, v44;
	[tilespmem:s11+$0x1B110] =	vst v5;
	v5 =	vadd.f32 v50, v14;
	v53 =	vld [tilespmem:s13+$0x16380]  }
0x364: {  	v56 =	vmul.f32 $3.200000000e+01, v46;
	v55 =	vld [tilespmem:s13+$0x16390];
	[tilespmem:s11+$0x1B120] =	vst v4;
	v4 =	vadd.f32 v52, v15  }
0x365: {  	v58 =	vmul.f32 $3.200000000e+01, v48;
	[tilespmem:s11+$0x1B130] =	vst v5;
	v5 =	vadd.f32 v54, v16;
	v57 =	vld [tilespmem:s13+$0x163A0]  }
0x366: {  	v60 =	vld [tilespmem:s13+$0x163B0];
	v59 =	vmul.f32 $3.200000000e+01, v49;
	[tilespmem:s11+$0x1B140] =	vst v4;
	v4 =	vadd.f32 v56, v17  }
0x367: {  	v61 =	vmul.f32 $3.200000000e+01, v51;
	[tilespmem:s11+$0x1B150] =	vst v5;
	v5 =	vadd.f32 v58, v18;
	v62 =	vld [tilespmem:s13+$0x163C0]  }
0x368: {  	v24 =	vld [tilespmem:s13+$0x163D0];
	v63 =	vadd.f32 v59, v13;
	v8 =	vmul.f32 $3.200000000e+01, v53;
	[tilespmem:s11+$0x1B160] =	vst v4  }
0x369: {  	v25 =	vmul.f32 $3.200000000e+01, v55;
	[tilespmem:s11+$0x1B170] =	vst v5;
	v4 =	vadd.f32 v61, v19;
	v26 =	vld [tilespmem:s13+$0x163E0]  }
0x36a: {  	v28 =	vld [tilespmem:s13+$0x163F0];
	[tilespmem:s9+$0x1B1E0] =	vst v63;
	v5 =	vadd.f32 v8, v10;
	v27 =	vmul.f32 $3.200000000e+01, v57  }
0x36b: {  	v30 =	vmul.f32 $3.200000000e+01, v60;
	[tilespmem:s9+$0x1B1F0] =	vst v4;
	v4 =	vadd.f32 v25, v11;
	v29 =	vld [tilespmem:s10+$0x16460]  }
0x36c: {  	v31 =	vld [tilespmem:s10+$0x16470];
	[tilespmem:s11+$0x1B180] =	vst v5;
	v5 =	vadd.f32 v27, v12;
	v32 =	vmul.f32 $3.200000000e+01, v62  }
0x36d: {  	v34 =	vmul.f32 $3.200000000e+01, v24;
	[tilespmem:s11+$0x1B190] =	vst v4;
	v4 =	vadd.f32 v30, v14;
	v33 =	vld [tilespmem:s13+$0x16400]  }
0x36e: {  	v35 =	vld [tilespmem:s13+$0x16410];
	[tilespmem:s11+$0x1B1A0] =	vst v5;
	v5 =	vadd.f32 v32, v15;
	v36 =	vmul.f32 $3.200000000e+01, v26  }
0x36f: {  	v38 =	vmul.f32 $3.200000000e+01, v28;
	[tilespmem:s11+$0x1B1B0] =	vst v4;
	v4 =	vadd.f32 v34, v16;
	v37 =	vld [tilespmem:s13+$0x16420]  }
0x370: {  	v40 =	vld [tilespmem:s13+$0x16430];
	v39 =	vmul.f32 $3.200000000e+01, v29;
	[tilespmem:s11+$0x1B1C0] =	vst v5;
	v5 =	vadd.f32 v36, v17  }
0x371: {  	v41 =	vmul.f32 $3.200000000e+01, v31;
	[tilespmem:s11+$0x1B1D0] =	vst v4;
	v4 =	vadd.f32 v38, v18;
	v42 =	vld [tilespmem:s13+$0x16440]  }
0x372: {  	v45 =	vld [tilespmem:s13+$0x16450];
	v43 =	vadd.f32 v39, v13;
	v44 =	vmul.f32 $3.200000000e+01, v33;
	[tilespmem:s11+$0x1B1E0] =	vst v5  }
0x373: {  	v5 =	vadd.f32 v41, v19;
	v46 =	vmul.f32 $3.200000000e+01, v35;
	[tilespmem:s11+$0x1B1F0] =	vst v4;
	v47 =	vld [tilespmem:s13+$0x16460]  }
0x374: {  	v49 =	vld [tilespmem:s13+$0x16470];
	[tilespmem:s9+$0x1B260] =	vst v43;
	v4 =	vadd.f32 v44, v10;
	v48 =	vmul.f32 $3.200000000e+01, v37  }
0x375: {  	[tilespmem:s9+$0x1B270] =	vst v5;
	v5 =	vadd.f32 v46, v11;
	v51 =	vmul.f32 $3.200000000e+01, v40;
	v50 =	vld [tilespmem:s10+$0x164E0]  }
0x376: {  	v52 =	vld [tilespmem:s10+$0x164F0];
	[tilespmem:s11+$0x1B200] =	vst v4;
	v4 =	vadd.f32 v48, v12;
	v53 =	vmul.f32 $3.200000000e+01, v42  }
0x377: {  	[tilespmem:s11+$0x1B210] =	vst v5;
	v7 =	vadd.f32 v51, v14;
	v9 =	vmul.f32 $3.200000000e+01, v45;
	v5 =	vld [tilespmem:s13+$0x16480]  }
0x378: {  	[tilespmem:s11+$0x1B220] =	vst v4;
	v4 =	vld [tilespmem:s13+$0x16490];
	v6 =	vadd.f32 v53, v15;
	v20 =	vmul.f32 $3.200000000e+01, v47  }
0x379: {  	[tilespmem:s11+$0x1B230] =	vst v7;
	v9 =	vadd.f32 v9, v16;
	v8 =	vmul.f32 $3.200000000e+01, v49;
	v54 =	vld [tilespmem:s13+$0x164A0]  }
0x37a: {  	v55 =	vld [tilespmem:s13+$0x164B0];
	v21 =	vmul.f32 $3.200000000e+01, v50;
	[tilespmem:s11+$0x1B240] =	vst v6;
	v20 =	vadd.f32 v20, v17  }
0x37b: {  	v22 =	vmul.f32 $3.200000000e+01, v52;
	[tilespmem:s11+$0x1B250] =	vst v9;
	v8 =	vadd.f32 v8, v18;
	v56 =	vld [tilespmem:s13+$0x164C0]  }
0x37c: {  	v57 =	vld [tilespmem:s13+$0x164D0];
	v13 =	vadd.f32 v21, v13;
	v5 =	vmul.f32 $3.200000000e+01, v5;
	[tilespmem:s11+$0x1B260] =	vst v20  }
0x37d: {  	v19 =	vadd.f32 v22, v19;
	[tilespmem:s11+$0x1B270] =	vst v8;
	v4 =	vmul.f32 $3.200000000e+01, v4;
	v58 =	vld [tilespmem:s13+$0x164E0]  }
0x37e: {  	v59 =	vld [tilespmem:s13+$0x164F0];
	[tilespmem:s9+$0x1B2E0] =	vst v13;
	v5 =	vadd.f32 v5, v10;
	v7 =	vmul.f32 $3.200000000e+01, v54  }
0x37f: {  	[tilespmem:s9+$0x1B2F0] =	vst v19;
	v6 =	vmul.f32 $3.200000000e+01, v55;
	v4 =	vadd.f32 v4, v11  }
0x380: {  	[tilespmem:s11+$0x1B280] =	vst v5;
	v5 =	vadd.f32 v7, v12;
	v60 =	vmul.f32 $3.200000000e+01, v56  }
0x381: {  	v61 =	vmul.f32 $3.200000000e+01, v57;
	[tilespmem:s11+$0x1B290] =	vst v4;
	v4 =	vadd.f32 v6, v14  }
0x382: {  	p1 =	slt.u32 s4, $0x300;
	[tilespmem:s11+$0x1B2A0] =	vst v5;
	v5 =	vadd.f32 v60, v15;
	v62 =	vmul.f32 $3.200000000e+01, v58  }
.Ltmp5:
0x383: {  	v63 =	vmul.f32 $3.200000000e+01, v59;
	[tilespmem:s11+$0x1B2B0] =	vst v4;
	v4 =	vadd.f32 v61, v16;
	(pc) =	sbr.rel @p1 .LBB2_9-.Ltmp5, $4  }
0x384: {  	[tilespmem:s11+$0x1B2C0] =	vst v5;
	v5 =	vadd.f32 v62, v17  }
0x385: {  	[tilespmem:s11+$0x1B2D0] =	vst v4;
	v4 =	vadd.f32 v63, v18  }
0x386: {  	s16 =	sadd.s32 $0x100, s4;
	[tilespmem:s11+$0x1B2E0] =	vst v5  }
0x387: {  	s4 =	smov.u32 s16;
	[tilespmem:s11+$0x1B2F0] =	vst v4  }
.Ltmp6:
0x388: {  	(pc) =	sbr.rel @p0 .LBB2_12-.Ltmp6, $4  }
0x389: {  	_ = 	snop  }
0x38a: {  	s1 =	sshll.u32 s1, $0xA  }
0x38b: {  	s1 =	sadd.s32 s1, s12  }
0x38c: {  	[hbm4b:s1+s3] =	stream.linear.scatter [tilespmem:s21], [sflag:$0x6], $0x2000, $0x38;
	[tilespmem:$0x1C100] =	vst v63  }
0x38d: {  	s1 =	sshll.u32 s28, $0x5  }
0x38e: {  	s1 =	sand.u32 $0x3FFFFFE0, s1  }
0x38f: {  	v2 =	vld.msk [tilespmem:s1+$0x38], $0xff;
	_ =	sdelay $0x4  }
0x390: {  	v3 =	vshll.u32 v2, $0x3  }
0x391: {  	v2 =	vand.u32 $0x7, v2;
	v3 =	vand.u32 $0xFFFFFFC0, v3  }
0x392: {  	v2 =	vor.u32 v2, v3  }
0x393: {  	v2 =	vperm.xlane v2, v0;
	_ =	sdelay $0x1  }
0x394: {  	v2 =	vadd.s32 v1, v2;
	_ =	sdelay $0x4  }
0x395: {  	[tilespmem:s29], [sflag:$0x4] =	stream.indirect_vreg.gather [hbm4b:s2+s3], $0x80, v2, vm0, $0xb8;
	[tilespmem:$0x1C100] =	vst v63  }
0x396: {  	_ = 	snop  }
0x397: {  	[tilespmem:s30], [sflag:$0x4] =	stream.indirect_vreg.gather [hbm4b:s6+s3], $0x80, v2, vm0, $0xb8;
	[tilespmem:$0x1C100] =	vst v63  }
.Ltmp7:
0x398: {  	_ = 	snop;
	(pc) =	sbr.rel .LBB2_2-.Ltmp7, $4  }
0x399: {  	_ = 	snop  }
0x39a: {  	[tilespmem:s31], [sflag:$0x4] =	stream.indirect_vreg.gather [hbm4b:s7+s3], $0x80, v2, vm0, $0xb8;
	[tilespmem:$0x1C100] =	vst v63  }
0x39b: {  	s28 =	sadd.s32 $0x1, s28  }
0x39c: {  	[tilespmem:s0], [sflag:$0x4] =	stream.indirect_vreg.gather [hbm4b:s8+s3], $0x80, v2, vm0, $0xb8;
	[tilespmem:$0x1C100] =	vst v63  }
.LBB2_13:
0x39d: {  	_ =	sfence.sel $0x180000  }
0x39e: {  	[bflag:$0x0] =	sbarrier.arrive $0xFFFF  }
0x39f: {  	_ =	strace $0x90000047  }
0x3a0: {  	s0 =	stileid.u32;
	[bflag:$0x2] =	sbarrier.arrive $0xFFFF  }
0x3a1: {  	p0 =	sne.s32 s0, $0x0;
	s0 =	rddreg [dreg:$0x4]  }
0x3a2: {  	s0 =	sadd.s32 @!p0 $0x100000, s0  }
0x3a3: {  	[sflag:s0] =	ssyncadd.tile.s32 @!p0 $0x1;
	_ =	shalt  }
.Lfunc_end2:
_tile_overlayer_lowered:
.L_overlay_start_2:
0x3a4: {  	(tag) =	ssettag $0x2  }
0x3a5: {  	s0 =	rddreg [dreg:$0x0];
	s2 =	stileid.u32  }
0x3a6: {  	s1 =	rddreg [dreg:$0x1];
	p0 =	sne.s32 s2, $0x0  }
0x3a7: {  	s3 =	rddreg [dreg:$0x2];
	[bflag:$0x3] =	sbarrier.arrive $0xFFFF;
	s2 =	simm.s32 @!p0 $0x1C08  }
0x3a8: {  	[timem:s3], [sflag:s2] =	dma.local @!p0 [hbm:s0], s1  }
0x3a9: {  	s0 =	simm.s32 @!p0 $0x8  }
0x3aa: {  	_ =	swait.ge @!p0 [sflag:s0], s1  }
0x3ab: {  	s1 =	ssub.s32 @!p0 $0x0, s1;
	[sflag:s0] =	ssyncset.done @!p0 $0x0  }
0x3ac: {  	[sflag:s0] =	ssyncadd.s32 @!p0 s1  }
0x3ad: {  	[bflag:$0x3] =	sbarrier.arrive $0xFFFF  }
0x3ae: {  	_ =	shalt  }

</sc_bundles>
